<compile_context>
chip_gen: v7x
topology: tpu7x:2x2x1
jax: 0.10.2.dev20260603
libtpu: 0.0.44.dev20260713+nightly
codegen_flags: <defaults>
</compile_context>

<pallas_src>
import functools

import jax
import jax.numpy as jnp
from jax import lax
from jax.experimental import pallas as pl
from jax.experimental.pallas import tpu as pltpu
from jax.experimental.pallas import tpu_sc as plsc

B = 16384
D = 32
CP = 20
CN = 100
C = CP + CN
NC, NS, L = 2, 16, 16
NW = NC * NS
BPW = B // NW
CB = 8
NCH = BPW // CB
NPOS = CB * CP
NNEG = CB * CN
CAND = NPOS + NNEG
NGN = 7
VOCAB_MAX = 999999


def _log_sigmoid(x):
    t = jnp.exp(-jnp.abs(x))
    s = t / (t + 2.0)
    s2 = s * s
    p = 1.0 + s2 * (0.33333334 + s2 * (0.2 + s2 * 0.14285715))
    return jnp.minimum(x, 0.0) - 2.0 * s * p


def _body(in_lbl, pos_lbl, neg_lbl, in_emb, out_emb, out,
          idxf_in0, idxf_in1, idxf_cand0, idxf_cand1,
          idx_in0, idx_in1, idx_cand0, idx_cand1,
          rows_in0, rows_in1, rows_cand0, rows_cand1,
          out_buf, dots, idx_sem0, idx_sem1, gat_sem0, gat_sem1):
    wid = lax.axis_index("s") * NC + lax.axis_index("c")
    b0 = wid * BPW

    idxf_in = (idxf_in0, idxf_in1)
    idxf_cand = (idxf_cand0, idxf_cand1)
    idx_in = (idx_in0, idx_in1)
    idx_cand = (idx_cand0, idx_cand1)
    rows_in = (rows_in0, rows_in1)
    rows_cand = (rows_cand0, rows_cand1)
    idx_sem = (idx_sem0, idx_sem1)
    gat_sem = (gat_sem0, gat_sem1)

    iota = lax.iota(jnp.int32, L)
    sgn1 = jnp.where(iota < CP - L, 1.0, -1.0)
    valid8 = iota < C - 7 * L
    lane_last = iota == L - 1
    cidx = tuple(jnp.full((L,), c, jnp.int32) for c in range(C))

    def issue_idx(ch, p):
        boff = b0 + ch * CB
        pltpu.make_async_copy(in_lbl.at[pl.ds(boff, CB)],
                              idxf_in[p].at[pl.ds(0, CB)], idx_sem[p]).start()
        pltpu.make_async_copy(pos_lbl.at[pl.ds(boff * CP, NPOS)],
                              idxf_cand[p].at[pl.ds(0, NPOS)], idx_sem[p]).start()
        pltpu.make_async_copy(neg_lbl.at[pl.ds(boff * CN, NNEG)],
                              idxf_cand[p].at[pl.ds(NPOS, NNEG)], idx_sem[p]).start()

    def wait_idx(ch, p):
        boff = b0 + ch * CB
        pltpu.make_async_copy(in_lbl.at[pl.ds(boff, CB)],
                              idxf_in[p].at[pl.ds(0, CB)], idx_sem[p]).wait()
        pltpu.make_async_copy(pos_lbl.at[pl.ds(boff * CP, NPOS)],
                              idxf_cand[p].at[pl.ds(0, NPOS)], idx_sem[p]).wait()
        pltpu.make_async_copy(neg_lbl.at[pl.ds(boff * CN, NNEG)],
                              idxf_cand[p].at[pl.ds(NPOS, NNEG)], idx_sem[p]).wait()

    def convert_idx(p):
        v = plsc.bitcast(idxf_in[p][...], jnp.int32)
        idx_in[p][...] = jnp.minimum(jnp.maximum(v, 0), VOCAB_MAX)
        for k in range(CAND // L):
            sl = pl.ds(k * L, L)
            idx_cand[p][sl] = plsc.bitcast(idxf_cand[p][sl], jnp.int32)

    def issue_gather(p):
        pltpu.make_async_copy(in_emb.at[idx_in[p]], rows_in[p], gat_sem[p]).start()
        pltpu.make_async_copy(out_emb.at[idx_cand[p]], rows_cand[p], gat_sem[p]).start()

    def wait_gather(p):
        pltpu.make_async_copy(in_emb.at[idx_in[p]], rows_in[p], gat_sem[p]).wait()
        pltpu.make_async_copy(out_emb.at[idx_cand[p]], rows_cand[p], gat_sem[p]).wait()

    def process(ch, p):
        rc = rows_cand[p]
        ri = rows_in[p]

        def per_b(bl, carry):
            iv0 = ri[bl, pl.ds(0, L)]
            iv1 = ri[bl, pl.ds(L, L)]
            pb = bl * CP
            nb = NPOS + bl * CN - CP

            @plsc.parallel_loop(0, C, 1, unroll=8)
            def _dot(c):
                row = jnp.where(c < CP, pb + c, nb + c)
                t = rc[row, pl.ds(0, L)] * iv0 + rc[row, pl.ds(L, L)] * iv1
                plsc.store_scatter(dots, [jnp.broadcast_to(c, (L,))],
                                   plsc.cumsum(t), mask=lane_last)
            total = _log_sigmoid(dots[pl.ds(0, L)])
            total = total + _log_sigmoid(dots[pl.ds(L, L)] * sgn1)
            for g in range(2, 7):
                total = total + _log_sigmoid(-dots[pl.ds(g * L, L)])
            total = total + jnp.where(
                valid8, _log_sigmoid(-dots[pl.ds(7 * L, L)]), 0.0)
            cs = jnp.cumsum(-total)
            oi = jnp.broadcast_to(ch * CB + bl, (L,))
            plsc.store_scatter(out_buf, [oi], cs, mask=lane_last)
            return carry

        lax.fori_loop(0, CB, per_b, 0)

    issue_idx(0, 0)
    issue_idx(1, 1)
    wait_idx(0, 0)
    convert_idx(0)
    issue_gather(0)

    def chunk_step(ch, p):
        q = 1 - p
        wait_gather(p)

        @pl.when(ch + 2 < NCH)
        def _():
            issue_idx(ch + 2, p)

        @pl.when(ch + 1 < NCH)
        def _():
            wait_idx(ch + 1, q)
            convert_idx(q)
            issue_gather(q)

        process(ch, p)

    def outer(j, carry):
        chunk_step(2 * j, 0)
        chunk_step(2 * j + 1, 1)
        return carry

    lax.fori_loop(0, NCH // 2, outer, 0)
    pltpu.sync_copy(out_buf, out.at[pl.ds(b0, BPW)])


@functools.partial(jax.jit)
def kernel(input_labels, pos_labels, neg_labels, in_embed, out_embed):
    in_f = lax.bitcast_convert_type(input_labels, jnp.float32)
    pos_flat = lax.bitcast_convert_type(pos_labels.reshape(B * CP), jnp.float32)
    neg_flat = lax.bitcast_convert_type(neg_labels.reshape(B * CN), jnp.float32)
    mesh = plsc.VectorSubcoreMesh(core_axis_name="c", subcore_axis_name="s")
    f = pl.kernel(
        _body,
        out_type=jax.ShapeDtypeStruct((B,), jnp.float32),
        mesh=mesh,
        scratch_types=[
            pltpu.VMEM((L,), jnp.float32), pltpu.VMEM((L,), jnp.float32),
            pltpu.VMEM((CAND,), jnp.float32), pltpu.VMEM((CAND,), jnp.float32),
            pltpu.VMEM((L,), jnp.int32), pltpu.VMEM((L,), jnp.int32),
            pltpu.VMEM((CAND,), jnp.int32), pltpu.VMEM((CAND,), jnp.int32),
            pltpu.VMEM((L, D), jnp.float32), pltpu.VMEM((L, D), jnp.float32),
            pltpu.VMEM((CAND, D), jnp.float32), pltpu.VMEM((CAND, D), jnp.float32),
            pltpu.VMEM((BPW,), jnp.float32),
            pltpu.VMEM((8 * L,), jnp.float32),
            pltpu.SemaphoreType.DMA, pltpu.SemaphoreType.DMA,
            pltpu.SemaphoreType.DMA, pltpu.SemaphoreType.DMA,
        ],
        compiler_params=pltpu.CompilerParams(
            use_tc_tiling_on_sc=False, needs_layout_passes=False),
    )
    return f(in_f, pos_flat, neg_flat, in_embed, out_embed)

# --- scband reference (transcript-rebuilt; emitter-appended) ---
"""Pipeline reference for scband-embedding-model-39127152067030 (READ-ONLY COPY).

The authoritative reference and input builder live on the scoring server;
editing this copy changes nothing except your own understanding.
"""

import jax, jax.numpy as jnp
import numpy as np

VOCAB = 1000000
EMBED = 32
BATCH = 16384
POS_C = 20
NEG_C = 100


def setup_inputs(seed: int = 0) -> dict:
    key = jax.random.key(seed)
    k1, k2, k3, k4, k5 = jax.random.split(key, 5)
    input_labels = jax.random.randint(k1, (BATCH,), 0, VOCAB, dtype=jnp.int64 if jax.config.jax_enable_x64 else jnp.int32).astype(jnp.int32)
    pos_labels = jax.random.randint(k2, (BATCH, POS_C), 0, VOCAB).astype(jnp.int32)
    neg_labels = jax.random.randint(k3, (BATCH, NEG_C), 0, VOCAB).astype(jnp.int32)
    # learned parameters: two embedding tables (in_embed, out_embed), default nn.Embedding init ~ N(0,1)
    in_embed = jax.random.normal(k4, (VOCAB, EMBED), dtype=jnp.float32)
    out_embed = jax.random.normal(k5, (VOCAB, EMBED), dtype=jnp.float32)
    return {
        "input_labels": input_labels,
        "pos_labels": pos_labels,
        "neg_labels": neg_labels,
        "in_embed": in_embed,
        "out_embed": out_embed,
    }


def reference(input_labels, pos_labels, neg_labels, in_embed, out_embed):
    # in_embed(input_labels): [B, D]
    input_embedding = jnp.take(in_embed, input_labels, axis=0)
    # out_embed(pos_labels): [B, C_pos, D]
    pos_embedding = jnp.take(out_embed, pos_labels, axis=0)
    # out_embed(neg_labels): [B, C_neg, D]
    neg_embedding = jnp.take(out_embed, neg_labels, axis=0)
    # bmm(pos_embedding, input_embedding.unsqueeze(2)).squeeze() -> [B, C_pos]
    pos_dot = jnp.einsum('bcd,bd->bc', pos_embedding, input_embedding)
    # bmm(neg_embedding, -input_embedding.unsqueeze(2)).squeeze() -> [B, C_neg]
    neg_dot = jnp.einsum('bcd,bd->bc', neg_embedding, -input_embedding)
    log_pos = jax.nn.log_sigmoid(pos_dot).sum(axis=1)
    log_neg = jax.nn.log_sigmoid(neg_dot).sum(axis=1)
    loss = log_pos + log_neg
    return -loss

if __name__ == "__main__":
    import jax
    _d = setup_inputs()
    print(jax.jit(kernel)(*tuple(_d.values())))

</pallas_src>

<mosaic_0001>
#map = affine_map<(d0, d1) -> (0)>
#map1 = affine_map<(d0, d1) -> (0, 0)>
module attributes {stable_mosaic.version = 14 : i64} {
  func.func @_body(%arg0: i32, %arg1: i32, %arg2: memref<16384xf32, #tpu.memory_space<hbm>>, %arg3: memref<327680xf32, #tpu.memory_space<hbm>>, %arg4: memref<1638400xf32, #tpu.memory_space<hbm>>, %arg5: memref<1000000x32xf32, #tpu.memory_space<hbm>>, %arg6: memref<1000000x32xf32, #tpu.memory_space<hbm>>, %arg7: memref<16384xf32, #tpu.memory_space<hbm>>, %arg8: memref<16xf32, #tpu.memory_space<vmem>>, %arg9: memref<16xf32, #tpu.memory_space<vmem>>, %arg10: memref<960xf32, #tpu.memory_space<vmem>>, %arg11: memref<960xf32, #tpu.memory_space<vmem>>, %arg12: memref<16xi32, #tpu.memory_space<vmem>>, %arg13: memref<16xi32, #tpu.memory_space<vmem>>, %arg14: memref<960xi32, #tpu.memory_space<vmem>>, %arg15: memref<960xi32, #tpu.memory_space<vmem>>, %arg16: memref<16x32xf32, #tpu.memory_space<vmem>>, %arg17: memref<16x32xf32, #tpu.memory_space<vmem>>, %arg18: memref<960x32xf32, #tpu.memory_space<vmem>>, %arg19: memref<960x32xf32, #tpu.memory_space<vmem>>, %arg20: memref<512xf32, #tpu.memory_space<vmem>>, %arg21: memref<128xf32, #tpu.memory_space<vmem>>, %arg22: memref<!tpu.dma_semaphore, #tpu.memory_space<semaphore_mem>>, %arg23: memref<!tpu.dma_semaphore, #tpu.memory_space<semaphore_mem>>, %arg24: memref<!tpu.dma_semaphore, #tpu.memory_space<semaphore_mem>>, %arg25: memref<!tpu.dma_semaphore, #tpu.memory_space<semaphore_mem>>) attributes {dimension_semantics = [#tpu.dimension_semantics<core_parallel>, #tpu.dimension_semantics<subcore_parallel>], iteration_bounds = array<i64: 2, 16>, scalar_prefetch = 0 : i64, scratch_operands = 18 : i64, tpu.core_type = #tpu.core_type<sc_vector_subcore>, window_params = [{transform_indices = #map}, {transform_indices = #map}, {transform_indices = #map}, {transform_indices = #map1}, {transform_indices = #map1}, {transform_indices = #map}]} {
    %mul3A = arith.constant 2 : i32
    %mul3A_0 = arith.muli %arg1, %mul3A : i32
    %add3A = arith.addi %mul3A_0, %arg0 : i32
    %mul3A_1 = arith.constant 512 : i32
    %mul3A_2 = arith.muli %add3A, %mul3A_1 : i32
    %iota3A = tpu.iota {dimensions = array<i32: 0>} : vector<16xi32>
    %lt3A = arith.constant 4 : i32
    %lt3A_3 = vector.broadcast %lt3A : i32 to vector<16xi32>
    %lt3A_4 = arith.cmpi slt, %iota3A, %lt3A_3 : vector<16xi32>
    %jit3A = arith.constant 1.000000e+00 : f32
    %jit3A_5 = arith.constant -1.000000e+00 : f32
    %broadcast_in_dim3A = vector.broadcast %jit3A : f32 to vector<16xf32>
    %broadcast_in_dim3A_6 = vector.broadcast %jit3A_5 : f32 to vector<16xf32>
    %select_n3A = arith.select %lt3A_4, %broadcast_in_dim3A, %broadcast_in_dim3A_6 : vector<16xi1>, vector<16xf32>
    %lt3A_7 = arith.constant 8 : i32
    %lt3A_8 = vector.broadcast %lt3A_7 : i32 to vector<16xi32>
    %lt3A_9 = arith.cmpi slt, %iota3A, %lt3A_8 : vector<16xi32>
    %eq3A = arith.constant 15 : i32
    %eq3A_10 = vector.broadcast %eq3A : i32 to vector<16xi32>
    %eq3A_11 = arith.cmpi eq, %iota3A, %eq3A_10 : vector<16xi32>
    %broadcast_in_dim3A_12 = arith.constant 0 : i32
    %broadcast_in_dim3A_13 = vector.broadcast %broadcast_in_dim3A_12 : i32 to vector<16xi32>
    %broadcast_in_dim3A_14 = arith.constant 1 : i32
    %broadcast_in_dim3A_15 = vector.broadcast %broadcast_in_dim3A_14 : i32 to vector<16xi32>
    %broadcast_in_dim3A_16 = arith.constant 2 : i32
    %broadcast_in_dim3A_17 = vector.broadcast %broadcast_in_dim3A_16 : i32 to vector<16xi32>
    %broadcast_in_dim3A_18 = arith.constant 3 : i32
    %broadcast_in_dim3A_19 = vector.broadcast %broadcast_in_dim3A_18 : i32 to vector<16xi32>
    %broadcast_in_dim3A_20 = arith.constant 4 : i32
    %broadcast_in_dim3A_21 = vector.broadcast %broadcast_in_dim3A_20 : i32 to vector<16xi32>
    %broadcast_in_dim3A_22 = arith.constant 5 : i32
    %broadcast_in_dim3A_23 = vector.broadcast %broadcast_in_dim3A_22 : i32 to vector<16xi32>
    %broadcast_in_dim3A_24 = arith.constant 6 : i32
    %broadcast_in_dim3A_25 = vector.broadcast %broadcast_in_dim3A_24 : i32 to vector<16xi32>
    %broadcast_in_dim3A_26 = arith.constant 7 : i32
    %broadcast_in_dim3A_27 = vector.broadcast %broadcast_in_dim3A_26 : i32 to vector<16xi32>
    %broadcast_in_dim3A_28 = arith.constant 8 : i32
    %broadcast_in_dim3A_29 = vector.broadcast %broadcast_in_dim3A_28 : i32 to vector<16xi32>
    %broadcast_in_dim3A_30 = arith.constant 9 : i32
    %broadcast_in_dim3A_31 = vector.broadcast %broadcast_in_dim3A_30 : i32 to vector<16xi32>
    %broadcast_in_dim3A_32 = arith.constant 10 : i32
    %broadcast_in_dim3A_33 = vector.broadcast %broadcast_in_dim3A_32 : i32 to vector<16xi32>
    %broadcast_in_dim3A_34 = arith.constant 11 : i32
    %broadcast_in_dim3A_35 = vector.broadcast %broadcast_in_dim3A_34 : i32 to vector<16xi32>
    %broadcast_in_dim3A_36 = arith.constant 12 : i32
    %broadcast_in_dim3A_37 = vector.broadcast %broadcast_in_dim3A_36 : i32 to vector<16xi32>
    %broadcast_in_dim3A_38 = arith.constant 13 : i32
    %broadcast_in_dim3A_39 = vector.broadcast %broadcast_in_dim3A_38 : i32 to vector<16xi32>
    %broadcast_in_dim3A_40 = arith.constant 14 : i32
    %broadcast_in_dim3A_41 = vector.broadcast %broadcast_in_dim3A_40 : i32 to vector<16xi32>
    %broadcast_in_dim3A_42 = arith.constant 15 : i32
    %broadcast_in_dim3A_43 = vector.broadcast %broadcast_in_dim3A_42 : i32 to vector<16xi32>
    %broadcast_in_dim3A_44 = arith.constant 16 : i32
    %broadcast_in_dim3A_45 = vector.broadcast %broadcast_in_dim3A_44 : i32 to vector<16xi32>
    %broadcast_in_dim3A_46 = arith.constant 17 : i32
    %broadcast_in_dim3A_47 = vector.broadcast %broadcast_in_dim3A_46 : i32 to vector<16xi32>
    %broadcast_in_dim3A_48 = arith.constant 18 : i32
    %broadcast_in_dim3A_49 = vector.broadcast %broadcast_in_dim3A_48 : i32 to vector<16xi32>
    %broadcast_in_dim3A_50 = arith.constant 19 : i32
    %broadcast_in_dim3A_51 = vector.broadcast %broadcast_in_dim3A_50 : i32 to vector<16xi32>
    %broadcast_in_dim3A_52 = arith.constant 20 : i32
    %broadcast_in_dim3A_53 = vector.broadcast %broadcast_in_dim3A_52 : i32 to vector<16xi32>
    %broadcast_in_dim3A_54 = arith.constant 21 : i32
    %broadcast_in_dim3A_55 = vector.broadcast %broadcast_in_dim3A_54 : i32 to vector<16xi32>
    %broadcast_in_dim3A_56 = arith.constant 22 : i32
    %broadcast_in_dim3A_57 = vector.broadcast %broadcast_in_dim3A_56 : i32 to vector<16xi32>
    %broadcast_in_dim3A_58 = arith.constant 23 : i32
    %broadcast_in_dim3A_59 = vector.broadcast %broadcast_in_dim3A_58 : i32 to vector<16xi32>
    %broadcast_in_dim3A_60 = arith.constant 24 : i32
    %broadcast_in_dim3A_61 = vector.broadcast %broadcast_in_dim3A_60 : i32 to vector<16xi32>
    %broadcast_in_dim3A_62 = arith.constant 25 : i32
    %broadcast_in_dim3A_63 = vector.broadcast %broadcast_in_dim3A_62 : i32 to vector<16xi32>
    %broadcast_in_dim3A_64 = arith.constant 26 : i32
    %broadcast_in_dim3A_65 = vector.broadcast %broadcast_in_dim3A_64 : i32 to vector<16xi32>
    %broadcast_in_dim3A_66 = arith.constant 27 : i32
    %broadcast_in_dim3A_67 = vector.broadcast %broadcast_in_dim3A_66 : i32 to vector<16xi32>
    %broadcast_in_dim3A_68 = arith.constant 28 : i32
    %broadcast_in_dim3A_69 = vector.broadcast %broadcast_in_dim3A_68 : i32 to vector<16xi32>
    %broadcast_in_dim3A_70 = arith.constant 29 : i32
    %broadcast_in_dim3A_71 = vector.broadcast %broadcast_in_dim3A_70 : i32 to vector<16xi32>
    %broadcast_in_dim3A_72 = arith.constant 30 : i32
    %broadcast_in_dim3A_73 = vector.broadcast %broadcast_in_dim3A_72 : i32 to vector<16xi32>
    %broadcast_in_dim3A_74 = arith.constant 31 : i32
    %broadcast_in_dim3A_75 = vector.broadcast %broadcast_in_dim3A_74 : i32 to vector<16xi32>
    %broadcast_in_dim3A_76 = arith.constant 32 : i32
    %broadcast_in_dim3A_77 = vector.broadcast %broadcast_in_dim3A_76 : i32 to vector<16xi32>
    %broadcast_in_dim3A_78 = arith.constant 33 : i32
    %broadcast_in_dim3A_79 = vector.broadcast %broadcast_in_dim3A_78 : i32 to vector<16xi32>
    %broadcast_in_dim3A_80 = arith.constant 34 : i32
    %broadcast_in_dim3A_81 = vector.broadcast %broadcast_in_dim3A_80 : i32 to vector<16xi32>
    %broadcast_in_dim3A_82 = arith.constant 35 : i32
    %broadcast_in_dim3A_83 = vector.broadcast %broadcast_in_dim3A_82 : i32 to vector<16xi32>
    %broadcast_in_dim3A_84 = arith.constant 36 : i32
    %broadcast_in_dim3A_85 = vector.broadcast %broadcast_in_dim3A_84 : i32 to vector<16xi32>
    %broadcast_in_dim3A_86 = arith.constant 37 : i32
    %broadcast_in_dim3A_87 = vector.broadcast %broadcast_in_dim3A_86 : i32 to vector<16xi32>
    %broadcast_in_dim3A_88 = arith.constant 38 : i32
    %broadcast_in_dim3A_89 = vector.broadcast %broadcast_in_dim3A_88 : i32 to vector<16xi32>
    %broadcast_in_dim3A_90 = arith.constant 39 : i32
    %broadcast_in_dim3A_91 = vector.broadcast %broadcast_in_dim3A_90 : i32 to vector<16xi32>
    %broadcast_in_dim3A_92 = arith.constant 40 : i32
    %broadcast_in_dim3A_93 = vector.broadcast %broadcast_in_dim3A_92 : i32 to vector<16xi32>
    %broadcast_in_dim3A_94 = arith.constant 41 : i32
    %broadcast_in_dim3A_95 = vector.broadcast %broadcast_in_dim3A_94 : i32 to vector<16xi32>
    %broadcast_in_dim3A_96 = arith.constant 42 : i32
    %broadcast_in_dim3A_97 = vector.broadcast %broadcast_in_dim3A_96 : i32 to vector<16xi32>
    %broadcast_in_dim3A_98 = arith.constant 43 : i32
    %broadcast_in_dim3A_99 = vector.broadcast %broadcast_in_dim3A_98 : i32 to vector<16xi32>
    %broadcast_in_dim3A_100 = arith.constant 44 : i32
    %broadcast_in_dim3A_101 = vector.broadcast %broadcast_in_dim3A_100 : i32 to vector<16xi32>
    %broadcast_in_dim3A_102 = arith.constant 45 : i32
    %broadcast_in_dim3A_103 = vector.broadcast %broadcast_in_dim3A_102 : i32 to vector<16xi32>
    %broadcast_in_dim3A_104 = arith.constant 46 : i32
    %broadcast_in_dim3A_105 = vector.broadcast %broadcast_in_dim3A_104 : i32 to vector<16xi32>
    %broadcast_in_dim3A_106 = arith.constant 47 : i32
    %broadcast_in_dim3A_107 = vector.broadcast %broadcast_in_dim3A_106 : i32 to vector<16xi32>
    %broadcast_in_dim3A_108 = arith.constant 48 : i32
    %broadcast_in_dim3A_109 = vector.broadcast %broadcast_in_dim3A_108 : i32 to vector<16xi32>
    %broadcast_in_dim3A_110 = arith.constant 49 : i32
    %broadcast_in_dim3A_111 = vector.broadcast %broadcast_in_dim3A_110 : i32 to vector<16xi32>
    %broadcast_in_dim3A_112 = arith.constant 50 : i32
    %broadcast_in_dim3A_113 = vector.broadcast %broadcast_in_dim3A_112 : i32 to vector<16xi32>
    %broadcast_in_dim3A_114 = arith.constant 51 : i32
    %broadcast_in_dim3A_115 = vector.broadcast %broadcast_in_dim3A_114 : i32 to vector<16xi32>
    %broadcast_in_dim3A_116 = arith.constant 52 : i32
    %broadcast_in_dim3A_117 = vector.broadcast %broadcast_in_dim3A_116 : i32 to vector<16xi32>
    %broadcast_in_dim3A_118 = arith.constant 53 : i32
    %broadcast_in_dim3A_119 = vector.broadcast %broadcast_in_dim3A_118 : i32 to vector<16xi32>
    %broadcast_in_dim3A_120 = arith.constant 54 : i32
    %broadcast_in_dim3A_121 = vector.broadcast %broadcast_in_dim3A_120 : i32 to vector<16xi32>
    %broadcast_in_dim3A_122 = arith.constant 55 : i32
    %broadcast_in_dim3A_123 = vector.broadcast %broadcast_in_dim3A_122 : i32 to vector<16xi32>
    %broadcast_in_dim3A_124 = arith.constant 56 : i32
    %broadcast_in_dim3A_125 = vector.broadcast %broadcast_in_dim3A_124 : i32 to vector<16xi32>
    %broadcast_in_dim3A_126 = arith.constant 57 : i32
    %broadcast_in_dim3A_127 = vector.broadcast %broadcast_in_dim3A_126 : i32 to vector<16xi32>
    %broadcast_in_dim3A_128 = arith.constant 58 : i32
    %broadcast_in_dim3A_129 = vector.broadcast %broadcast_in_dim3A_128 : i32 to vector<16xi32>
    %broadcast_in_dim3A_130 = arith.constant 59 : i32
    %broadcast_in_dim3A_131 = vector.broadcast %broadcast_in_dim3A_130 : i32 to vector<16xi32>
    %broadcast_in_dim3A_132 = arith.constant 60 : i32
    %broadcast_in_dim3A_133 = vector.broadcast %broadcast_in_dim3A_132 : i32 to vector<16xi32>
    %broadcast_in_dim3A_134 = arith.constant 61 : i32
    %broadcast_in_dim3A_135 = vector.broadcast %broadcast_in_dim3A_134 : i32 to vector<16xi32>
    %broadcast_in_dim3A_136 = arith.constant 62 : i32
    %broadcast_in_dim3A_137 = vector.broadcast %broadcast_in_dim3A_136 : i32 to vector<16xi32>
    %broadcast_in_dim3A_138 = arith.constant 63 : i32
    %broadcast_in_dim3A_139 = vector.broadcast %broadcast_in_dim3A_138 : i32 to vector<16xi32>
    %broadcast_in_dim3A_140 = arith.constant 64 : i32
    %broadcast_in_dim3A_141 = vector.broadcast %broadcast_in_dim3A_140 : i32 to vector<16xi32>
    %broadcast_in_dim3A_142 = arith.constant 65 : i32
    %broadcast_in_dim3A_143 = vector.broadcast %broadcast_in_dim3A_142 : i32 to vector<16xi32>
    %broadcast_in_dim3A_144 = arith.constant 66 : i32
    %broadcast_in_dim3A_145 = vector.broadcast %broadcast_in_dim3A_144 : i32 to vector<16xi32>
    %broadcast_in_dim3A_146 = arith.constant 67 : i32
    %broadcast_in_dim3A_147 = vector.broadcast %broadcast_in_dim3A_146 : i32 to vector<16xi32>
    %broadcast_in_dim3A_148 = arith.constant 68 : i32
    %broadcast_in_dim3A_149 = vector.broadcast %broadcast_in_dim3A_148 : i32 to vector<16xi32>
    %broadcast_in_dim3A_150 = arith.constant 69 : i32
    %broadcast_in_dim3A_151 = vector.broadcast %broadcast_in_dim3A_150 : i32 to vector<16xi32>
    %broadcast_in_dim3A_152 = arith.constant 70 : i32
    %broadcast_in_dim3A_153 = vector.broadcast %broadcast_in_dim3A_152 : i32 to vector<16xi32>
    %broadcast_in_dim3A_154 = arith.constant 71 : i32
    %broadcast_in_dim3A_155 = vector.broadcast %broadcast_in_dim3A_154 : i32 to vector<16xi32>
    %broadcast_in_dim3A_156 = arith.constant 72 : i32
    %broadcast_in_dim3A_157 = vector.broadcast %broadcast_in_dim3A_156 : i32 to vector<16xi32>
    %broadcast_in_dim3A_158 = arith.constant 73 : i32
    %broadcast_in_dim3A_159 = vector.broadcast %broadcast_in_dim3A_158 : i32 to vector<16xi32>
    %broadcast_in_dim3A_160 = arith.constant 74 : i32
    %broadcast_in_dim3A_161 = vector.broadcast %broadcast_in_dim3A_160 : i32 to vector<16xi32>
    %broadcast_in_dim3A_162 = arith.constant 75 : i32
    %broadcast_in_dim3A_163 = vector.broadcast %broadcast_in_dim3A_162 : i32 to vector<16xi32>
    %broadcast_in_dim3A_164 = arith.constant 76 : i32
    %broadcast_in_dim3A_165 = vector.broadcast %broadcast_in_dim3A_164 : i32 to vector<16xi32>
    %broadcast_in_dim3A_166 = arith.constant 77 : i32
    %broadcast_in_dim3A_167 = vector.broadcast %broadcast_in_dim3A_166 : i32 to vector<16xi32>
    %broadcast_in_dim3A_168 = arith.constant 78 : i32
    %broadcast_in_dim3A_169 = vector.broadcast %broadcast_in_dim3A_168 : i32 to vector<16xi32>
    %broadcast_in_dim3A_170 = arith.constant 79 : i32
    %broadcast_in_dim3A_171 = vector.broadcast %broadcast_in_dim3A_170 : i32 to vector<16xi32>
    %broadcast_in_dim3A_172 = arith.constant 80 : i32
    %broadcast_in_dim3A_173 = vector.broadcast %broadcast_in_dim3A_172 : i32 to vector<16xi32>
    %broadcast_in_dim3A_174 = arith.constant 81 : i32
    %broadcast_in_dim3A_175 = vector.broadcast %broadcast_in_dim3A_174 : i32 to vector<16xi32>
    %broadcast_in_dim3A_176 = arith.constant 82 : i32
    %broadcast_in_dim3A_177 = vector.broadcast %broadcast_in_dim3A_176 : i32 to vector<16xi32>
    %broadcast_in_dim3A_178 = arith.constant 83 : i32
    %broadcast_in_dim3A_179 = vector.broadcast %broadcast_in_dim3A_178 : i32 to vector<16xi32>
    %broadcast_in_dim3A_180 = arith.constant 84 : i32
    %broadcast_in_dim3A_181 = vector.broadcast %broadcast_in_dim3A_180 : i32 to vector<16xi32>
    %broadcast_in_dim3A_182 = arith.constant 85 : i32
    %broadcast_in_dim3A_183 = vector.broadcast %broadcast_in_dim3A_182 : i32 to vector<16xi32>
    %broadcast_in_dim3A_184 = arith.constant 86 : i32
    %broadcast_in_dim3A_185 = vector.broadcast %broadcast_in_dim3A_184 : i32 to vector<16xi32>
    %broadcast_in_dim3A_186 = arith.constant 87 : i32
    %broadcast_in_dim3A_187 = vector.broadcast %broadcast_in_dim3A_186 : i32 to vector<16xi32>
    %broadcast_in_dim3A_188 = arith.constant 88 : i32
    %broadcast_in_dim3A_189 = vector.broadcast %broadcast_in_dim3A_188 : i32 to vector<16xi32>
    %broadcast_in_dim3A_190 = arith.constant 89 : i32
    %broadcast_in_dim3A_191 = vector.broadcast %broadcast_in_dim3A_190 : i32 to vector<16xi32>
    %broadcast_in_dim3A_192 = arith.constant 90 : i32
    %broadcast_in_dim3A_193 = vector.broadcast %broadcast_in_dim3A_192 : i32 to vector<16xi32>
    %broadcast_in_dim3A_194 = arith.constant 91 : i32
    %broadcast_in_dim3A_195 = vector.broadcast %broadcast_in_dim3A_194 : i32 to vector<16xi32>
    %broadcast_in_dim3A_196 = arith.constant 92 : i32
    %broadcast_in_dim3A_197 = vector.broadcast %broadcast_in_dim3A_196 : i32 to vector<16xi32>
    %broadcast_in_dim3A_198 = arith.constant 93 : i32
    %broadcast_in_dim3A_199 = vector.broadcast %broadcast_in_dim3A_198 : i32 to vector<16xi32>
    %broadcast_in_dim3A_200 = arith.constant 94 : i32
    %broadcast_in_dim3A_201 = vector.broadcast %broadcast_in_dim3A_200 : i32 to vector<16xi32>
    %broadcast_in_dim3A_202 = arith.constant 95 : i32
    %broadcast_in_dim3A_203 = vector.broadcast %broadcast_in_dim3A_202 : i32 to vector<16xi32>
    %broadcast_in_dim3A_204 = arith.constant 96 : i32
    %broadcast_in_dim3A_205 = vector.broadcast %broadcast_in_dim3A_204 : i32 to vector<16xi32>
    %broadcast_in_dim3A_206 = arith.constant 97 : i32
    %broadcast_in_dim3A_207 = vector.broadcast %broadcast_in_dim3A_206 : i32 to vector<16xi32>
    %broadcast_in_dim3A_208 = arith.constant 98 : i32
    %broadcast_in_dim3A_209 = vector.broadcast %broadcast_in_dim3A_208 : i32 to vector<16xi32>
    %broadcast_in_dim3A_210 = arith.constant 99 : i32
    %broadcast_in_dim3A_211 = vector.broadcast %broadcast_in_dim3A_210 : i32 to vector<16xi32>
    %broadcast_in_dim3A_212 = arith.constant 100 : i32
    %broadcast_in_dim3A_213 = vector.broadcast %broadcast_in_dim3A_212 : i32 to vector<16xi32>
    %broadcast_in_dim3A_214 = arith.constant 101 : i32
    %broadcast_in_dim3A_215 = vector.broadcast %broadcast_in_dim3A_214 : i32 to vector<16xi32>
    %broadcast_in_dim3A_216 = arith.constant 102 : i32
    %broadcast_in_dim3A_217 = vector.broadcast %broadcast_in_dim3A_216 : i32 to vector<16xi32>
    %broadcast_in_dim3A_218 = arith.constant 103 : i32
    %broadcast_in_dim3A_219 = vector.broadcast %broadcast_in_dim3A_218 : i32 to vector<16xi32>
    %broadcast_in_dim3A_220 = arith.constant 104 : i32
    %broadcast_in_dim3A_221 = vector.broadcast %broadcast_in_dim3A_220 : i32 to vector<16xi32>
    %broadcast_in_dim3A_222 = arith.constant 105 : i32
    %broadcast_in_dim3A_223 = vector.broadcast %broadcast_in_dim3A_222 : i32 to vector<16xi32>
    %broadcast_in_dim3A_224 = arith.constant 106 : i32
    %broadcast_in_dim3A_225 = vector.broadcast %broadcast_in_dim3A_224 : i32 to vector<16xi32>
    %broadcast_in_dim3A_226 = arith.constant 107 : i32
    %broadcast_in_dim3A_227 = vector.broadcast %broadcast_in_dim3A_226 : i32 to vector<16xi32>
    %broadcast_in_dim3A_228 = arith.constant 108 : i32
    %broadcast_in_dim3A_229 = vector.broadcast %broadcast_in_dim3A_228 : i32 to vector<16xi32>
    %broadcast_in_dim3A_230 = arith.constant 109 : i32
    %broadcast_in_dim3A_231 = vector.broadcast %broadcast_in_dim3A_230 : i32 to vector<16xi32>
    %broadcast_in_dim3A_232 = arith.constant 110 : i32
    %broadcast_in_dim3A_233 = vector.broadcast %broadcast_in_dim3A_232 : i32 to vector<16xi32>
    %broadcast_in_dim3A_234 = arith.constant 111 : i32
    %broadcast_in_dim3A_235 = vector.broadcast %broadcast_in_dim3A_234 : i32 to vector<16xi32>
    %broadcast_in_dim3A_236 = arith.constant 112 : i32
    %broadcast_in_dim3A_237 = vector.broadcast %broadcast_in_dim3A_236 : i32 to vector<16xi32>
    %broadcast_in_dim3A_238 = arith.constant 113 : i32
    %broadcast_in_dim3A_239 = vector.broadcast %broadcast_in_dim3A_238 : i32 to vector<16xi32>
    %broadcast_in_dim3A_240 = arith.constant 114 : i32
    %broadcast_in_dim3A_241 = vector.broadcast %broadcast_in_dim3A_240 : i32 to vector<16xi32>
    %broadcast_in_dim3A_242 = arith.constant 115 : i32
    %broadcast_in_dim3A_243 = vector.broadcast %broadcast_in_dim3A_242 : i32 to vector<16xi32>
    %broadcast_in_dim3A_244 = arith.constant 116 : i32
    %broadcast_in_dim3A_245 = vector.broadcast %broadcast_in_dim3A_244 : i32 to vector<16xi32>
    %broadcast_in_dim3A_246 = arith.constant 117 : i32
    %broadcast_in_dim3A_247 = vector.broadcast %broadcast_in_dim3A_246 : i32 to vector<16xi32>
    %broadcast_in_dim3A_248 = arith.constant 118 : i32
    %broadcast_in_dim3A_249 = vector.broadcast %broadcast_in_dim3A_248 : i32 to vector<16xi32>
    %broadcast_in_dim3A_250 = arith.constant 119 : i32
    %broadcast_in_dim3A_251 = vector.broadcast %broadcast_in_dim3A_250 : i32 to vector<16xi32>
    %add3A_252 = arith.constant 0 : i32
    %add3A_253 = arith.addi %mul3A_2, %add3A_252 : i32
    %dma_start3A = arith.constant 0 : i32
    %dma_start3A_254 = tpu.memref_slice %arg8[%dma_start3A] : memref<16xf32, #tpu.memory_space<vmem>> -> memref<8xf32, #tpu.memory_space<vmem>>
    %dma_start3A_255 = tpu.memref_slice %arg2[%add3A_253] : memref<16384xf32, #tpu.memory_space<hbm>> -> memref<8xf32, #tpu.memory_space<hbm>>
    %dma_start3A_256 = arith.constant 0 : i32
    %dma_start3A_257 = tpu.memref_slice %arg8[%dma_start3A_256] : memref<16xf32, #tpu.memory_space<vmem>> -> memref<8xf32, #tpu.memory_space<vmem>>
    %dma_start3A_258 = tpu.memref_slice %arg2[%add3A_253] : memref<16384xf32, #tpu.memory_space<hbm>> -> memref<8xf32, #tpu.memory_space<hbm>>
    tpu.enqueue_dma source(%dma_start3A_258 : memref<8xf32, #tpu.memory_space<hbm>>) target(%dma_start3A_257 : memref<8xf32, #tpu.memory_space<vmem>>) target_semaphore(%arg22 : memref<!tpu.dma_semaphore, #tpu.memory_space<semaphore_mem>>)
    %mul3A_259 = arith.constant 20 : i32
    %mul3A_260 = arith.muli %add3A_253, %mul3A_259 : i32
    %dma_start3A_261 = arith.constant 0 : i32
    %dma_start3A_262 = tpu.memref_slice %arg10[%dma_start3A_261] : memref<960xf32, #tpu.memory_space<vmem>> -> memref<160xf32, #tpu.memory_space<vmem>>
    %dma_start3A_263 = tpu.memref_slice %arg3[%mul3A_260] : memref<327680xf32, #tpu.memory_space<hbm>> -> memref<160xf32, #tpu.memory_space<hbm>>
    %dma_start3A_264 = arith.constant 0 : i32
    %dma_start3A_265 = tpu.memref_slice %arg10[%dma_start3A_264] : memref<960xf32, #tpu.memory_space<vmem>> -> memref<160xf32, #tpu.memory_space<vmem>>
    %dma_start3A_266 = tpu.memref_slice %arg3[%mul3A_260] : memref<327680xf32, #tpu.memory_space<hbm>> -> memref<160xf32, #tpu.memory_space<hbm>>
    tpu.enqueue_dma source(%dma_start3A_266 : memref<160xf32, #tpu.memory_space<hbm>>) target(%dma_start3A_265 : memref<160xf32, #tpu.memory_space<vmem>>) target_semaphore(%arg22 : memref<!tpu.dma_semaphore, #tpu.memory_space<semaphore_mem>>)
    %mul3A_267 = arith.constant 100 : i32
    %mul3A_268 = arith.muli %add3A_253, %mul3A_267 : i32
    %dma_start3A_269 = arith.constant 160 : i32
    %dma_start3A_270 = tpu.memref_slice %arg10[%dma_start3A_269] : memref<960xf32, #tpu.memory_space<vmem>> -> memref<800xf32, #tpu.memory_space<vmem>>
    %dma_start3A_271 = tpu.memref_slice %arg4[%mul3A_268] : memref<1638400xf32, #tpu.memory_space<hbm>> -> memref<800xf32, #tpu.memory_space<hbm>>
    %dma_start3A_272 = arith.constant 160 : i32
    %dma_start3A_273 = tpu.memref_slice %arg10[%dma_start3A_272] : memref<960xf32, #tpu.memory_space<vmem>> -> memref<800xf32, #tpu.memory_space<vmem>>
    %dma_start3A_274 = tpu.memref_slice %arg4[%mul3A_268] : memref<1638400xf32, #tpu.memory_space<hbm>> -> memref<800xf32, #tpu.memory_space<hbm>>
    tpu.enqueue_dma source(%dma_start3A_274 : memref<800xf32, #tpu.memory_space<hbm>>) target(%dma_start3A_273 : memref<800xf32, #tpu.memory_space<vmem>>) target_semaphore(%arg22 : memref<!tpu.dma_semaphore, #tpu.memory_space<semaphore_mem>>)
    %add3A_275 = arith.constant 8 : i32
    %add3A_276 = arith.addi %mul3A_2, %add3A_275 : i32
    %dma_start3A_277 = arith.constant 0 : i32
    %dma_start3A_278 = tpu.memref_slice %arg9[%dma_start3A_277] : memref<16xf32, #tpu.memory_space<vmem>> -> memref<8xf32, #tpu.memory_space<vmem>>
    %dma_start3A_279 = tpu.memref_slice %arg2[%add3A_276] : memref<16384xf32, #tpu.memory_space<hbm>> -> memref<8xf32, #tpu.memory_space<hbm>>
    %dma_start3A_280 = arith.constant 0 : i32
    %dma_start3A_281 = tpu.memref_slice %arg9[%dma_start3A_280] : memref<16xf32, #tpu.memory_space<vmem>> -> memref<8xf32, #tpu.memory_space<vmem>>
    %dma_start3A_282 = tpu.memref_slice %arg2[%add3A_276] : memref<16384xf32, #tpu.memory_space<hbm>> -> memref<8xf32, #tpu.memory_space<hbm>>
    tpu.enqueue_dma source(%dma_start3A_282 : memref<8xf32, #tpu.memory_space<hbm>>) target(%dma_start3A_281 : memref<8xf32, #tpu.memory_space<vmem>>) target_semaphore(%arg23 : memref<!tpu.dma_semaphore, #tpu.memory_space<semaphore_mem>>)
    %mul3A_283 = arith.constant 20 : i32
    %mul3A_284 = arith.muli %add3A_276, %mul3A_283 : i32
    %dma_start3A_285 = arith.constant 0 : i32
    %dma_start3A_286 = tpu.memref_slice %arg11[%dma_start3A_285] : memref<960xf32, #tpu.memory_space<vmem>> -> memref<160xf32, #tpu.memory_space<vmem>>
    %dma_start3A_287 = tpu.memref_slice %arg3[%mul3A_284] : memref<327680xf32, #tpu.memory_space<hbm>> -> memref<160xf32, #tpu.memory_space<hbm>>
    %dma_start3A_288 = arith.constant 0 : i32
    %dma_start3A_289 = tpu.memref_slice %arg11[%dma_start3A_288] : memref<960xf32, #tpu.memory_space<vmem>> -> memref<160xf32, #tpu.memory_space<vmem>>
    %dma_start3A_290 = tpu.memref_slice %arg3[%mul3A_284] : memref<327680xf32, #tpu.memory_space<hbm>> -> memref<160xf32, #tpu.memory_space<hbm>>
    tpu.enqueue_dma source(%dma_start3A_290 : memref<160xf32, #tpu.memory_space<hbm>>) target(%dma_start3A_289 : memref<160xf32, #tpu.memory_space<vmem>>) target_semaphore(%arg23 : memref<!tpu.dma_semaphore, #tpu.memory_space<semaphore_mem>>)
    %mul3A_291 = arith.constant 100 : i32
    %mul3A_292 = arith.muli %add3A_276, %mul3A_291 : i32
    %dma_start3A_293 = arith.constant 160 : i32
    %dma_start3A_294 = tpu.memref_slice %arg11[%dma_start3A_293] : memref<960xf32, #tpu.memory_space<vmem>> -> memref<800xf32, #tpu.memory_space<vmem>>
    %dma_start3A_295 = tpu.memref_slice %arg4[%mul3A_292] : memref<1638400xf32, #tpu.memory_space<hbm>> -> memref<800xf32, #tpu.memory_space<hbm>>
    %dma_start3A_296 = arith.constant 160 : i32
    %dma_start3A_297 = tpu.memref_slice %arg11[%dma_start3A_296] : memref<960xf32, #tpu.memory_space<vmem>> -> memref<800xf32, #tpu.memory_space<vmem>>
    %dma_start3A_298 = tpu.memref_slice %arg4[%mul3A_292] : memref<1638400xf32, #tpu.memory_space<hbm>> -> memref<800xf32, #tpu.memory_space<hbm>>
    tpu.enqueue_dma source(%dma_start3A_298 : memref<800xf32, #tpu.memory_space<hbm>>) target(%dma_start3A_297 : memref<800xf32, #tpu.memory_space<vmem>>) target_semaphore(%arg23 : memref<!tpu.dma_semaphore, #tpu.memory_space<semaphore_mem>>)
    %add3A_299 = arith.constant 0 : i32
    %add3A_300 = arith.addi %mul3A_2, %add3A_299 : i32
    %dma_wait3A = arith.constant 0 : i32
    %dma_wait3A_301 = tpu.memref_slice %arg8[%dma_wait3A] : memref<16xf32, #tpu.memory_space<vmem>> -> memref<8xf32, #tpu.memory_space<vmem>>
    %dma_wait3A_302 = tpu.memref_slice %arg2[%add3A_300] : memref<16384xf32, #tpu.memory_space<hbm>> -> memref<8xf32, #tpu.memory_space<hbm>>
    %dma_wait3A_303 = arith.constant 0 : i32
    %dma_wait3A_304 = tpu.memref_slice %arg8[%dma_wait3A_303] : memref<16xf32, #tpu.memory_space<vmem>> -> memref<8xf32, #tpu.memory_space<vmem>>
    %dma_wait3A_305 = tpu.memref_slice %arg2[%add3A_300] : memref<16384xf32, #tpu.memory_space<hbm>> -> memref<8xf32, #tpu.memory_space<hbm>>
    tpu.wait_dma2 semaphore(%arg22 : memref<!tpu.dma_semaphore, #tpu.memory_space<semaphore_mem>>) src(%dma_wait3A_305 : memref<8xf32, #tpu.memory_space<hbm>>) dst(%dma_wait3A_304 : memref<8xf32, #tpu.memory_space<vmem>>)
    %mul3A_306 = arith.constant 20 : i32
    %mul3A_307 = arith.muli %add3A_300, %mul3A_306 : i32
    %dma_wait3A_308 = arith.constant 0 : i32
    %dma_wait3A_309 = tpu.memref_slice %arg10[%dma_wait3A_308] : memref<960xf32, #tpu.memory_space<vmem>> -> memref<160xf32, #tpu.memory_space<vmem>>
    %dma_wait3A_310 = tpu.memref_slice %arg3[%mul3A_307] : memref<327680xf32, #tpu.memory_space<hbm>> -> memref<160xf32, #tpu.memory_space<hbm>>
    %dma_wait3A_311 = arith.constant 0 : i32
    %dma_wait3A_312 = tpu.memref_slice %arg10[%dma_wait3A_311] : memref<960xf32, #tpu.memory_space<vmem>> -> memref<160xf32, #tpu.memory_space<vmem>>
    %dma_wait3A_313 = tpu.memref_slice %arg3[%mul3A_307] : memref<327680xf32, #tpu.memory_space<hbm>> -> memref<160xf32, #tpu.memory_space<hbm>>
    tpu.wait_dma2 semaphore(%arg22 : memref<!tpu.dma_semaphore, #tpu.memory_space<semaphore_mem>>) src(%dma_wait3A_313 : memref<160xf32, #tpu.memory_space<hbm>>) dst(%dma_wait3A_312 : memref<160xf32, #tpu.memory_space<vmem>>)
    %mul3A_314 = arith.constant 100 : i32
    %mul3A_315 = arith.muli %add3A_300, %mul3A_314 : i32
    %dma_wait3A_316 = arith.constant 160 : i32
    %dma_wait3A_317 = tpu.memref_slice %arg10[%dma_wait3A_316] : memref<960xf32, #tpu.memory_space<vmem>> -> memref<800xf32, #tpu.memory_space<vmem>>
    %dma_wait3A_318 = tpu.memref_slice %arg4[%mul3A_315] : memref<1638400xf32, #tpu.memory_space<hbm>> -> memref<800xf32, #tpu.memory_space<hbm>>
    %dma_wait3A_319 = arith.constant 160 : i32
    %dma_wait3A_320 = tpu.memref_slice %arg10[%dma_wait3A_319] : memref<960xf32, #tpu.memory_space<vmem>> -> memref<800xf32, #tpu.memory_space<vmem>>
    %dma_wait3A_321 = tpu.memref_slice %arg4[%mul3A_315] : memref<1638400xf32, #tpu.memory_space<hbm>> -> memref<800xf32, #tpu.memory_space<hbm>>
    tpu.wait_dma2 semaphore(%arg22 : memref<!tpu.dma_semaphore, #tpu.memory_space<semaphore_mem>>) src(%dma_wait3A_321 : memref<800xf32, #tpu.memory_space<hbm>>) dst(%dma_wait3A_320 : memref<800xf32, #tpu.memory_space<vmem>>)
    %get3A = arith.constant 0 : index
    %get3A_322 = tpu.vector_load %arg8[%get3A] {strides = array<i32>} : memref<16xf32, #tpu.memory_space<vmem>>, vector<16xf32>,
    %bitcast3A = vector.bitcast %get3A_322 : vector<16xf32> to vector<16xi32>
    %max3A = arith.constant 0 : i32
    %max3A_323 = vector.broadcast %max3A : i32 to vector<16xi32>
    %max3A_324 = arith.maxsi %bitcast3A, %max3A_323 : vector<16xi32>
    %min3A = arith.constant 999999 : i32
    %min3A_325 = vector.broadcast %min3A : i32 to vector<16xi32>
    %min3A_326 = arith.minsi %max3A_324, %min3A_325 : vector<16xi32>
    %swap3A = arith.constant 0 : index
    %swap3A_327 = tpu.vector_load %arg12[%swap3A] {strides = array<i32>} : memref<16xi32, #tpu.memory_space<vmem>>, vector<16xi32>,
    tpu.vector_store %arg12[%swap3A], %min3A_326 {strides = array<i32>} : memref<16xi32, #tpu.memory_space<vmem>>, vector<16xi32>,
    %get3A_328 = arith.constant 0 : index
    %get3A_329 = tpu.vector_load %arg10[%get3A_328] {strides = array<i32>} : memref<960xf32, #tpu.memory_space<vmem>>, vector<16xf32>,
    %bitcast3A_330 = vector.bitcast %get3A_329 : vector<16xf32> to vector<16xi32>
    %swap3A_331 = arith.constant 0 : index
    %swap3A_332 = tpu.vector_load %arg14[%swap3A_331] {strides = array<i32>} : memref<960xi32, #tpu.memory_space<vmem>>, vector<16xi32>,
    tpu.vector_store %arg14[%swap3A_331], %bitcast3A_330 {strides = array<i32>} : memref<960xi32, #tpu.memory_space<vmem>>, vector<16xi32>,
    %get3A_333 = arith.constant 16 : index
    %get3A_334 = tpu.vector_load %arg10[%get3A_333] {strides = array<i32>} : memref<960xf32, #tpu.memory_space<vmem>>, vector<16xf32>,
    %bitcast3A_335 = vector.bitcast %get3A_334 : vector<16xf32> to vector<16xi32>
    %swap3A_336 = arith.constant 16 : index
    %swap3A_337 = tpu.vector_load %arg14[%swap3A_336] {strides = array<i32>} : memref<960xi32, #tpu.memory_space<vmem>>, vector<16xi32>,
    tpu.vector_store %arg14[%swap3A_336], %bitcast3A_335 {strides = array<i32>} : memref<960xi32, #tpu.memory_space<vmem>>, vector<16xi32>,
    %get3A_338 = arith.constant 32 : index
    %get3A_339 = tpu.vector_load %arg10[%get3A_338] {strides = array<i32>} : memref<960xf32, #tpu.memory_space<vmem>>, vector<16xf32>,
    %bitcast3A_340 = vector.bitcast %get3A_339 : vector<16xf32> to vector<16xi32>
    %swap3A_341 = arith.constant 32 : index
    %swap3A_342 = tpu.vector_load %arg14[%swap3A_341] {strides = array<i32>} : memref<960xi32, #tpu.memory_space<vmem>>, vector<16xi32>,
    tpu.vector_store %arg14[%swap3A_341], %bitcast3A_340 {strides = array<i32>} : memref<960xi32, #tpu.memory_space<vmem>>, vector<16xi32>,
    %get3A_343 = arith.constant 48 : index
    %get3A_344 = tpu.vector_load %arg10[%get3A_343] {strides = array<i32>} : memref<960xf32, #tpu.memory_space<vmem>>, vector<16xf32>,
    %bitcast3A_345 = vector.bitcast %get3A_344 : vector<16xf32> to vector<16xi32>
    %swap3A_346 = arith.constant 48 : index
    %swap3A_347 = tpu.vector_load %arg14[%swap3A_346] {strides = array<i32>} : memref<960xi32, #tpu.memory_space<vmem>>, vector<16xi32>,
    tpu.vector_store %arg14[%swap3A_346], %bitcast3A_345 {strides = array<i32>} : memref<960xi32, #tpu.memory_space<vmem>>, vector<16xi32>,
    %get3A_348 = arith.constant 64 : index
    %get3A_349 = tpu.vector_load %arg10[%get3A_348] {strides = array<i32>} : memref<960xf32, #tpu.memory_space<vmem>>, vector<16xf32>,
    %bitcast3A_350 = vector.bitcast %get3A_349 : vector<16xf32> to vector<16xi32>
    %swap3A_351 = arith.constant 64 : index
    %swap3A_352 = tpu.vector_load %arg14[%swap3A_351] {strides = array<i32>} : memref<960xi32, #tpu.memory_space<vmem>>, vector<16xi32>,
    tpu.vector_store %arg14[%swap3A_351], %bitcast3A_350 {strides = array<i32>} : memref<960xi32, #tpu.memory_space<vmem>>, vector<16xi32>,
    %get3A_353 = arith.constant 80 : index
    %get3A_354 = tpu.vector_load %arg10[%get3A_353] {strides = array<i32>} : memref<960xf32, #tpu.memory_space<vmem>>, vector<16xf32>,
    %bitcast3A_355 = vector.bitcast %get3A_354 : vector<16xf32> to vector<16xi32>
    %swap3A_356 = arith.constant 80 : index
    %swap3A_357 = tpu.vector_load %arg14[%swap3A_356] {strides = array<i32>} : memref<960xi32, #tpu.memory_space<vmem>>, vector<16xi32>,
    tpu.vector_store %arg14[%swap3A_356], %bitcast3A_355 {strides = array<i32>} : memref<960xi32, #tpu.memory_space<vmem>>, vector<16xi32>,
    %get3A_358 = arith.constant 96 : index
    %get3A_359 = tpu.vector_load %arg10[%get3A_358] {strides = array<i32>} : memref<960xf32, #tpu.memory_space<vmem>>, vector<16xf32>,
    %bitcast3A_360 = vector.bitcast %get3A_359 : vector<16xf32> to vector<16xi32>
    %swap3A_361 = arith.constant 96 : index
    %swap3A_362 = tpu.vector_load %arg14[%swap3A_361] {strides = array<i32>} : memref<960xi32, #tpu.memory_space<vmem>>, vector<16xi32>,
    tpu.vector_store %arg14[%swap3A_361], %bitcast3A_360 {strides = array<i32>} : memref<960xi32, #tpu.memory_space<vmem>>, vector<16xi32>,
    %get3A_363 = arith.constant 112 : index
    %get3A_364 = tpu.vector_load %arg10[%get3A_363] {strides = array<i32>} : memref<960xf32, #tpu.memory_space<vmem>>, vector<16xf32>,
    %bitcast3A_365 = vector.bitcast %get3A_364 : vector<16xf32> to vector<16xi32>
    %swap3A_366 = arith.constant 112 : index
    %swap3A_367 = tpu.vector_load %arg14[%swap3A_366] {strides = array<i32>} : memref<960xi32, #tpu.memory_space<vmem>>, vector<16xi32>,
    tpu.vector_store %arg14[%swap3A_366], %bitcast3A_365 {strides = array<i32>} : memref<960xi32, #tpu.memory_space<vmem>>, vector<16xi32>,
    %get3A_368 = arith.constant 128 : index
    %get3A_369 = tpu.vector_load %arg10[%get3A_368] {strides = array<i32>} : memref<960xf32, #tpu.memory_space<vmem>>, vector<16xf32>,
    %bitcast3A_370 = vector.bitcast %get3A_369 : vector<16xf32> to vector<16xi32>
    %swap3A_371 = arith.constant 128 : index
    %swap3A_372 = tpu.vector_load %arg14[%swap3A_371] {strides = array<i32>} : memref<960xi32, #tpu.memory_space<vmem>>, vector<16xi32>,
    tpu.vector_store %arg14[%swap3A_371], %bitcast3A_370 {strides = array<i32>} : memref<960xi32, #tpu.memory_space<vmem>>, vector<16xi32>,
    %get3A_373 = arith.constant 144 : index
    %get3A_374 = tpu.vector_load %arg10[%get3A_373] {strides = array<i32>} : memref<960xf32, #tpu.memory_space<vmem>>, vector<16xf32>,
    %bitcast3A_375 = vector.bitcast %get3A_374 : vector<16xf32> to vector<16xi32>
    %swap3A_376 = arith.constant 144 : index
    %swap3A_377 = tpu.vector_load %arg14[%swap3A_376] {strides = array<i32>} : memref<960xi32, #tpu.memory_space<vmem>>, vector<16xi32>,
    tpu.vector_store %arg14[%swap3A_376], %bitcast3A_375 {strides = array<i32>} : memref<960xi32, #tpu.memory_space<vmem>>, vector<16xi32>,
    %get3A_378 = arith.constant 160 : index
    %get3A_379 = tpu.vector_load %arg10[%get3A_378] {strides = array<i32>} : memref<960xf32, #tpu.memory_space<vmem>>, vector<16xf32>,
    %bitcast3A_380 = vector.bitcast %get3A_379 : vector<16xf32> to vector<16xi32>
    %swap3A_381 = arith.constant 160 : index
    %swap3A_382 = tpu.vector_load %arg14[%swap3A_381] {strides = array<i32>} : memref<960xi32, #tpu.memory_space<vmem>>, vector<16xi32>,
    tpu.vector_store %arg14[%swap3A_381], %bitcast3A_380 {strides = array<i32>} : memref<960xi32, #tpu.memory_space<vmem>>, vector<16xi32>,
    %get3A_383 = arith.constant 176 : index
    %get3A_384 = tpu.vector_load %arg10[%get3A_383] {strides = array<i32>} : memref<960xf32, #tpu.memory_space<vmem>>, vector<16xf32>,
    %bitcast3A_385 = vector.bitcast %get3A_384 : vector<16xf32> to vector<16xi32>
    %swap3A_386 = arith.constant 176 : index
    %swap3A_387 = tpu.vector_load %arg14[%swap3A_386] {strides = array<i32>} : memref<960xi32, #tpu.memory_space<vmem>>, vector<16xi32>,
    tpu.vector_store %arg14[%swap3A_386], %bitcast3A_385 {strides = array<i32>} : memref<960xi32, #tpu.memory_space<vmem>>, vector<16xi32>,
    %get3A_388 = arith.constant 192 : index
    %get3A_389 = tpu.vector_load %arg10[%get3A_388] {strides = array<i32>} : memref<960xf32, #tpu.memory_space<vmem>>, vector<16xf32>,
    %bitcast3A_390 = vector.bitcast %get3A_389 : vector<16xf32> to vector<16xi32>
    %swap3A_391 = arith.constant 192 : index
    %swap3A_392 = tpu.vector_load %arg14[%swap3A_391] {strides = array<i32>} : memref<960xi32, #tpu.memory_space<vmem>>, vector<16xi32>,
    tpu.vector_store %arg14[%swap3A_391], %bitcast3A_390 {strides = array<i32>} : memref<960xi32, #tpu.memory_space<vmem>>, vector<16xi32>,
    %get3A_393 = arith.constant 208 : index
    %get3A_394 = tpu.vector_load %arg10[%get3A_393] {strides = array<i32>} : memref<960xf32, #tpu.memory_space<vmem>>, vector<16xf32>,
    %bitcast3A_395 = vector.bitcast %get3A_394 : vector<16xf32> to vector<16xi32>
    %swap3A_396 = arith.constant 208 : index
    %swap3A_397 = tpu.vector_load %arg14[%swap3A_396] {strides = array<i32>} : memref<960xi32, #tpu.memory_space<vmem>>, vector<16xi32>,
    tpu.vector_store %arg14[%swap3A_396], %bitcast3A_395 {strides = array<i32>} : memref<960xi32, #tpu.memory_space<vmem>>, vector<16xi32>,
    %get3A_398 = arith.constant 224 : index
    %get3A_399 = tpu.vector_load %arg10[%get3A_398] {strides = array<i32>} : memref<960xf32, #tpu.memory_space<vmem>>, vector<16xf32>,
    %bitcast3A_400 = vector.bitcast %get3A_399 : vector<16xf32> to vector<16xi32>
    %swap3A_401 = arith.constant 224 : index
    %swap3A_402 = tpu.vector_load %arg14[%swap3A_401] {strides = array<i32>} : memref<960xi32, #tpu.memory_space<vmem>>, vector<16xi32>,
    tpu.vector_store %arg14[%swap3A_401], %bitcast3A_400 {strides = array<i32>} : memref<960xi32, #tpu.memory_space<vmem>>, vector<16xi32>,
    %get3A_403 = arith.constant 240 : index
    %get3A_404 = tpu.vector_load %arg10[%get3A_403] {strides = array<i32>} : memref<960xf32, #tpu.memory_space<vmem>>, vector<16xf32>,
    %bitcast3A_405 = vector.bitcast %get3A_404 : vector<16xf32> to vector<16xi32>
    %swap3A_406 = arith.constant 240 : index
    %swap3A_407 = tpu.vector_load %arg14[%swap3A_406] {strides = array<i32>} : memref<960xi32, #tpu.memory_space<vmem>>, vector<16xi32>,
    tpu.vector_store %arg14[%swap3A_406], %bitcast3A_405 {strides = array<i32>} : memref<960xi32, #tpu.memory_space<vmem>>, vector<16xi32>,
    %get3A_408 = arith.constant 256 : index
    %get3A_409 = tpu.vector_load %arg10[%get3A_408] {strides = array<i32>} : memref<960xf32, #tpu.memory_space<vmem>>, vector<16xf32>,
    %bitcast3A_410 = vector.bitcast %get3A_409 : vector<16xf32> to vector<16xi32>
    %swap3A_411 = arith.constant 256 : index
    %swap3A_412 = tpu.vector_load %arg14[%swap3A_411] {strides = array<i32>} : memref<960xi32, #tpu.memory_space<vmem>>, vector<16xi32>,
    tpu.vector_store %arg14[%swap3A_411], %bitcast3A_410 {strides = array<i32>} : memref<960xi32, #tpu.memory_space<vmem>>, vector<16xi32>,
    %get3A_413 = arith.constant 272 : index
    %get3A_414 = tpu.vector_load %arg10[%get3A_413] {strides = array<i32>} : memref<960xf32, #tpu.memory_space<vmem>>, vector<16xf32>,
    %bitcast3A_415 = vector.bitcast %get3A_414 : vector<16xf32> to vector<16xi32>
    %swap3A_416 = arith.constant 272 : index
    %swap3A_417 = tpu.vector_load %arg14[%swap3A_416] {strides = array<i32>} : memref<960xi32, #tpu.memory_space<vmem>>, vector<16xi32>,
    tpu.vector_store %arg14[%swap3A_416], %bitcast3A_415 {strides = array<i32>} : memref<960xi32, #tpu.memory_space<vmem>>, vector<16xi32>,
    %get3A_418 = arith.constant 288 : index
    %get3A_419 = tpu.vector_load %arg10[%get3A_418] {strides = array<i32>} : memref<960xf32, #tpu.memory_space<vmem>>, vector<16xf32>,
    %bitcast3A_420 = vector.bitcast %get3A_419 : vector<16xf32> to vector<16xi32>
    %swap3A_421 = arith.constant 288 : index
    %swap3A_422 = tpu.vector_load %arg14[%swap3A_421] {strides = array<i32>} : memref<960xi32, #tpu.memory_space<vmem>>, vector<16xi32>,
    tpu.vector_store %arg14[%swap3A_421], %bitcast3A_420 {strides = array<i32>} : memref<960xi32, #tpu.memory_space<vmem>>, vector<16xi32>,
    %get3A_423 = arith.constant 304 : index
    %get3A_424 = tpu.vector_load %arg10[%get3A_423] {strides = array<i32>} : memref<960xf32, #tpu.memory_space<vmem>>, vector<16xf32>,
    %bitcast3A_425 = vector.bitcast %get3A_424 : vector<16xf32> to vector<16xi32>
    %swap3A_426 = arith.constant 304 : index
    %swap3A_427 = tpu.vector_load %arg14[%swap3A_426] {strides = array<i32>} : memref<960xi32, #tpu.memory_space<vmem>>, vector<16xi32>,
    tpu.vector_store %arg14[%swap3A_426], %bitcast3A_425 {strides = array<i32>} : memref<960xi32, #tpu.memory_space<vmem>>, vector<16xi32>,
    %get3A_428 = arith.constant 320 : index
    %get3A_429 = tpu.vector_load %arg10[%get3A_428] {strides = array<i32>} : memref<960xf32, #tpu.memory_space<vmem>>, vector<16xf32>,
    %bitcast3A_430 = vector.bitcast %get3A_429 : vector<16xf32> to vector<16xi32>
    %swap3A_431 = arith.constant 320 : index
    %swap3A_432 = tpu.vector_load %arg14[%swap3A_431] {strides = array<i32>} : memref<960xi32, #tpu.memory_space<vmem>>, vector<16xi32>,
    tpu.vector_store %arg14[%swap3A_431], %bitcast3A_430 {strides = array<i32>} : memref<960xi32, #tpu.memory_space<vmem>>, vector<16xi32>,
    %get3A_433 = arith.constant 336 : index
    %get3A_434 = tpu.vector_load %arg10[%get3A_433] {strides = array<i32>} : memref<960xf32, #tpu.memory_space<vmem>>, vector<16xf32>,
    %bitcast3A_435 = vector.bitcast %get3A_434 : vector<16xf32> to vector<16xi32>
    %swap3A_436 = arith.constant 336 : index
    %swap3A_437 = tpu.vector_load %arg14[%swap3A_436] {strides = array<i32>} : memref<960xi32, #tpu.memory_space<vmem>>, vector<16xi32>,
    tpu.vector_store %arg14[%swap3A_436], %bitcast3A_435 {strides = array<i32>} : memref<960xi32, #tpu.memory_space<vmem>>, vector<16xi32>,
    %get3A_438 = arith.constant 352 : index
    %get3A_439 = tpu.vector_load %arg10[%get3A_438] {strides = array<i32>} : memref<960xf32, #tpu.memory_space<vmem>>, vector<16xf32>,
    %bitcast3A_440 = vector.bitcast %get3A_439 : vector<16xf32> to vector<16xi32>
    %swap3A_441 = arith.constant 352 : index
    %swap3A_442 = tpu.vector_load %arg14[%swap3A_441] {strides = array<i32>} : memref<960xi32, #tpu.memory_space<vmem>>, vector<16xi32>,
    tpu.vector_store %arg14[%swap3A_441], %bitcast3A_440 {strides = array<i32>} : memref<960xi32, #tpu.memory_space<vmem>>, vector<16xi32>,
    %get3A_443 = arith.constant 368 : index
    %get3A_444 = tpu.vector_load %arg10[%get3A_443] {strides = array<i32>} : memref<960xf32, #tpu.memory_space<vmem>>, vector<16xf32>,
    %bitcast3A_445 = vector.bitcast %get3A_444 : vector<16xf32> to vector<16xi32>
    %swap3A_446 = arith.constant 368 : index
    %swap3A_447 = tpu.vector_load %arg14[%swap3A_446] {strides = array<i32>} : memref<960xi32, #tpu.memory_space<vmem>>, vector<16xi32>,
    tpu.vector_store %arg14[%swap3A_446], %bitcast3A_445 {strides = array<i32>} : memref<960xi32, #tpu.memory_space<vmem>>, vector<16xi32>,
    %get3A_448 = arith.constant 384 : index
    %get3A_449 = tpu.vector_load %arg10[%get3A_448] {strides = array<i32>} : memref<960xf32, #tpu.memory_space<vmem>>, vector<16xf32>,
    %bitcast3A_450 = vector.bitcast %get3A_449 : vector<16xf32> to vector<16xi32>
    %swap3A_451 = arith.constant 384 : index
    %swap3A_452 = tpu.vector_load %arg14[%swap3A_451] {strides = array<i32>} : memref<960xi32, #tpu.memory_space<vmem>>, vector<16xi32>,
    tpu.vector_store %arg14[%swap3A_451], %bitcast3A_450 {strides = array<i32>} : memref<960xi32, #tpu.memory_space<vmem>>, vector<16xi32>,
    %get3A_453 = arith.constant 400 : index
    %get3A_454 = tpu.vector_load %arg10[%get3A_453] {strides = array<i32>} : memref<960xf32, #tpu.memory_space<vmem>>, vector<16xf32>,
    %bitcast3A_455 = vector.bitcast %get3A_454 : vector<16xf32> to vector<16xi32>
    %swap3A_456 = arith.constant 400 : index
    %swap3A_457 = tpu.vector_load %arg14[%swap3A_456] {strides = array<i32>} : memref<960xi32, #tpu.memory_space<vmem>>, vector<16xi32>,
    tpu.vector_store %arg14[%swap3A_456], %bitcast3A_455 {strides = array<i32>} : memref<960xi32, #tpu.memory_space<vmem>>, vector<16xi32>,
    %get3A_458 = arith.constant 416 : index
    %get3A_459 = tpu.vector_load %arg10[%get3A_458] {strides = array<i32>} : memref<960xf32, #tpu.memory_space<vmem>>, vector<16xf32>,
    %bitcast3A_460 = vector.bitcast %get3A_459 : vector<16xf32> to vector<16xi32>
    %swap3A_461 = arith.constant 416 : index
    %swap3A_462 = tpu.vector_load %arg14[%swap3A_461] {strides = array<i32>} : memref<960xi32, #tpu.memory_space<vmem>>, vector<16xi32>,
    tpu.vector_store %arg14[%swap3A_461], %bitcast3A_460 {strides = array<i32>} : memref<960xi32, #tpu.memory_space<vmem>>, vector<16xi32>,
    %get3A_463 = arith.constant 432 : index
    %get3A_464 = tpu.vector_load %arg10[%get3A_463] {strides = array<i32>} : memref<960xf32, #tpu.memory_space<vmem>>, vector<16xf32>,
    %bitcast3A_465 = vector.bitcast %get3A_464 : vector<16xf32> to vector<16xi32>
    %swap3A_466 = arith.constant 432 : index
    %swap3A_467 = tpu.vector_load %arg14[%swap3A_466] {strides = array<i32>} : memref<960xi32, #tpu.memory_space<vmem>>, vector<16xi32>,
    tpu.vector_store %arg14[%swap3A_466], %bitcast3A_465 {strides = array<i32>} : memref<960xi32, #tpu.memory_space<vmem>>, vector<16xi32>,
    %get3A_468 = arith.constant 448 : index
    %get3A_469 = tpu.vector_load %arg10[%get3A_468] {strides = array<i32>} : memref<960xf32, #tpu.memory_space<vmem>>, vector<16xf32>,
    %bitcast3A_470 = vector.bitcast %get3A_469 : vector<16xf32> to vector<16xi32>
    %swap3A_471 = arith.constant 448 : index
    %swap3A_472 = tpu.vector_load %arg14[%swap3A_471] {strides = array<i32>} : memref<960xi32, #tpu.memory_space<vmem>>, vector<16xi32>,
    tpu.vector_store %arg14[%swap3A_471], %bitcast3A_470 {strides = array<i32>} : memref<960xi32, #tpu.memory_space<vmem>>, vector<16xi32>,
    %get3A_473 = arith.constant 464 : index
    %get3A_474 = tpu.vector_load %arg10[%get3A_473] {strides = array<i32>} : memref<960xf32, #tpu.memory_space<vmem>>, vector<16xf32>,
    %bitcast3A_475 = vector.bitcast %get3A_474 : vector<16xf32> to vector<16xi32>
    %swap3A_476 = arith.constant 464 : index
    %swap3A_477 = tpu.vector_load %arg14[%swap3A_476] {strides = array<i32>} : memref<960xi32, #tpu.memory_space<vmem>>, vector<16xi32>,
    tpu.vector_store %arg14[%swap3A_476], %bitcast3A_475 {strides = array<i32>} : memref<960xi32, #tpu.memory_space<vmem>>, vector<16xi32>,
    %get3A_478 = arith.constant 480 : index
    %get3A_479 = tpu.vector_load %arg10[%get3A_478] {strides = array<i32>} : memref<960xf32, #tpu.memory_space<vmem>>, vector<16xf32>,
    %bitcast3A_480 = vector.bitcast %get3A_479 : vector<16xf32> to vector<16xi32>
    %swap3A_481 = arith.constant 480 : index
    %swap3A_482 = tpu.vector_load %arg14[%swap3A_481] {strides = array<i32>} : memref<960xi32, #tpu.memory_space<vmem>>, vector<16xi32>,
    tpu.vector_store %arg14[%swap3A_481], %bitcast3A_480 {strides = array<i32>} : memref<960xi32, #tpu.memory_space<vmem>>, vector<16xi32>,
    %get3A_483 = arith.constant 496 : index
    %get3A_484 = tpu.vector_load %arg10[%get3A_483] {strides = array<i32>} : memref<960xf32, #tpu.memory_space<vmem>>, vector<16xf32>,
    %bitcast3A_485 = vector.bitcast %get3A_484 : vector<16xf32> to vector<16xi32>
    %swap3A_486 = arith.constant 496 : index
    %swap3A_487 = tpu.vector_load %arg14[%swap3A_486] {strides = array<i32>} : memref<960xi32, #tpu.memory_space<vmem>>, vector<16xi32>,
    tpu.vector_store %arg14[%swap3A_486], %bitcast3A_485 {strides = array<i32>} : memref<960xi32, #tpu.memory_space<vmem>>, vector<16xi32>,
    %get3A_488 = arith.constant 512 : index
    %get3A_489 = tpu.vector_load %arg10[%get3A_488] {strides = array<i32>} : memref<960xf32, #tpu.memory_space<vmem>>, vector<16xf32>,
    %bitcast3A_490 = vector.bitcast %get3A_489 : vector<16xf32> to vector<16xi32>
    %swap3A_491 = arith.constant 512 : index
    %swap3A_492 = tpu.vector_load %arg14[%swap3A_491] {strides = array<i32>} : memref<960xi32, #tpu.memory_space<vmem>>, vector<16xi32>,
    tpu.vector_store %arg14[%swap3A_491], %bitcast3A_490 {strides = array<i32>} : memref<960xi32, #tpu.memory_space<vmem>>, vector<16xi32>,
    %get3A_493 = arith.constant 528 : index
    %get3A_494 = tpu.vector_load %arg10[%get3A_493] {strides = array<i32>} : memref<960xf32, #tpu.memory_space<vmem>>, vector<16xf32>,
    %bitcast3A_495 = vector.bitcast %get3A_494 : vector<16xf32> to vector<16xi32>
    %swap3A_496 = arith.constant 528 : index
    %swap3A_497 = tpu.vector_load %arg14[%swap3A_496] {strides = array<i32>} : memref<960xi32, #tpu.memory_space<vmem>>, vector<16xi32>,
    tpu.vector_store %arg14[%swap3A_496], %bitcast3A_495 {strides = array<i32>} : memref<960xi32, #tpu.memory_space<vmem>>, vector<16xi32>,
    %get3A_498 = arith.constant 544 : index
    %get3A_499 = tpu.vector_load %arg10[%get3A_498] {strides = array<i32>} : memref<960xf32, #tpu.memory_space<vmem>>, vector<16xf32>,
    %bitcast3A_500 = vector.bitcast %get3A_499 : vector<16xf32> to vector<16xi32>
    %swap3A_501 = arith.constant 544 : index
    %swap3A_502 = tpu.vector_load %arg14[%swap3A_501] {strides = array<i32>} : memref<960xi32, #tpu.memory_space<vmem>>, vector<16xi32>,
    tpu.vector_store %arg14[%swap3A_501], %bitcast3A_500 {strides = array<i32>} : memref<960xi32, #tpu.memory_space<vmem>>, vector<16xi32>,
    %get3A_503 = arith.constant 560 : index
    %get3A_504 = tpu.vector_load %arg10[%get3A_503] {strides = array<i32>} : memref<960xf32, #tpu.memory_space<vmem>>, vector<16xf32>,
    %bitcast3A_505 = vector.bitcast %get3A_504 : vector<16xf32> to vector<16xi32>
    %swap3A_506 = arith.constant 560 : index
    %swap3A_507 = tpu.vector_load %arg14[%swap3A_506] {strides = array<i32>} : memref<960xi32, #tpu.memory_space<vmem>>, vector<16xi32>,
    tpu.vector_store %arg14[%swap3A_506], %bitcast3A_505 {strides = array<i32>} : memref<960xi32, #tpu.memory_space<vmem>>, vector<16xi32>,
    %get3A_508 = arith.constant 576 : index
    %get3A_509 = tpu.vector_load %arg10[%get3A_508] {strides = array<i32>} : memref<960xf32, #tpu.memory_space<vmem>>, vector<16xf32>,
    %bitcast3A_510 = vector.bitcast %get3A_509 : vector<16xf32> to vector<16xi32>
    %swap3A_511 = arith.constant 576 : index
    %swap3A_512 = tpu.vector_load %arg14[%swap3A_511] {strides = array<i32>} : memref<960xi32, #tpu.memory_space<vmem>>, vector<16xi32>,
    tpu.vector_store %arg14[%swap3A_511], %bitcast3A_510 {strides = array<i32>} : memref<960xi32, #tpu.memory_space<vmem>>, vector<16xi32>,
    %get3A_513 = arith.constant 592 : index
    %get3A_514 = tpu.vector_load %arg10[%get3A_513] {strides = array<i32>} : memref<960xf32, #tpu.memory_space<vmem>>, vector<16xf32>,
    %bitcast3A_515 = vector.bitcast %get3A_514 : vector<16xf32> to vector<16xi32>
    %swap3A_516 = arith.constant 592 : index
    %swap3A_517 = tpu.vector_load %arg14[%swap3A_516] {strides = array<i32>} : memref<960xi32, #tpu.memory_space<vmem>>, vector<16xi32>,
    tpu.vector_store %arg14[%swap3A_516], %bitcast3A_515 {strides = array<i32>} : memref<960xi32, #tpu.memory_space<vmem>>, vector<16xi32>,
    %get3A_518 = arith.constant 608 : index
    %get3A_519 = tpu.vector_load %arg10[%get3A_518] {strides = array<i32>} : memref<960xf32, #tpu.memory_space<vmem>>, vector<16xf32>,
    %bitcast3A_520 = vector.bitcast %get3A_519 : vector<16xf32> to vector<16xi32>
    %swap3A_521 = arith.constant 608 : index
    %swap3A_522 = tpu.vector_load %arg14[%swap3A_521] {strides = array<i32>} : memref<960xi32, #tpu.memory_space<vmem>>, vector<16xi32>,
    tpu.vector_store %arg14[%swap3A_521], %bitcast3A_520 {strides = array<i32>} : memref<960xi32, #tpu.memory_space<vmem>>, vector<16xi32>,
    %get3A_523 = arith.constant 624 : index
    %get3A_524 = tpu.vector_load %arg10[%get3A_523] {strides = array<i32>} : memref<960xf32, #tpu.memory_space<vmem>>, vector<16xf32>,
    %bitcast3A_525 = vector.bitcast %get3A_524 : vector<16xf32> to vector<16xi32>
    %swap3A_526 = arith.constant 624 : index
    %swap3A_527 = tpu.vector_load %arg14[%swap3A_526] {strides = array<i32>} : memref<960xi32, #tpu.memory_space<vmem>>, vector<16xi32>,
    tpu.vector_store %arg14[%swap3A_526], %bitcast3A_525 {strides = array<i32>} : memref<960xi32, #tpu.memory_space<vmem>>, vector<16xi32>,
    %get3A_528 = arith.constant 640 : index
    %get3A_529 = tpu.vector_load %arg10[%get3A_528] {strides = array<i32>} : memref<960xf32, #tpu.memory_space<vmem>>, vector<16xf32>,
    %bitcast3A_530 = vector.bitcast %get3A_529 : vector<16xf32> to vector<16xi32>
    %swap3A_531 = arith.constant 640 : index
    %swap3A_532 = tpu.vector_load %arg14[%swap3A_531] {strides = array<i32>} : memref<960xi32, #tpu.memory_space<vmem>>, vector<16xi32>,
    tpu.vector_store %arg14[%swap3A_531], %bitcast3A_530 {strides = array<i32>} : memref<960xi32, #tpu.memory_space<vmem>>, vector<16xi32>,
    %get3A_533 = arith.constant 656 : index
    %get3A_534 = tpu.vector_load %arg10[%get3A_533] {strides = array<i32>} : memref<960xf32, #tpu.memory_space<vmem>>, vector<16xf32>,
    %bitcast3A_535 = vector.bitcast %get3A_534 : vector<16xf32> to vector<16xi32>
    %swap3A_536 = arith.constant 656 : index
    %swap3A_537 = tpu.vector_load %arg14[%swap3A_536] {strides = array<i32>} : memref<960xi32, #tpu.memory_space<vmem>>, vector<16xi32>,
    tpu.vector_store %arg14[%swap3A_536], %bitcast3A_535 {strides = array<i32>} : memref<960xi32, #tpu.memory_space<vmem>>, vector<16xi32>,
    %get3A_538 = arith.constant 672 : index
    %get3A_539 = tpu.vector_load %arg10[%get3A_538] {strides = array<i32>} : memref<960xf32, #tpu.memory_space<vmem>>, vector<16xf32>,
    %bitcast3A_540 = vector.bitcast %get3A_539 : vector<16xf32> to vector<16xi32>
    %swap3A_541 = arith.constant 672 : index
    %swap3A_542 = tpu.vector_load %arg14[%swap3A_541] {strides = array<i32>} : memref<960xi32, #tpu.memory_space<vmem>>, vector<16xi32>,
    tpu.vector_store %arg14[%swap3A_541], %bitcast3A_540 {strides = array<i32>} : memref<960xi32, #tpu.memory_space<vmem>>, vector<16xi32>,
    %get3A_543 = arith.constant 688 : index
    %get3A_544 = tpu.vector_load %arg10[%get3A_543] {strides = array<i32>} : memref<960xf32, #tpu.memory_space<vmem>>, vector<16xf32>,
    %bitcast3A_545 = vector.bitcast %get3A_544 : vector<16xf32> to vector<16xi32>
    %swap3A_546 = arith.constant 688 : index
    %swap3A_547 = tpu.vector_load %arg14[%swap3A_546] {strides = array<i32>} : memref<960xi32, #tpu.memory_space<vmem>>, vector<16xi32>,
    tpu.vector_store %arg14[%swap3A_546], %bitcast3A_545 {strides = array<i32>} : memref<960xi32, #tpu.memory_space<vmem>>, vector<16xi32>,
    %get3A_548 = arith.constant 704 : index
    %get3A_549 = tpu.vector_load %arg10[%get3A_548] {strides = array<i32>} : memref<960xf32, #tpu.memory_space<vmem>>, vector<16xf32>,
    %bitcast3A_550 = vector.bitcast %get3A_549 : vector<16xf32> to vector<16xi32>
    %swap3A_551 = arith.constant 704 : index
    %swap3A_552 = tpu.vector_load %arg14[%swap3A_551] {strides = array<i32>} : memref<960xi32, #tpu.memory_space<vmem>>, vector<16xi32>,
    tpu.vector_store %arg14[%swap3A_551], %bitcast3A_550 {strides = array<i32>} : memref<960xi32, #tpu.memory_space<vmem>>, vector<16xi32>,
    %get3A_553 = arith.constant 720 : index
    %get3A_554 = tpu.vector_load %arg10[%get3A_553] {strides = array<i32>} : memref<960xf32, #tpu.memory_space<vmem>>, vector<16xf32>,
    %bitcast3A_555 = vector.bitcast %get3A_554 : vector<16xf32> to vector<16xi32>
    %swap3A_556 = arith.constant 720 : index
    %swap3A_557 = tpu.vector_load %arg14[%swap3A_556] {strides = array<i32>} : memref<960xi32, #tpu.memory_space<vmem>>, vector<16xi32>,
    tpu.vector_store %arg14[%swap3A_556], %bitcast3A_555 {strides = array<i32>} : memref<960xi32, #tpu.memory_space<vmem>>, vector<16xi32>,
    %get3A_558 = arith.constant 736 : index
    %get3A_559 = tpu.vector_load %arg10[%get3A_558] {strides = array<i32>} : memref<960xf32, #tpu.memory_space<vmem>>, vector<16xf32>,
    %bitcast3A_560 = vector.bitcast %get3A_559 : vector<16xf32> to vector<16xi32>
    %swap3A_561 = arith.constant 736 : index
    %swap3A_562 = tpu.vector_load %arg14[%swap3A_561] {strides = array<i32>} : memref<960xi32, #tpu.memory_space<vmem>>, vector<16xi32>,
    tpu.vector_store %arg14[%swap3A_561], %bitcast3A_560 {strides = array<i32>} : memref<960xi32, #tpu.memory_space<vmem>>, vector<16xi32>,
    %get3A_563 = arith.constant 752 : index
    %get3A_564 = tpu.vector_load %arg10[%get3A_563] {strides = array<i32>} : memref<960xf32, #tpu.memory_space<vmem>>, vector<16xf32>,
    %bitcast3A_565 = vector.bitcast %get3A_564 : vector<16xf32> to vector<16xi32>
    %swap3A_566 = arith.constant 752 : index
    %swap3A_567 = tpu.vector_load %arg14[%swap3A_566] {strides = array<i32>} : memref<960xi32, #tpu.memory_space<vmem>>, vector<16xi32>,
    tpu.vector_store %arg14[%swap3A_566], %bitcast3A_565 {strides = array<i32>} : memref<960xi32, #tpu.memory_space<vmem>>, vector<16xi32>,
    %get3A_568 = arith.constant 768 : index
    %get3A_569 = tpu.vector_load %arg10[%get3A_568] {strides = array<i32>} : memref<960xf32, #tpu.memory_space<vmem>>, vector<16xf32>,
    %bitcast3A_570 = vector.bitcast %get3A_569 : vector<16xf32> to vector<16xi32>
    %swap3A_571 = arith.constant 768 : index
    %swap3A_572 = tpu.vector_load %arg14[%swap3A_571] {strides = array<i32>} : memref<960xi32, #tpu.memory_space<vmem>>, vector<16xi32>,
    tpu.vector_store %arg14[%swap3A_571], %bitcast3A_570 {strides = array<i32>} : memref<960xi32, #tpu.memory_space<vmem>>, vector<16xi32>,
    %get3A_573 = arith.constant 784 : index
    %get3A_574 = tpu.vector_load %arg10[%get3A_573] {strides = array<i32>} : memref<960xf32, #tpu.memory_space<vmem>>, vector<16xf32>,
    %bitcast3A_575 = vector.bitcast %get3A_574 : vector<16xf32> to vector<16xi32>
    %swap3A_576 = arith.constant 784 : index
    %swap3A_577 = tpu.vector_load %arg14[%swap3A_576] {strides = array<i32>} : memref<960xi32, #tpu.memory_space<vmem>>, vector<16xi32>,
    tpu.vector_store %arg14[%swap3A_576], %bitcast3A_575 {strides = array<i32>} : memref<960xi32, #tpu.memory_space<vmem>>, vector<16xi32>,
    %get3A_578 = arith.constant 800 : index
    %get3A_579 = tpu.vector_load %arg10[%get3A_578] {strides = array<i32>} : memref<960xf32, #tpu.memory_space<vmem>>, vector<16xf32>,
    %bitcast3A_580 = vector.bitcast %get3A_579 : vector<16xf32> to vector<16xi32>
    %swap3A_581 = arith.constant 800 : index
    %swap3A_582 = tpu.vector_load %arg14[%swap3A_581] {strides = array<i32>} : memref<960xi32, #tpu.memory_space<vmem>>, vector<16xi32>,
    tpu.vector_store %arg14[%swap3A_581], %bitcast3A_580 {strides = array<i32>} : memref<960xi32, #tpu.memory_space<vmem>>, vector<16xi32>,
    %get3A_583 = arith.constant 816 : index
    %get3A_584 = tpu.vector_load %arg10[%get3A_583] {strides = array<i32>} : memref<960xf32, #tpu.memory_space<vmem>>, vector<16xf32>,
    %bitcast3A_585 = vector.bitcast %get3A_584 : vector<16xf32> to vector<16xi32>
    %swap3A_586 = arith.constant 816 : index
    %swap3A_587 = tpu.vector_load %arg14[%swap3A_586] {strides = array<i32>} : memref<960xi32, #tpu.memory_space<vmem>>, vector<16xi32>,
    tpu.vector_store %arg14[%swap3A_586], %bitcast3A_585 {strides = array<i32>} : memref<960xi32, #tpu.memory_space<vmem>>, vector<16xi32>,
    %get3A_588 = arith.constant 832 : index
    %get3A_589 = tpu.vector_load %arg10[%get3A_588] {strides = array<i32>} : memref<960xf32, #tpu.memory_space<vmem>>, vector<16xf32>,
    %bitcast3A_590 = vector.bitcast %get3A_589 : vector<16xf32> to vector<16xi32>
    %swap3A_591 = arith.constant 832 : index
    %swap3A_592 = tpu.vector_load %arg14[%swap3A_591] {strides = array<i32>} : memref<960xi32, #tpu.memory_space<vmem>>, vector<16xi32>,
    tpu.vector_store %arg14[%swap3A_591], %bitcast3A_590 {strides = array<i32>} : memref<960xi32, #tpu.memory_space<vmem>>, vector<16xi32>,
    %get3A_593 = arith.constant 848 : index
    %get3A_594 = tpu.vector_load %arg10[%get3A_593] {strides = array<i32>} : memref<960xf32, #tpu.memory_space<vmem>>, vector<16xf32>,
    %bitcast3A_595 = vector.bitcast %get3A_594 : vector<16xf32> to vector<16xi32>
    %swap3A_596 = arith.constant 848 : index
    %swap3A_597 = tpu.vector_load %arg14[%swap3A_596] {strides = array<i32>} : memref<960xi32, #tpu.memory_space<vmem>>, vector<16xi32>,
    tpu.vector_store %arg14[%swap3A_596], %bitcast3A_595 {strides = array<i32>} : memref<960xi32, #tpu.memory_space<vmem>>, vector<16xi32>,
    %get3A_598 = arith.constant 864 : index
    %get3A_599 = tpu.vector_load %arg10[%get3A_598] {strides = array<i32>} : memref<960xf32, #tpu.memory_space<vmem>>, vector<16xf32>,
    %bitcast3A_600 = vector.bitcast %get3A_599 : vector<16xf32> to vector<16xi32>
    %swap3A_601 = arith.constant 864 : index
    %swap3A_602 = tpu.vector_load %arg14[%swap3A_601] {strides = array<i32>} : memref<960xi32, #tpu.memory_space<vmem>>, vector<16xi32>,
    tpu.vector_store %arg14[%swap3A_601], %bitcast3A_600 {strides = array<i32>} : memref<960xi32, #tpu.memory_space<vmem>>, vector<16xi32>,
    %get3A_603 = arith.constant 880 : index
    %get3A_604 = tpu.vector_load %arg10[%get3A_603] {strides = array<i32>} : memref<960xf32, #tpu.memory_space<vmem>>, vector<16xf32>,
    %bitcast3A_605 = vector.bitcast %get3A_604 : vector<16xf32> to vector<16xi32>
    %swap3A_606 = arith.constant 880 : index
    %swap3A_607 = tpu.vector_load %arg14[%swap3A_606] {strides = array<i32>} : memref<960xi32, #tpu.memory_space<vmem>>, vector<16xi32>,
    tpu.vector_store %arg14[%swap3A_606], %bitcast3A_605 {strides = array<i32>} : memref<960xi32, #tpu.memory_space<vmem>>, vector<16xi32>,
    %get3A_608 = arith.constant 896 : index
    %get3A_609 = tpu.vector_load %arg10[%get3A_608] {strides = array<i32>} : memref<960xf32, #tpu.memory_space<vmem>>, vector<16xf32>,
    %bitcast3A_610 = vector.bitcast %get3A_609 : vector<16xf32> to vector<16xi32>
    %swap3A_611 = arith.constant 896 : index
    %swap3A_612 = tpu.vector_load %arg14[%swap3A_611] {strides = array<i32>} : memref<960xi32, #tpu.memory_space<vmem>>, vector<16xi32>,
    tpu.vector_store %arg14[%swap3A_611], %bitcast3A_610 {strides = array<i32>} : memref<960xi32, #tpu.memory_space<vmem>>, vector<16xi32>,
    %get3A_613 = arith.constant 912 : index
    %get3A_614 = tpu.vector_load %arg10[%get3A_613] {strides = array<i32>} : memref<960xf32, #tpu.memory_space<vmem>>, vector<16xf32>,
    %bitcast3A_615 = vector.bitcast %get3A_614 : vector<16xf32> to vector<16xi32>
    %swap3A_616 = arith.constant 912 : index
    %swap3A_617 = tpu.vector_load %arg14[%swap3A_616] {strides = array<i32>} : memref<960xi32, #tpu.memory_space<vmem>>, vector<16xi32>,
    tpu.vector_store %arg14[%swap3A_616], %bitcast3A_615 {strides = array<i32>} : memref<960xi32, #tpu.memory_space<vmem>>, vector<16xi32>,
    %get3A_618 = arith.constant 928 : index
    %get3A_619 = tpu.vector_load %arg10[%get3A_618] {strides = array<i32>} : memref<960xf32, #tpu.memory_space<vmem>>, vector<16xf32>,
    %bitcast3A_620 = vector.bitcast %get3A_619 : vector<16xf32> to vector<16xi32>
    %swap3A_621 = arith.constant 928 : index
    %swap3A_622 = tpu.vector_load %arg14[%swap3A_621] {strides = array<i32>} : memref<960xi32, #tpu.memory_space<vmem>>, vector<16xi32>,
    tpu.vector_store %arg14[%swap3A_621], %bitcast3A_620 {strides = array<i32>} : memref<960xi32, #tpu.memory_space<vmem>>, vector<16xi32>,
    %get3A_623 = arith.constant 944 : index
    %get3A_624 = tpu.vector_load %arg10[%get3A_623] {strides = array<i32>} : memref<960xf32, #tpu.memory_space<vmem>>, vector<16xf32>,
    %bitcast3A_625 = vector.bitcast %get3A_624 : vector<16xf32> to vector<16xi32>
    %swap3A_626 = arith.constant 944 : index
    %swap3A_627 = tpu.vector_load %arg14[%swap3A_626] {strides = array<i32>} : memref<960xi32, #tpu.memory_space<vmem>>, vector<16xi32>,
    tpu.vector_store %arg14[%swap3A_626], %bitcast3A_625 {strides = array<i32>} : memref<960xi32, #tpu.memory_space<vmem>>, vector<16xi32>,
    %dma_start3A_628 = arith.constant 0 : i32
    %dma_start3A_629 = arith.constant 0 : i32
    %dma_start3A_630 = tpu.memref_slice %arg5[%dma_start3A_628, %dma_start3A_629] : memref<1000000x32xf32, #tpu.memory_space<hbm>> -> memref<1000000x32xf32, #tpu.memory_space<hbm>>
    tpu.enqueue_indirect_dma source(%dma_start3A_630 : memref<1000000x32xf32, #tpu.memory_space<hbm>>) target(%arg16 : memref<16x32xf32, #tpu.memory_space<vmem>>) offsets(%arg12 : memref<16xi32, #tpu.memory_space<vmem>>) semaphore(%arg24 : memref<!tpu.dma_semaphore, #tpu.memory_space<semaphore_mem>>)
    %dma_start3A_631 = arith.constant 0 : i32
    %dma_start3A_632 = arith.constant 0 : i32
    %dma_start3A_633 = tpu.memref_slice %arg6[%dma_start3A_631, %dma_start3A_632] : memref<1000000x32xf32, #tpu.memory_space<hbm>> -> memref<1000000x32xf32, #tpu.memory_space<hbm>>
    tpu.enqueue_indirect_dma source(%dma_start3A_633 : memref<1000000x32xf32, #tpu.memory_space<hbm>>) target(%arg18 : memref<960x32xf32, #tpu.memory_space<vmem>>) offsets(%arg14 : memref<960xi32, #tpu.memory_space<vmem>>) semaphore(%arg24 : memref<!tpu.dma_semaphore, #tpu.memory_space<semaphore_mem>>)
    %scan3A = arith.constant 0 : i32
    %scan3A_634 = arith.constant 0 : i32
    %scan3A_635 = arith.constant 32 : i32
    %scan3A_636 = arith.addi %scan3A_634, %scan3A_635 : i32
    %scan3A_637 = arith.constant 1 : i32
    scf.for %scan3A_639 = %scan3A_634 to %scan3A_636 step %scan3A_637  : i32 {
      %mul3A_640 = arith.constant 2 : i32
      %mul3A_641 = arith.muli %mul3A_640, %scan3A_639 : i32
      %dma_wait3A_642 = arith.constant 0 : i32
      %dma_wait3A_643 = arith.constant 0 : i32
      %dma_wait3A_644 = tpu.memref_slice %arg5[%dma_wait3A_642, %dma_wait3A_643] : memref<1000000x32xf32, #tpu.memory_space<hbm>> -> memref<1000000x32xf32, #tpu.memory_space<hbm>>
      tpu.wait_indirect_dma semaphore(%arg24 : memref<!tpu.dma_semaphore, #tpu.memory_space<semaphore_mem>>) src(%dma_wait3A_644 : memref<1000000x32xf32, #tpu.memory_space<hbm>>) dst(%arg16 : memref<16x32xf32, #tpu.memory_space<vmem>>)
      %dma_wait3A_645 = arith.constant 0 : i32
      %dma_wait3A_646 = arith.constant 0 : i32
      %dma_wait3A_647 = tpu.memref_slice %arg6[%dma_wait3A_645, %dma_wait3A_646] : memref<1000000x32xf32, #tpu.memory_space<hbm>> -> memref<1000000x32xf32, #tpu.memory_space<hbm>>
      tpu.wait_indirect_dma semaphore(%arg24 : memref<!tpu.dma_semaphore, #tpu.memory_space<semaphore_mem>>) src(%dma_wait3A_647 : memref<1000000x32xf32, #tpu.memory_space<hbm>>) dst(%arg18 : memref<960x32xf32, #tpu.memory_space<vmem>>)
      %add3A_648 = arith.constant 2 : i32
      %add3A_649 = arith.addi %mul3A_641, %add3A_648 : i32
      %lt3A_650 = arith.constant 64 : i32
      %lt3A_651 = arith.cmpi slt, %add3A_649, %lt3A_650 : i32
      %convert_element_type3A = arith.extui %lt3A_651 : i1 to i32
      %cond3A = arith.constant 0 : i32
      %cond3A_652 = arith.cmpi ne, %convert_element_type3A, %cond3A : i32
      scf.if %cond3A_652 {
        %add3A_696 = arith.constant 2 : i32
        %add3A_697 = arith.addi %mul3A_641, %add3A_696 : i32
        %mul3A_698 = arith.constant 8 : i32
        %mul3A_699 = arith.muli %add3A_697, %mul3A_698 : i32
        %add3A_700 = arith.addi %mul3A_2, %mul3A_699 : i32
        %dma_start3A_701 = arith.constant 0 : i32
        %dma_start3A_702 = tpu.memref_slice %arg8[%dma_start3A_701] : memref<16xf32, #tpu.memory_space<vmem>> -> memref<8xf32, #tpu.memory_space<vmem>>
        %dma_start3A_703 = tpu.memref_slice %arg2[%add3A_700] : memref<16384xf32, #tpu.memory_space<hbm>> -> memref<8xf32, #tpu.memory_space<hbm>>
        %dma_start3A_704 = arith.constant 0 : i32
        %dma_start3A_705 = tpu.memref_slice %arg8[%dma_start3A_704] : memref<16xf32, #tpu.memory_space<vmem>> -> memref<8xf32, #tpu.memory_space<vmem>>
        %dma_start3A_706 = tpu.memref_slice %arg2[%add3A_700] : memref<16384xf32, #tpu.memory_space<hbm>> -> memref<8xf32, #tpu.memory_space<hbm>>
        tpu.enqueue_dma source(%dma_start3A_706 : memref<8xf32, #tpu.memory_space<hbm>>) target(%dma_start3A_705 : memref<8xf32, #tpu.memory_space<vmem>>) target_semaphore(%arg22 : memref<!tpu.dma_semaphore, #tpu.memory_space<semaphore_mem>>)
        %mul3A_707 = arith.constant 20 : i32
        %mul3A_708 = arith.muli %add3A_700, %mul3A_707 : i32
        %dma_start3A_709 = arith.constant 0 : i32
        %dma_start3A_710 = tpu.memref_slice %arg10[%dma_start3A_709] : memref<960xf32, #tpu.memory_space<vmem>> -> memref<160xf32, #tpu.memory_space<vmem>>
        %dma_start3A_711 = tpu.memref_slice %arg3[%mul3A_708] : memref<327680xf32, #tpu.memory_space<hbm>> -> memref<160xf32, #tpu.memory_space<hbm>>
        %dma_start3A_712 = arith.constant 0 : i32
        %dma_start3A_713 = tpu.memref_slice %arg10[%dma_start3A_712] : memref<960xf32, #tpu.memory_space<vmem>> -> memref<160xf32, #tpu.memory_space<vmem>>
        %dma_start3A_714 = tpu.memref_slice %arg3[%mul3A_708] : memref<327680xf32, #tpu.memory_space<hbm>> -> memref<160xf32, #tpu.memory_space<hbm>>
        tpu.enqueue_dma source(%dma_start3A_714 : memref<160xf32, #tpu.memory_space<hbm>>) target(%dma_start3A_713 : memref<160xf32, #tpu.memory_space<vmem>>) target_semaphore(%arg22 : memref<!tpu.dma_semaphore, #tpu.memory_space<semaphore_mem>>)
        %mul3A_715 = arith.constant 100 : i32
        %mul3A_716 = arith.muli %add3A_700, %mul3A_715 : i32
        %dma_start3A_717 = arith.constant 160 : i32
        %dma_start3A_718 = tpu.memref_slice %arg10[%dma_start3A_717] : memref<960xf32, #tpu.memory_space<vmem>> -> memref<800xf32, #tpu.memory_space<vmem>>
        %dma_start3A_719 = tpu.memref_slice %arg4[%mul3A_716] : memref<1638400xf32, #tpu.memory_space<hbm>> -> memref<800xf32, #tpu.memory_space<hbm>>
        %dma_start3A_720 = arith.constant 160 : i32
        %dma_start3A_721 = tpu.memref_slice %arg10[%dma_start3A_720] : memref<960xf32, #tpu.memory_space<vmem>> -> memref<800xf32, #tpu.memory_space<vmem>>
        %dma_start3A_722 = tpu.memref_slice %arg4[%mul3A_716] : memref<1638400xf32, #tpu.memory_space<hbm>> -> memref<800xf32, #tpu.memory_space<hbm>>
        tpu.enqueue_dma source(%dma_start3A_722 : memref<800xf32, #tpu.memory_space<hbm>>) target(%dma_start3A_721 : memref<800xf32, #tpu.memory_space<vmem>>) target_semaphore(%arg22 : memref<!tpu.dma_semaphore, #tpu.memory_space<semaphore_mem>>)
      } else {
      }
      %add3A_653 = arith.constant 1 : i32
      %add3A_654 = arith.addi %mul3A_641, %add3A_653 : i32
      %lt3A_655 = arith.constant 64 : i32
      %lt3A_656 = arith.cmpi slt, %add3A_654, %lt3A_655 : i32
      %convert_element_type3A_657 = arith.extui %lt3A_656 : i1 to i32
      %cond3A_658 = arith.constant 0 : i32
      %cond3A_659 = arith.cmpi ne, %convert_element_type3A_657, %cond3A_658 : i32
      scf.if %cond3A_659 {
        %add3A_696 = arith.constant 1 : i32
        %add3A_697 = arith.addi %mul3A_641, %add3A_696 : i32
        %mul3A_698 = arith.constant 8 : i32
        %mul3A_699 = arith.muli %add3A_697, %mul3A_698 : i32
        %add3A_700 = arith.addi %mul3A_2, %mul3A_699 : i32
        %dma_wait3A_701 = arith.constant 0 : i32
        %dma_wait3A_702 = tpu.memref_slice %arg9[%dma_wait3A_701] : memref<16xf32, #tpu.memory_space<vmem>> -> memref<8xf32, #tpu.memory_space<vmem>>
        %dma_wait3A_703 = tpu.memref_slice %arg2[%add3A_700] : memref<16384xf32, #tpu.memory_space<hbm>> -> memref<8xf32, #tpu.memory_space<hbm>>
        %dma_wait3A_704 = arith.constant 0 : i32
        %dma_wait3A_705 = tpu.memref_slice %arg9[%dma_wait3A_704] : memref<16xf32, #tpu.memory_space<vmem>> -> memref<8xf32, #tpu.memory_space<vmem>>
        %dma_wait3A_706 = tpu.memref_slice %arg2[%add3A_700] : memref<16384xf32, #tpu.memory_space<hbm>> -> memref<8xf32, #tpu.memory_space<hbm>>
        tpu.wait_dma2 semaphore(%arg23 : memref<!tpu.dma_semaphore, #tpu.memory_space<semaphore_mem>>) src(%dma_wait3A_706 : memref<8xf32, #tpu.memory_space<hbm>>) dst(%dma_wait3A_705 : memref<8xf32, #tpu.memory_space<vmem>>)
        %mul3A_707 = arith.constant 20 : i32
        %mul3A_708 = arith.muli %add3A_700, %mul3A_707 : i32
        %dma_wait3A_709 = arith.constant 0 : i32
        %dma_wait3A_710 = tpu.memref_slice %arg11[%dma_wait3A_709] : memref<960xf32, #tpu.memory_space<vmem>> -> memref<160xf32, #tpu.memory_space<vmem>>
        %dma_wait3A_711 = tpu.memref_slice %arg3[%mul3A_708] : memref<327680xf32, #tpu.memory_space<hbm>> -> memref<160xf32, #tpu.memory_space<hbm>>
        %dma_wait3A_712 = arith.constant 0 : i32
        %dma_wait3A_713 = tpu.memref_slice %arg11[%dma_wait3A_712] : memref<960xf32, #tpu.memory_space<vmem>> -> memref<160xf32, #tpu.memory_space<vmem>>
        %dma_wait3A_714 = tpu.memref_slice %arg3[%mul3A_708] : memref<327680xf32, #tpu.memory_space<hbm>> -> memref<160xf32, #tpu.memory_space<hbm>>
        tpu.wait_dma2 semaphore(%arg23 : memref<!tpu.dma_semaphore, #tpu.memory_space<semaphore_mem>>) src(%dma_wait3A_714 : memref<160xf32, #tpu.memory_space<hbm>>) dst(%dma_wait3A_713 : memref<160xf32, #tpu.memory_space<vmem>>)
        %mul3A_715 = arith.constant 100 : i32
        %mul3A_716 = arith.muli %add3A_700, %mul3A_715 : i32
        %dma_wait3A_717 = arith.constant 160 : i32
        %dma_wait3A_718 = tpu.memref_slice %arg11[%dma_wait3A_717] : memref<960xf32, #tpu.memory_space<vmem>> -> memref<800xf32, #tpu.memory_space<vmem>>
        %dma_wait3A_719 = tpu.memref_slice %arg4[%mul3A_716] : memref<1638400xf32, #tpu.memory_space<hbm>> -> memref<800xf32, #tpu.memory_space<hbm>>
        %dma_wait3A_720 = arith.constant 160 : i32
        %dma_wait3A_721 = tpu.memref_slice %arg11[%dma_wait3A_720] : memref<960xf32, #tpu.memory_space<vmem>> -> memref<800xf32, #tpu.memory_space<vmem>>
        %dma_wait3A_722 = tpu.memref_slice %arg4[%mul3A_716] : memref<1638400xf32, #tpu.memory_space<hbm>> -> memref<800xf32, #tpu.memory_space<hbm>>
        tpu.wait_dma2 semaphore(%arg23 : memref<!tpu.dma_semaphore, #tpu.memory_space<semaphore_mem>>) src(%dma_wait3A_722 : memref<800xf32, #tpu.memory_space<hbm>>) dst(%dma_wait3A_721 : memref<800xf32, #tpu.memory_space<vmem>>)
        %get3A_723 = arith.constant 0 : index
        %get3A_724 = tpu.vector_load %arg9[%get3A_723] {strides = array<i32>} : memref<16xf32, #tpu.memory_space<vmem>>, vector<16xf32>,
        %bitcast3A_725 = vector.bitcast %get3A_724 : vector<16xf32> to vector<16xi32>
        %max3A_726 = arith.constant 0 : i32
        %max3A_727 = vector.broadcast %max3A_726 : i32 to vector<16xi32>
        %max3A_728 = arith.maxsi %bitcast3A_725, %max3A_727 : vector<16xi32>
        %min3A_729 = arith.constant 999999 : i32
        %min3A_730 = vector.broadcast %min3A_729 : i32 to vector<16xi32>
        %min3A_731 = arith.minsi %max3A_728, %min3A_730 : vector<16xi32>
        %swap3A_732 = arith.constant 0 : index
        %swap3A_733 = tpu.vector_load %arg13[%swap3A_732] {strides = array<i32>} : memref<16xi32, #tpu.memory_space<vmem>>, vector<16xi32>,
        tpu.vector_store %arg13[%swap3A_732], %min3A_731 {strides = array<i32>} : memref<16xi32, #tpu.memory_space<vmem>>, vector<16xi32>,
        %get3A_734 = arith.constant 0 : index
        %get3A_735 = tpu.vector_load %arg11[%get3A_734] {strides = array<i32>} : memref<960xf32, #tpu.memory_space<vmem>>, vector<16xf32>,
        %bitcast3A_736 = vector.bitcast %get3A_735 : vector<16xf32> to vector<16xi32>
        %swap3A_737 = arith.constant 0 : index
        %swap3A_738 = tpu.vector_load %arg15[%swap3A_737] {strides = array<i32>} : memref<960xi32, #tpu.memory_space<vmem>>, vector<16xi32>,
        tpu.vector_store %arg15[%swap3A_737], %bitcast3A_736 {strides = array<i32>} : memref<960xi32, #tpu.memory_space<vmem>>, vector<16xi32>,
        %get3A_739 = arith.constant 16 : index
        %get3A_740 = tpu.vector_load %arg11[%get3A_739] {strides = array<i32>} : memref<960xf32, #tpu.memory_space<vmem>>, vector<16xf32>,
        %bitcast3A_741 = vector.bitcast %get3A_740 : vector<16xf32> to vector<16xi32>
        %swap3A_742 = arith.constant 16 : index
        %swap3A_743 = tpu.vector_load %arg15[%swap3A_742] {strides = array<i32>} : memref<960xi32, #tpu.memory_space<vmem>>, vector<16xi32>,
        tpu.vector_store %arg15[%swap3A_742], %bitcast3A_741 {strides = array<i32>} : memref<960xi32, #tpu.memory_space<vmem>>, vector<16xi32>,
        %get3A_744 = arith.constant 32 : index
        %get3A_745 = tpu.vector_load %arg11[%get3A_744] {strides = array<i32>} : memref<960xf32, #tpu.memory_space<vmem>>, vector<16xf32>,
        %bitcast3A_746 = vector.bitcast %get3A_745 : vector<16xf32> to vector<16xi32>
        %swap3A_747 = arith.constant 32 : index
        %swap3A_748 = tpu.vector_load %arg15[%swap3A_747] {strides = array<i32>} : memref<960xi32, #tpu.memory_space<vmem>>, vector<16xi32>,
        tpu.vector_store %arg15[%swap3A_747], %bitcast3A_746 {strides = array<i32>} : memref<960xi32, #tpu.memory_space<vmem>>, vector<16xi32>,
        %get3A_749 = arith.constant 48 : index
        %get3A_750 = tpu.vector_load %arg11[%get3A_749] {strides = array<i32>} : memref<960xf32, #tpu.memory_space<vmem>>, vector<16xf32>,
        %bitcast3A_751 = vector.bitcast %get3A_750 : vector<16xf32> to vector<16xi32>
        %swap3A_752 = arith.constant 48 : index
        %swap3A_753 = tpu.vector_load %arg15[%swap3A_752] {strides = array<i32>} : memref<960xi32, #tpu.memory_space<vmem>>, vector<16xi32>,
        tpu.vector_store %arg15[%swap3A_752], %bitcast3A_751 {strides = array<i32>} : memref<960xi32, #tpu.memory_space<vmem>>, vector<16xi32>,
        %get3A_754 = arith.constant 64 : index
        %get3A_755 = tpu.vector_load %arg11[%get3A_754] {strides = array<i32>} : memref<960xf32, #tpu.memory_space<vmem>>, vector<16xf32>,
        %bitcast3A_756 = vector.bitcast %get3A_755 : vector<16xf32> to vector<16xi32>
        %swap3A_757 = arith.constant 64 : index
        %swap3A_758 = tpu.vector_load %arg15[%swap3A_757] {strides = array<i32>} : memref<960xi32, #tpu.memory_space<vmem>>, vector<16xi32>,
        tpu.vector_store %arg15[%swap3A_757], %bitcast3A_756 {strides = array<i32>} : memref<960xi32, #tpu.memory_space<vmem>>, vector<16xi32>,
        %get3A_759 = arith.constant 80 : index
        %get3A_760 = tpu.vector_load %arg11[%get3A_759] {strides = array<i32>} : memref<960xf32, #tpu.memory_space<vmem>>, vector<16xf32>,
        %bitcast3A_761 = vector.bitcast %get3A_760 : vector<16xf32> to vector<16xi32>
        %swap3A_762 = arith.constant 80 : index
        %swap3A_763 = tpu.vector_load %arg15[%swap3A_762] {strides = array<i32>} : memref<960xi32, #tpu.memory_space<vmem>>, vector<16xi32>,
        tpu.vector_store %arg15[%swap3A_762], %bitcast3A_761 {strides = array<i32>} : memref<960xi32, #tpu.memory_space<vmem>>, vector<16xi32>,
        %get3A_764 = arith.constant 96 : index
        %get3A_765 = tpu.vector_load %arg11[%get3A_764] {strides = array<i32>} : memref<960xf32, #tpu.memory_space<vmem>>, vector<16xf32>,
        %bitcast3A_766 = vector.bitcast %get3A_765 : vector<16xf32> to vector<16xi32>
        %swap3A_767 = arith.constant 96 : index
        %swap3A_768 = tpu.vector_load %arg15[%swap3A_767] {strides = array<i32>} : memref<960xi32, #tpu.memory_space<vmem>>, vector<16xi32>,
        tpu.vector_store %arg15[%swap3A_767], %bitcast3A_766 {strides = array<i32>} : memref<960xi32, #tpu.memory_space<vmem>>, vector<16xi32>,
        %get3A_769 = arith.constant 112 : index
        %get3A_770 = tpu.vector_load %arg11[%get3A_769] {strides = array<i32>} : memref<960xf32, #tpu.memory_space<vmem>>, vector<16xf32>,
        %bitcast3A_771 = vector.bitcast %get3A_770 : vector<16xf32> to vector<16xi32>
        %swap3A_772 = arith.constant 112 : index
        %swap3A_773 = tpu.vector_load %arg15[%swap3A_772] {strides = array<i32>} : memref<960xi32, #tpu.memory_space<vmem>>, vector<16xi32>,
        tpu.vector_store %arg15[%swap3A_772], %bitcast3A_771 {strides = array<i32>} : memref<960xi32, #tpu.memory_space<vmem>>, vector<16xi32>,
        %get3A_774 = arith.constant 128 : index
        %get3A_775 = tpu.vector_load %arg11[%get3A_774] {strides = array<i32>} : memref<960xf32, #tpu.memory_space<vmem>>, vector<16xf32>,
        %bitcast3A_776 = vector.bitcast %get3A_775 : vector<16xf32> to vector<16xi32>
        %swap3A_777 = arith.constant 128 : index
        %swap3A_778 = tpu.vector_load %arg15[%swap3A_777] {strides = array<i32>} : memref<960xi32, #tpu.memory_space<vmem>>, vector<16xi32>,
        tpu.vector_store %arg15[%swap3A_777], %bitcast3A_776 {strides = array<i32>} : memref<960xi32, #tpu.memory_space<vmem>>, vector<16xi32>,
        %get3A_779 = arith.constant 144 : index
        %get3A_780 = tpu.vector_load %arg11[%get3A_779] {strides = array<i32>} : memref<960xf32, #tpu.memory_space<vmem>>, vector<16xf32>,
        %bitcast3A_781 = vector.bitcast %get3A_780 : vector<16xf32> to vector<16xi32>
        %swap3A_782 = arith.constant 144 : index
        %swap3A_783 = tpu.vector_load %arg15[%swap3A_782] {strides = array<i32>} : memref<960xi32, #tpu.memory_space<vmem>>, vector<16xi32>,
        tpu.vector_store %arg15[%swap3A_782], %bitcast3A_781 {strides = array<i32>} : memref<960xi32, #tpu.memory_space<vmem>>, vector<16xi32>,
        %get3A_784 = arith.constant 160 : index
        %get3A_785 = tpu.vector_load %arg11[%get3A_784] {strides = array<i32>} : memref<960xf32, #tpu.memory_space<vmem>>, vector<16xf32>,
        %bitcast3A_786 = vector.bitcast %get3A_785 : vector<16xf32> to vector<16xi32>
        %swap3A_787 = arith.constant 160 : index
        %swap3A_788 = tpu.vector_load %arg15[%swap3A_787] {strides = array<i32>} : memref<960xi32, #tpu.memory_space<vmem>>, vector<16xi32>,
        tpu.vector_store %arg15[%swap3A_787], %bitcast3A_786 {strides = array<i32>} : memref<960xi32, #tpu.memory_space<vmem>>, vector<16xi32>,
        %get3A_789 = arith.constant 176 : index
        %get3A_790 = tpu.vector_load %arg11[%get3A_789] {strides = array<i32>} : memref<960xf32, #tpu.memory_space<vmem>>, vector<16xf32>,
        %bitcast3A_791 = vector.bitcast %get3A_790 : vector<16xf32> to vector<16xi32>
        %swap3A_792 = arith.constant 176 : index
        %swap3A_793 = tpu.vector_load %arg15[%swap3A_792] {strides = array<i32>} : memref<960xi32, #tpu.memory_space<vmem>>, vector<16xi32>,
        tpu.vector_store %arg15[%swap3A_792], %bitcast3A_791 {strides = array<i32>} : memref<960xi32, #tpu.memory_space<vmem>>, vector<16xi32>,
        %get3A_794 = arith.constant 192 : index
        %get3A_795 = tpu.vector_load %arg11[%get3A_794] {strides = array<i32>} : memref<960xf32, #tpu.memory_space<vmem>>, vector<16xf32>,
        %bitcast3A_796 = vector.bitcast %get3A_795 : vector<16xf32> to vector<16xi32>
        %swap3A_797 = arith.constant 192 : index
        %swap3A_798 = tpu.vector_load %arg15[%swap3A_797] {strides = array<i32>} : memref<960xi32, #tpu.memory_space<vmem>>, vector<16xi32>,
        tpu.vector_store %arg15[%swap3A_797], %bitcast3A_796 {strides = array<i32>} : memref<960xi32, #tpu.memory_space<vmem>>, vector<16xi32>,
        %get3A_799 = arith.constant 208 : index
        %get3A_800 = tpu.vector_load %arg11[%get3A_799] {strides = array<i32>} : memref<960xf32, #tpu.memory_space<vmem>>, vector<16xf32>,
        %bitcast3A_801 = vector.bitcast %get3A_800 : vector<16xf32> to vector<16xi32>
        %swap3A_802 = arith.constant 208 : index
        %swap3A_803 = tpu.vector_load %arg15[%swap3A_802] {strides = array<i32>} : memref<960xi32, #tpu.memory_space<vmem>>, vector<16xi32>,
        tpu.vector_store %arg15[%swap3A_802], %bitcast3A_801 {strides = array<i32>} : memref<960xi32, #tpu.memory_space<vmem>>, vector<16xi32>,
        %get3A_804 = arith.constant 224 : index
        %get3A_805 = tpu.vector_load %arg11[%get3A_804] {strides = array<i32>} : memref<960xf32, #tpu.memory_space<vmem>>, vector<16xf32>,
        %bitcast3A_806 = vector.bitcast %get3A_805 : vector<16xf32> to vector<16xi32>
        %swap3A_807 = arith.constant 224 : index
        %swap3A_808 = tpu.vector_load %arg15[%swap3A_807] {strides = array<i32>} : memref<960xi32, #tpu.memory_space<vmem>>, vector<16xi32>,
        tpu.vector_store %arg15[%swap3A_807], %bitcast3A_806 {strides = array<i32>} : memref<960xi32, #tpu.memory_space<vmem>>, vector<16xi32>,
        %get3A_809 = arith.constant 240 : index
        %get3A_810 = tpu.vector_load %arg11[%get3A_809] {strides = array<i32>} : memref<960xf32, #tpu.memory_space<vmem>>, vector<16xf32>,
        %bitcast3A_811 = vector.bitcast %get3A_810 : vector<16xf32> to vector<16xi32>
        %swap3A_812 = arith.constant 240 : index
        %swap3A_813 = tpu.vector_load %arg15[%swap3A_812] {strides = array<i32>} : memref<960xi32, #tpu.memory_space<vmem>>, vector<16xi32>,
        tpu.vector_store %arg15[%swap3A_812], %bitcast3A_811 {strides = array<i32>} : memref<960xi32, #tpu.memory_space<vmem>>, vector<16xi32>,
        %get3A_814 = arith.constant 256 : index
        %get3A_815 = tpu.vector_load %arg11[%get3A_814] {strides = array<i32>} : memref<960xf32, #tpu.memory_space<vmem>>, vector<16xf32>,
        %bitcast3A_816 = vector.bitcast %get3A_815 : vector<16xf32> to vector<16xi32>
        %swap3A_817 = arith.constant 256 : index
        %swap3A_818 = tpu.vector_load %arg15[%swap3A_817] {strides = array<i32>} : memref<960xi32, #tpu.memory_space<vmem>>, vector<16xi32>,
        tpu.vector_store %arg15[%swap3A_817], %bitcast3A_816 {strides = array<i32>} : memref<960xi32, #tpu.memory_space<vmem>>, vector<16xi32>,
        %get3A_819 = arith.constant 272 : index
        %get3A_820 = tpu.vector_load %arg11[%get3A_819] {strides = array<i32>} : memref<960xf32, #tpu.memory_space<vmem>>, vector<16xf32>,
        %bitcast3A_821 = vector.bitcast %get3A_820 : vector<16xf32> to vector<16xi32>
        %swap3A_822 = arith.constant 272 : index
        %swap3A_823 = tpu.vector_load %arg15[%swap3A_822] {strides = array<i32>} : memref<960xi32, #tpu.memory_space<vmem>>, vector<16xi32>,
        tpu.vector_store %arg15[%swap3A_822], %bitcast3A_821 {strides = array<i32>} : memref<960xi32, #tpu.memory_space<vmem>>, vector<16xi32>,
        %get3A_824 = arith.constant 288 : index
        %get3A_825 = tpu.vector_load %arg11[%get3A_824] {strides = array<i32>} : memref<960xf32, #tpu.memory_space<vmem>>, vector<16xf32>,
        %bitcast3A_826 = vector.bitcast %get3A_825 : vector<16xf32> to vector<16xi32>
        %swap3A_827 = arith.constant 288 : index
        %swap3A_828 = tpu.vector_load %arg15[%swap3A_827] {strides = array<i32>} : memref<960xi32, #tpu.memory_space<vmem>>, vector<16xi32>,
        tpu.vector_store %arg15[%swap3A_827], %bitcast3A_826 {strides = array<i32>} : memref<960xi32, #tpu.memory_space<vmem>>, vector<16xi32>,
        %get3A_829 = arith.constant 304 : index
        %get3A_830 = tpu.vector_load %arg11[%get3A_829] {strides = array<i32>} : memref<960xf32, #tpu.memory_space<vmem>>, vector<16xf32>,
        %bitcast3A_831 = vector.bitcast %get3A_830 : vector<16xf32> to vector<16xi32>
        %swap3A_832 = arith.constant 304 : index
        %swap3A_833 = tpu.vector_load %arg15[%swap3A_832] {strides = array<i32>} : memref<960xi32, #tpu.memory_space<vmem>>, vector<16xi32>,
        tpu.vector_store %arg15[%swap3A_832], %bitcast3A_831 {strides = array<i32>} : memref<960xi32, #tpu.memory_space<vmem>>, vector<16xi32>,
        %get3A_834 = arith.constant 320 : index
        %get3A_835 = tpu.vector_load %arg11[%get3A_834] {strides = array<i32>} : memref<960xf32, #tpu.memory_space<vmem>>, vector<16xf32>,
        %bitcast3A_836 = vector.bitcast %get3A_835 : vector<16xf32> to vector<16xi32>
        %swap3A_837 = arith.constant 320 : index
        %swap3A_838 = tpu.vector_load %arg15[%swap3A_837] {strides = array<i32>} : memref<960xi32, #tpu.memory_space<vmem>>, vector<16xi32>,
        tpu.vector_store %arg15[%swap3A_837], %bitcast3A_836 {strides = array<i32>} : memref<960xi32, #tpu.memory_space<vmem>>, vector<16xi32>,
        %get3A_839 = arith.constant 336 : index
        %get3A_840 = tpu.vector_load %arg11[%get3A_839] {strides = array<i32>} : memref<960xf32, #tpu.memory_space<vmem>>, vector<16xf32>,
        %bitcast3A_841 = vector.bitcast %get3A_840 : vector<16xf32> to vector<16xi32>
        %swap3A_842 = arith.constant 336 : index
        %swap3A_843 = tpu.vector_load %arg15[%swap3A_842] {strides = array<i32>} : memref<960xi32, #tpu.memory_space<vmem>>, vector<16xi32>,
        tpu.vector_store %arg15[%swap3A_842], %bitcast3A_841 {strides = array<i32>} : memref<960xi32, #tpu.memory_space<vmem>>, vector<16xi32>,
        %get3A_844 = arith.constant 352 : index
        %get3A_845 = tpu.vector_load %arg11[%get3A_844] {strides = array<i32>} : memref<960xf32, #tpu.memory_space<vmem>>, vector<16xf32>,
        %bitcast3A_846 = vector.bitcast %get3A_845 : vector<16xf32> to vector<16xi32>
        %swap3A_847 = arith.constant 352 : index
        %swap3A_848 = tpu.vector_load %arg15[%swap3A_847] {strides = array<i32>} : memref<960xi32, #tpu.memory_space<vmem>>, vector<16xi32>,
        tpu.vector_store %arg15[%swap3A_847], %bitcast3A_846 {strides = array<i32>} : memref<960xi32, #tpu.memory_space<vmem>>, vector<16xi32>,
        %get3A_849 = arith.constant 368 : index
        %get3A_850 = tpu.vector_load %arg11[%get3A_849] {strides = array<i32>} : memref<960xf32, #tpu.memory_space<vmem>>, vector<16xf32>,
        %bitcast3A_851 = vector.bitcast %get3A_850 : vector<16xf32> to vector<16xi32>
        %swap3A_852 = arith.constant 368 : index
        %swap3A_853 = tpu.vector_load %arg15[%swap3A_852] {strides = array<i32>} : memref<960xi32, #tpu.memory_space<vmem>>, vector<16xi32>,
        tpu.vector_store %arg15[%swap3A_852], %bitcast3A_851 {strides = array<i32>} : memref<960xi32, #tpu.memory_space<vmem>>, vector<16xi32>,
        %get3A_854 = arith.constant 384 : index
        %get3A_855 = tpu.vector_load %arg11[%get3A_854] {strides = array<i32>} : memref<960xf32, #tpu.memory_space<vmem>>, vector<16xf32>,
        %bitcast3A_856 = vector.bitcast %get3A_855 : vector<16xf32> to vector<16xi32>
        %swap3A_857 = arith.constant 384 : index
        %swap3A_858 = tpu.vector_load %arg15[%swap3A_857] {strides = array<i32>} : memref<960xi32, #tpu.memory_space<vmem>>, vector<16xi32>,
        tpu.vector_store %arg15[%swap3A_857], %bitcast3A_856 {strides = array<i32>} : memref<960xi32, #tpu.memory_space<vmem>>, vector<16xi32>,
        %get3A_859 = arith.constant 400 : index
        %get3A_860 = tpu.vector_load %arg11[%get3A_859] {strides = array<i32>} : memref<960xf32, #tpu.memory_space<vmem>>, vector<16xf32>,
        %bitcast3A_861 = vector.bitcast %get3A_860 : vector<16xf32> to vector<16xi32>
        %swap3A_862 = arith.constant 400 : index
        %swap3A_863 = tpu.vector_load %arg15[%swap3A_862] {strides = array<i32>} : memref<960xi32, #tpu.memory_space<vmem>>, vector<16xi32>,
        tpu.vector_store %arg15[%swap3A_862], %bitcast3A_861 {strides = array<i32>} : memref<960xi32, #tpu.memory_space<vmem>>, vector<16xi32>,
        %get3A_864 = arith.constant 416 : index
        %get3A_865 = tpu.vector_load %arg11[%get3A_864] {strides = array<i32>} : memref<960xf32, #tpu.memory_space<vmem>>, vector<16xf32>,
        %bitcast3A_866 = vector.bitcast %get3A_865 : vector<16xf32> to vector<16xi32>
        %swap3A_867 = arith.constant 416 : index
        %swap3A_868 = tpu.vector_load %arg15[%swap3A_867] {strides = array<i32>} : memref<960xi32, #tpu.memory_space<vmem>>, vector<16xi32>,
        tpu.vector_store %arg15[%swap3A_867], %bitcast3A_866 {strides = array<i32>} : memref<960xi32, #tpu.memory_space<vmem>>, vector<16xi32>,
        %get3A_869 = arith.constant 432 : index
        %get3A_870 = tpu.vector_load %arg11[%get3A_869] {strides = array<i32>} : memref<960xf32, #tpu.memory_space<vmem>>, vector<16xf32>,
        %bitcast3A_871 = vector.bitcast %get3A_870 : vector<16xf32> to vector<16xi32>
        %swap3A_872 = arith.constant 432 : index
        %swap3A_873 = tpu.vector_load %arg15[%swap3A_872] {strides = array<i32>} : memref<960xi32, #tpu.memory_space<vmem>>, vector<16xi32>,
        tpu.vector_store %arg15[%swap3A_872], %bitcast3A_871 {strides = array<i32>} : memref<960xi32, #tpu.memory_space<vmem>>, vector<16xi32>,
        %get3A_874 = arith.constant 448 : index
        %get3A_875 = tpu.vector_load %arg11[%get3A_874] {strides = array<i32>} : memref<960xf32, #tpu.memory_space<vmem>>, vector<16xf32>,
        %bitcast3A_876 = vector.bitcast %get3A_875 : vector<16xf32> to vector<16xi32>
        %swap3A_877 = arith.constant 448 : index
        %swap3A_878 = tpu.vector_load %arg15[%swap3A_877] {strides = array<i32>} : memref<960xi32, #tpu.memory_space<vmem>>, vector<16xi32>,
        tpu.vector_store %arg15[%swap3A_877], %bitcast3A_876 {strides = array<i32>} : memref<960xi32, #tpu.memory_space<vmem>>, vector<16xi32>,
        %get3A_879 = arith.constant 464 : index
        %get3A_880 = tpu.vector_load %arg11[%get3A_879] {strides = array<i32>} : memref<960xf32, #tpu.memory_space<vmem>>, vector<16xf32>,
        %bitcast3A_881 = vector.bitcast %get3A_880 : vector<16xf32> to vector<16xi32>
        %swap3A_882 = arith.constant 464 : index
        %swap3A_883 = tpu.vector_load %arg15[%swap3A_882] {strides = array<i32>} : memref<960xi32, #tpu.memory_space<vmem>>, vector<16xi32>,
        tpu.vector_store %arg15[%swap3A_882], %bitcast3A_881 {strides = array<i32>} : memref<960xi32, #tpu.memory_space<vmem>>, vector<16xi32>,
        %get3A_884 = arith.constant 480 : index
        %get3A_885 = tpu.vector_load %arg11[%get3A_884] {strides = array<i32>} : memref<960xf32, #tpu.memory_space<vmem>>, vector<16xf32>,
        %bitcast3A_886 = vector.bitcast %get3A_885 : vector<16xf32> to vector<16xi32>
        %swap3A_887 = arith.constant 480 : index
        %swap3A_888 = tpu.vector_load %arg15[%swap3A_887] {strides = array<i32>} : memref<960xi32, #tpu.memory_space<vmem>>, vector<16xi32>,
        tpu.vector_store %arg15[%swap3A_887], %bitcast3A_886 {strides = array<i32>} : memref<960xi32, #tpu.memory_space<vmem>>, vector<16xi32>,
        %get3A_889 = arith.constant 496 : index
        %get3A_890 = tpu.vector_load %arg11[%get3A_889] {strides = array<i32>} : memref<960xf32, #tpu.memory_space<vmem>>, vector<16xf32>,
        %bitcast3A_891 = vector.bitcast %get3A_890 : vector<16xf32> to vector<16xi32>
        %swap3A_892 = arith.constant 496 : index
        %swap3A_893 = tpu.vector_load %arg15[%swap3A_892] {strides = array<i32>} : memref<960xi32, #tpu.memory_space<vmem>>, vector<16xi32>,
        tpu.vector_store %arg15[%swap3A_892], %bitcast3A_891 {strides = array<i32>} : memref<960xi32, #tpu.memory_space<vmem>>, vector<16xi32>,
        %get3A_894 = arith.constant 512 : index
        %get3A_895 = tpu.vector_load %arg11[%get3A_894] {strides = array<i32>} : memref<960xf32, #tpu.memory_space<vmem>>, vector<16xf32>,
        %bitcast3A_896 = vector.bitcast %get3A_895 : vector<16xf32> to vector<16xi32>
        %swap3A_897 = arith.constant 512 : index
        %swap3A_898 = tpu.vector_load %arg15[%swap3A_897] {strides = array<i32>} : memref<960xi32, #tpu.memory_space<vmem>>, vector<16xi32>,
        tpu.vector_store %arg15[%swap3A_897], %bitcast3A_896 {strides = array<i32>} : memref<960xi32, #tpu.memory_space<vmem>>, vector<16xi32>,
        %get3A_899 = arith.constant 528 : index
        %get3A_900 = tpu.vector_load %arg11[%get3A_899] {strides = array<i32>} : memref<960xf32, #tpu.memory_space<vmem>>, vector<16xf32>,
        %bitcast3A_901 = vector.bitcast %get3A_900 : vector<16xf32> to vector<16xi32>
        %swap3A_902 = arith.constant 528 : index
        %swap3A_903 = tpu.vector_load %arg15[%swap3A_902] {strides = array<i32>} : memref<960xi32, #tpu.memory_space<vmem>>, vector<16xi32>,
        tpu.vector_store %arg15[%swap3A_902], %bitcast3A_901 {strides = array<i32>} : memref<960xi32, #tpu.memory_space<vmem>>, vector<16xi32>,
        %get3A_904 = arith.constant 544 : index
        %get3A_905 = tpu.vector_load %arg11[%get3A_904] {strides = array<i32>} : memref<960xf32, #tpu.memory_space<vmem>>, vector<16xf32>,
        %bitcast3A_906 = vector.bitcast %get3A_905 : vector<16xf32> to vector<16xi32>
        %swap3A_907 = arith.constant 544 : index
        %swap3A_908 = tpu.vector_load %arg15[%swap3A_907] {strides = array<i32>} : memref<960xi32, #tpu.memory_space<vmem>>, vector<16xi32>,
        tpu.vector_store %arg15[%swap3A_907], %bitcast3A_906 {strides = array<i32>} : memref<960xi32, #tpu.memory_space<vmem>>, vector<16xi32>,
        %get3A_909 = arith.constant 560 : index
        %get3A_910 = tpu.vector_load %arg11[%get3A_909] {strides = array<i32>} : memref<960xf32, #tpu.memory_space<vmem>>, vector<16xf32>,
        %bitcast3A_911 = vector.bitcast %get3A_910 : vector<16xf32> to vector<16xi32>
        %swap3A_912 = arith.constant 560 : index
        %swap3A_913 = tpu.vector_load %arg15[%swap3A_912] {strides = array<i32>} : memref<960xi32, #tpu.memory_space<vmem>>, vector<16xi32>,
        tpu.vector_store %arg15[%swap3A_912], %bitcast3A_911 {strides = array<i32>} : memref<960xi32, #tpu.memory_space<vmem>>, vector<16xi32>,
        %get3A_914 = arith.constant 576 : index
        %get3A_915 = tpu.vector_load %arg11[%get3A_914] {strides = array<i32>} : memref<960xf32, #tpu.memory_space<vmem>>, vector<16xf32>,
        %bitcast3A_916 = vector.bitcast %get3A_915 : vector<16xf32> to vector<16xi32>
        %swap3A_917 = arith.constant 576 : index
        %swap3A_918 = tpu.vector_load %arg15[%swap3A_917] {strides = array<i32>} : memref<960xi32, #tpu.memory_space<vmem>>, vector<16xi32>,
        tpu.vector_store %arg15[%swap3A_917], %bitcast3A_916 {strides = array<i32>} : memref<960xi32, #tpu.memory_space<vmem>>, vector<16xi32>,
        %get3A_919 = arith.constant 592 : index
        %get3A_920 = tpu.vector_load %arg11[%get3A_919] {strides = array<i32>} : memref<960xf32, #tpu.memory_space<vmem>>, vector<16xf32>,
        %bitcast3A_921 = vector.bitcast %get3A_920 : vector<16xf32> to vector<16xi32>
        %swap3A_922 = arith.constant 592 : index
        %swap3A_923 = tpu.vector_load %arg15[%swap3A_922] {strides = array<i32>} : memref<960xi32, #tpu.memory_space<vmem>>, vector<16xi32>,
        tpu.vector_store %arg15[%swap3A_922], %bitcast3A_921 {strides = array<i32>} : memref<960xi32, #tpu.memory_space<vmem>>, vector<16xi32>,
        %get3A_924 = arith.constant 608 : index
        %get3A_925 = tpu.vector_load %arg11[%get3A_924] {strides = array<i32>} : memref<960xf32, #tpu.memory_space<vmem>>, vector<16xf32>,
        %bitcast3A_926 = vector.bitcast %get3A_925 : vector<16xf32> to vector<16xi32>
        %swap3A_927 = arith.constant 608 : index
        %swap3A_928 = tpu.vector_load %arg15[%swap3A_927] {strides = array<i32>} : memref<960xi32, #tpu.memory_space<vmem>>, vector<16xi32>,
        tpu.vector_store %arg15[%swap3A_927], %bitcast3A_926 {strides = array<i32>} : memref<960xi32, #tpu.memory_space<vmem>>, vector<16xi32>,
        %get3A_929 = arith.constant 624 : index
        %get3A_930 = tpu.vector_load %arg11[%get3A_929] {strides = array<i32>} : memref<960xf32, #tpu.memory_space<vmem>>, vector<16xf32>,
        %bitcast3A_931 = vector.bitcast %get3A_930 : vector<16xf32> to vector<16xi32>
        %swap3A_932 = arith.constant 624 : index
        %swap3A_933 = tpu.vector_load %arg15[%swap3A_932] {strides = array<i32>} : memref<960xi32, #tpu.memory_space<vmem>>, vector<16xi32>,
        tpu.vector_store %arg15[%swap3A_932], %bitcast3A_931 {strides = array<i32>} : memref<960xi32, #tpu.memory_space<vmem>>, vector<16xi32>,
        %get3A_934 = arith.constant 640 : index
        %get3A_935 = tpu.vector_load %arg11[%get3A_934] {strides = array<i32>} : memref<960xf32, #tpu.memory_space<vmem>>, vector<16xf32>,
        %bitcast3A_936 = vector.bitcast %get3A_935 : vector<16xf32> to vector<16xi32>
        %swap3A_937 = arith.constant 640 : index
        %swap3A_938 = tpu.vector_load %arg15[%swap3A_937] {strides = array<i32>} : memref<960xi32, #tpu.memory_space<vmem>>, vector<16xi32>,
        tpu.vector_store %arg15[%swap3A_937], %bitcast3A_936 {strides = array<i32>} : memref<960xi32, #tpu.memory_space<vmem>>, vector<16xi32>,
        %get3A_939 = arith.constant 656 : index
        %get3A_940 = tpu.vector_load %arg11[%get3A_939] {strides = array<i32>} : memref<960xf32, #tpu.memory_space<vmem>>, vector<16xf32>,
        %bitcast3A_941 = vector.bitcast %get3A_940 : vector<16xf32> to vector<16xi32>
        %swap3A_942 = arith.constant 656 : index
        %swap3A_943 = tpu.vector_load %arg15[%swap3A_942] {strides = array<i32>} : memref<960xi32, #tpu.memory_space<vmem>>, vector<16xi32>,
        tpu.vector_store %arg15[%swap3A_942], %bitcast3A_941 {strides = array<i32>} : memref<960xi32, #tpu.memory_space<vmem>>, vector<16xi32>,
        %get3A_944 = arith.constant 672 : index
        %get3A_945 = tpu.vector_load %arg11[%get3A_944] {strides = array<i32>} : memref<960xf32, #tpu.memory_space<vmem>>, vector<16xf32>,
        %bitcast3A_946 = vector.bitcast %get3A_945 : vector<16xf32> to vector<16xi32>
        %swap3A_947 = arith.constant 672 : index
        %swap3A_948 = tpu.vector_load %arg15[%swap3A_947] {strides = array<i32>} : memref<960xi32, #tpu.memory_space<vmem>>, vector<16xi32>,
        tpu.vector_store %arg15[%swap3A_947], %bitcast3A_946 {strides = array<i32>} : memref<960xi32, #tpu.memory_space<vmem>>, vector<16xi32>,
        %get3A_949 = arith.constant 688 : index
        %get3A_950 = tpu.vector_load %arg11[%get3A_949] {strides = array<i32>} : memref<960xf32, #tpu.memory_space<vmem>>, vector<16xf32>,
        %bitcast3A_951 = vector.bitcast %get3A_950 : vector<16xf32> to vector<16xi32>
        %swap3A_952 = arith.constant 688 : index
        %swap3A_953 = tpu.vector_load %arg15[%swap3A_952] {strides = array<i32>} : memref<960xi32, #tpu.memory_space<vmem>>, vector<16xi32>,
        tpu.vector_store %arg15[%swap3A_952], %bitcast3A_951 {strides = array<i32>} : memref<960xi32, #tpu.memory_space<vmem>>, vector<16xi32>,
        %get3A_954 = arith.constant 704 : index
        %get3A_955 = tpu.vector_load %arg11[%get3A_954] {strides = array<i32>} : memref<960xf32, #tpu.memory_space<vmem>>, vector<16xf32>,
        %bitcast3A_956 = vector.bitcast %get3A_955 : vector<16xf32> to vector<16xi32>
        %swap3A_957 = arith.constant 704 : index
        %swap3A_958 = tpu.vector_load %arg15[%swap3A_957] {strides = array<i32>} : memref<960xi32, #tpu.memory_space<vmem>>, vector<16xi32>,
        tpu.vector_store %arg15[%swap3A_957], %bitcast3A_956 {strides = array<i32>} : memref<960xi32, #tpu.memory_space<vmem>>, vector<16xi32>,
        %get3A_959 = arith.constant 720 : index
        %get3A_960 = tpu.vector_load %arg11[%get3A_959] {strides = array<i32>} : memref<960xf32, #tpu.memory_space<vmem>>, vector<16xf32>,
        %bitcast3A_961 = vector.bitcast %get3A_960 : vector<16xf32> to vector<16xi32>
        %swap3A_962 = arith.constant 720 : index
        %swap3A_963 = tpu.vector_load %arg15[%swap3A_962] {strides = array<i32>} : memref<960xi32, #tpu.memory_space<vmem>>, vector<16xi32>,
        tpu.vector_store %arg15[%swap3A_962], %bitcast3A_961 {strides = array<i32>} : memref<960xi32, #tpu.memory_space<vmem>>, vector<16xi32>,
        %get3A_964 = arith.constant 736 : index
        %get3A_965 = tpu.vector_load %arg11[%get3A_964] {strides = array<i32>} : memref<960xf32, #tpu.memory_space<vmem>>, vector<16xf32>,
        %bitcast3A_966 = vector.bitcast %get3A_965 : vector<16xf32> to vector<16xi32>
        %swap3A_967 = arith.constant 736 : index
        %swap3A_968 = tpu.vector_load %arg15[%swap3A_967] {strides = array<i32>} : memref<960xi32, #tpu.memory_space<vmem>>, vector<16xi32>,
        tpu.vector_store %arg15[%swap3A_967], %bitcast3A_966 {strides = array<i32>} : memref<960xi32, #tpu.memory_space<vmem>>, vector<16xi32>,
        %get3A_969 = arith.constant 752 : index
        %get3A_970 = tpu.vector_load %arg11[%get3A_969] {strides = array<i32>} : memref<960xf32, #tpu.memory_space<vmem>>, vector<16xf32>,
        %bitcast3A_971 = vector.bitcast %get3A_970 : vector<16xf32> to vector<16xi32>
        %swap3A_972 = arith.constant 752 : index
        %swap3A_973 = tpu.vector_load %arg15[%swap3A_972] {strides = array<i32>} : memref<960xi32, #tpu.memory_space<vmem>>, vector<16xi32>,
        tpu.vector_store %arg15[%swap3A_972], %bitcast3A_971 {strides = array<i32>} : memref<960xi32, #tpu.memory_space<vmem>>, vector<16xi32>,
        %get3A_974 = arith.constant 768 : index
        %get3A_975 = tpu.vector_load %arg11[%get3A_974] {strides = array<i32>} : memref<960xf32, #tpu.memory_space<vmem>>, vector<16xf32>,
        %bitcast3A_976 = vector.bitcast %get3A_975 : vector<16xf32> to vector<16xi32>
        %swap3A_977 = arith.constant 768 : index
        %swap3A_978 = tpu.vector_load %arg15[%swap3A_977] {strides = array<i32>} : memref<960xi32, #tpu.memory_space<vmem>>, vector<16xi32>,
        tpu.vector_store %arg15[%swap3A_977], %bitcast3A_976 {strides = array<i32>} : memref<960xi32, #tpu.memory_space<vmem>>, vector<16xi32>,
        %get3A_979 = arith.constant 784 : index
        %get3A_980 = tpu.vector_load %arg11[%get3A_979] {strides = array<i32>} : memref<960xf32, #tpu.memory_space<vmem>>, vector<16xf32>,
        %bitcast3A_981 = vector.bitcast %get3A_980 : vector<16xf32> to vector<16xi32>
        %swap3A_982 = arith.constant 784 : index
        %swap3A_983 = tpu.vector_load %arg15[%swap3A_982] {strides = array<i32>} : memref<960xi32, #tpu.memory_space<vmem>>, vector<16xi32>,
        tpu.vector_store %arg15[%swap3A_982], %bitcast3A_981 {strides = array<i32>} : memref<960xi32, #tpu.memory_space<vmem>>, vector<16xi32>,
        %get3A_984 = arith.constant 800 : index
        %get3A_985 = tpu.vector_load %arg11[%get3A_984] {strides = array<i32>} : memref<960xf32, #tpu.memory_space<vmem>>, vector<16xf32>,
        %bitcast3A_986 = vector.bitcast %get3A_985 : vector<16xf32> to vector<16xi32>
        %swap3A_987 = arith.constant 800 : index
        %swap3A_988 = tpu.vector_load %arg15[%swap3A_987] {strides = array<i32>} : memref<960xi32, #tpu.memory_space<vmem>>, vector<16xi32>,
        tpu.vector_store %arg15[%swap3A_987], %bitcast3A_986 {strides = array<i32>} : memref<960xi32, #tpu.memory_space<vmem>>, vector<16xi32>,
        %get3A_989 = arith.constant 816 : index
        %get3A_990 = tpu.vector_load %arg11[%get3A_989] {strides = array<i32>} : memref<960xf32, #tpu.memory_space<vmem>>, vector<16xf32>,
        %bitcast3A_991 = vector.bitcast %get3A_990 : vector<16xf32> to vector<16xi32>
        %swap3A_992 = arith.constant 816 : index
        %swap3A_993 = tpu.vector_load %arg15[%swap3A_992] {strides = array<i32>} : memref<960xi32, #tpu.memory_space<vmem>>, vector<16xi32>,
        tpu.vector_store %arg15[%swap3A_992], %bitcast3A_991 {strides = array<i32>} : memref<960xi32, #tpu.memory_space<vmem>>, vector<16xi32>,
        %get3A_994 = arith.constant 832 : index
        %get3A_995 = tpu.vector_load %arg11[%get3A_994] {strides = array<i32>} : memref<960xf32, #tpu.memory_space<vmem>>, vector<16xf32>,
        %bitcast3A_996 = vector.bitcast %get3A_995 : vector<16xf32> to vector<16xi32>
        %swap3A_997 = arith.constant 832 : index
        %swap3A_998 = tpu.vector_load %arg15[%swap3A_997] {strides = array<i32>} : memref<960xi32, #tpu.memory_space<vmem>>, vector<16xi32>,
        tpu.vector_store %arg15[%swap3A_997], %bitcast3A_996 {strides = array<i32>} : memref<960xi32, #tpu.memory_space<vmem>>, vector<16xi32>,
        %get3A_999 = arith.constant 848 : index
        %get3A_1000 = tpu.vector_load %arg11[%get3A_999] {strides = array<i32>} : memref<960xf32, #tpu.memory_space<vmem>>, vector<16xf32>,
        %bitcast3A_1001 = vector.bitcast %get3A_1000 : vector<16xf32> to vector<16xi32>
        %swap3A_1002 = arith.constant 848 : index
        %swap3A_1003 = tpu.vector_load %arg15[%swap3A_1002] {strides = array<i32>} : memref<960xi32, #tpu.memory_space<vmem>>, vector<16xi32>,
        tpu.vector_store %arg15[%swap3A_1002], %bitcast3A_1001 {strides = array<i32>} : memref<960xi32, #tpu.memory_space<vmem>>, vector<16xi32>,
        %get3A_1004 = arith.constant 864 : index
        %get3A_1005 = tpu.vector_load %arg11[%get3A_1004] {strides = array<i32>} : memref<960xf32, #tpu.memory_space<vmem>>, vector<16xf32>,
        %bitcast3A_1006 = vector.bitcast %get3A_1005 : vector<16xf32> to vector<16xi32>
        %swap3A_1007 = arith.constant 864 : index
        %swap3A_1008 = tpu.vector_load %arg15[%swap3A_1007] {strides = array<i32>} : memref<960xi32, #tpu.memory_space<vmem>>, vector<16xi32>,
        tpu.vector_store %arg15[%swap3A_1007], %bitcast3A_1006 {strides = array<i32>} : memref<960xi32, #tpu.memory_space<vmem>>, vector<16xi32>,
        %get3A_1009 = arith.constant 880 : index
        %get3A_1010 = tpu.vector_load %arg11[%get3A_1009] {strides = array<i32>} : memref<960xf32, #tpu.memory_space<vmem>>, vector<16xf32>,
        %bitcast3A_1011 = vector.bitcast %get3A_1010 : vector<16xf32> to vector<16xi32>
        %swap3A_1012 = arith.constant 880 : index
        %swap3A_1013 = tpu.vector_load %arg15[%swap3A_1012] {strides = array<i32>} : memref<960xi32, #tpu.memory_space<vmem>>, vector<16xi32>,
        tpu.vector_store %arg15[%swap3A_1012], %bitcast3A_1011 {strides = array<i32>} : memref<960xi32, #tpu.memory_space<vmem>>, vector<16xi32>,
        %get3A_1014 = arith.constant 896 : index
        %get3A_1015 = tpu.vector_load %arg11[%get3A_1014] {strides = array<i32>} : memref<960xf32, #tpu.memory_space<vmem>>, vector<16xf32>,
        %bitcast3A_1016 = vector.bitcast %get3A_1015 : vector<16xf32> to vector<16xi32>
        %swap3A_1017 = arith.constant 896 : index
        %swap3A_1018 = tpu.vector_load %arg15[%swap3A_1017] {strides = array<i32>} : memref<960xi32, #tpu.memory_space<vmem>>, vector<16xi32>,
        tpu.vector_store %arg15[%swap3A_1017], %bitcast3A_1016 {strides = array<i32>} : memref<960xi32, #tpu.memory_space<vmem>>, vector<16xi32>,
        %get3A_1019 = arith.constant 912 : index
        %get3A_1020 = tpu.vector_load %arg11[%get3A_1019] {strides = array<i32>} : memref<960xf32, #tpu.memory_space<vmem>>, vector<16xf32>,
        %bitcast3A_1021 = vector.bitcast %get3A_1020 : vector<16xf32> to vector<16xi32>
        %swap3A_1022 = arith.constant 912 : index
        %swap3A_1023 = tpu.vector_load %arg15[%swap3A_1022] {strides = array<i32>} : memref<960xi32, #tpu.memory_space<vmem>>, vector<16xi32>,
        tpu.vector_store %arg15[%swap3A_1022], %bitcast3A_1021 {strides = array<i32>} : memref<960xi32, #tpu.memory_space<vmem>>, vector<16xi32>,
        %get3A_1024 = arith.constant 928 : index
        %get3A_1025 = tpu.vector_load %arg11[%get3A_1024] {strides = array<i32>} : memref<960xf32, #tpu.memory_space<vmem>>, vector<16xf32>,
        %bitcast3A_1026 = vector.bitcast %get3A_1025 : vector<16xf32> to vector<16xi32>
        %swap3A_1027 = arith.constant 928 : index
        %swap3A_1028 = tpu.vector_load %arg15[%swap3A_1027] {strides = array<i32>} : memref<960xi32, #tpu.memory_space<vmem>>, vector<16xi32>,
        tpu.vector_store %arg15[%swap3A_1027], %bitcast3A_1026 {strides = array<i32>} : memref<960xi32, #tpu.memory_space<vmem>>, vector<16xi32>,
        %get3A_1029 = arith.constant 944 : index
        %get3A_1030 = tpu.vector_load %arg11[%get3A_1029] {strides = array<i32>} : memref<960xf32, #tpu.memory_space<vmem>>, vector<16xf32>,
        %bitcast3A_1031 = vector.bitcast %get3A_1030 : vector<16xf32> to vector<16xi32>
        %swap3A_1032 = arith.constant 944 : index
        %swap3A_1033 = tpu.vector_load %arg15[%swap3A_1032] {strides = array<i32>} : memref<960xi32, #tpu.memory_space<vmem>>, vector<16xi32>,
        tpu.vector_store %arg15[%swap3A_1032], %bitcast3A_1031 {strides = array<i32>} : memref<960xi32, #tpu.memory_space<vmem>>, vector<16xi32>,
        %dma_start3A_1034 = arith.constant 0 : i32
        %dma_start3A_1035 = arith.constant 0 : i32
        %dma_start3A_1036 = tpu.memref_slice %arg5[%dma_start3A_1034, %dma_start3A_1035] : memref<1000000x32xf32, #tpu.memory_space<hbm>> -> memref<1000000x32xf32, #tpu.memory_space<hbm>>
        tpu.enqueue_indirect_dma source(%dma_start3A_1036 : memref<1000000x32xf32, #tpu.memory_space<hbm>>) target(%arg17 : memref<16x32xf32, #tpu.memory_space<vmem>>) offsets(%arg13 : memref<16xi32, #tpu.memory_space<vmem>>) semaphore(%arg25 : memref<!tpu.dma_semaphore, #tpu.memory_space<semaphore_mem>>)
        %dma_start3A_1037 = arith.constant 0 : i32
        %dma_start3A_1038 = arith.constant 0 : i32
        %dma_start3A_1039 = tpu.memref_slice %arg6[%dma_start3A_1037, %dma_start3A_1038] : memref<1000000x32xf32, #tpu.memory_space<hbm>> -> memref<1000000x32xf32, #tpu.memory_space<hbm>>
        tpu.enqueue_indirect_dma source(%dma_start3A_1039 : memref<1000000x32xf32, #tpu.memory_space<hbm>>) target(%arg19 : memref<960x32xf32, #tpu.memory_space<vmem>>) offsets(%arg15 : memref<960xi32, #tpu.memory_space<vmem>>) semaphore(%arg25 : memref<!tpu.dma_semaphore, #tpu.memory_space<semaphore_mem>>)
      } else {
      }
      %scan3A_660 = arith.constant 0 : i32
      %scan3A_661 = arith.constant 0 : i32
      %scan3A_662 = arith.constant 8 : i32
      %scan3A_663 = arith.addi %scan3A_661, %scan3A_662 : i32
      %scan3A_664 = arith.constant 1 : i32
      scf.for %scan3A_696 = %scan3A_661 to %scan3A_663 step %scan3A_664  : i32 {
        %get3A_697 = arith.index_cast %scan3A_696 : i32 to index
        %get3A_698 = arith.constant 0 : index
        %get3A_699 = tpu.vector_load %arg16[%get3A_697, %get3A_698] {strides = array<i32>} : memref<16x32xf32, #tpu.memory_space<vmem>>, vector<16xf32>,
        %get3A_700 = arith.index_cast %scan3A_696 : i32 to index
        %get3A_701 = arith.constant 16 : index
        %get3A_702 = tpu.vector_load %arg16[%get3A_700, %get3A_701] {strides = array<i32>} : memref<16x32xf32, #tpu.memory_space<vmem>>, vector<16xf32>,
        %mul3A_703 = arith.constant 20 : i32
        %mul3A_704 = arith.muli %scan3A_696, %mul3A_703 : i32
        %mul3A_705 = arith.constant 100 : i32
        %mul3A_706 = arith.muli %scan3A_696, %mul3A_705 : i32
        %add3A_707 = arith.constant 160 : i32
        %add3A_708 = arith.addi %add3A_707, %mul3A_706 : i32
        %sub3A = arith.constant 20 : i32
        %sub3A_709 = arith.subi %add3A_708, %sub3A : i32
        %parallel_loop3A = arith.constant 0 : i32
        %parallel_loop3A_710 = arith.constant 120 : i32
        %parallel_loop3A_711 = arith.constant 1 : i32
        scf.for %parallel_loop3A_1018 = %parallel_loop3A to %parallel_loop3A_710 step %parallel_loop3A_711  : i32 {
          %parallel_loop3A_1019 = arith.constant 20 : i32
          %parallel_loop3A_1020 = arith.cmpi slt, %parallel_loop3A_1018, %parallel_loop3A_1019 : i32
          %parallel_loop3A_1021 = arith.addi %mul3A_704, %parallel_loop3A_1018 : i32
          %parallel_loop3A_1022 = arith.addi %sub3A_709, %parallel_loop3A_1018 : i32
          %parallel_loop3A_1023 = arith.select %parallel_loop3A_1020, %parallel_loop3A_1021, %parallel_loop3A_1022 : i32
          %parallel_loop3A_1024 = arith.index_cast %parallel_loop3A_1023 : i32 to index
          %parallel_loop3A_1025 = arith.constant 0 : index
          %parallel_loop3A_1026 = tpu.vector_load %arg18[%parallel_loop3A_1024, %parallel_loop3A_1025] {strides = array<i32>} : memref<960x32xf32, #tpu.memory_space<vmem>>, vector<16xf32>,
          %parallel_loop3A_1027 = arith.mulf %parallel_loop3A_1026, %get3A_699 : vector<16xf32>
          %parallel_loop3A_1028 = arith.index_cast %parallel_loop3A_1023 : i32 to index
          %parallel_loop3A_1029 = arith.constant 16 : index
          %parallel_loop3A_1030 = tpu.vector_load %arg18[%parallel_loop3A_1028, %parallel_loop3A_1029] {strides = array<i32>} : memref<960x32xf32, #tpu.memory_space<vmem>>, vector<16xf32>,
          %parallel_loop3A_1031 = arith.mulf %parallel_loop3A_1030, %get3A_702 : vector<16xf32>
          %parallel_loop3A_1032 = arith.addf %parallel_loop3A_1027, %parallel_loop3A_1031 : vector<16xf32>
          %parallel_loop3A_1033 = vector.broadcast %parallel_loop3A_1018 : i32 to vector<16xi32>
          %parallel_loop3A_1034 = arith.constant true
          %parallel_loop3A_1035 = vector.broadcast %parallel_loop3A_1034 : i1 to vector<16xi1>
          %parallel_loop3A_1036 = tpu.scan <sum>, %parallel_loop3A_1032 masked %parallel_loop3A_1035 : vector<16xf32>, vector<16xi1> -> vector<16xf32>
          tpu.vector_store_idx %arg21[%parallel_loop3A_1033], %parallel_loop3A_1036 masked %eq3A_11 : memref<128xf32, #tpu.memory_space<vmem>>[vector<16xi32>], vector<16xf32>, vector<16xi1>
        } {sc.loop_unroll_factor = 8 : i64, sc.parallel_access}
        %get3A_712 = arith.constant 0 : index
        %get3A_713 = tpu.vector_load %arg21[%get3A_712] {strides = array<i32>} : memref<128xf32, #tpu.memory_space<vmem>>, vector<16xf32>,
        %abs3A = math.absf %get3A_713 : vector<16xf32>
        %neg3A = arith.constant 0.000000e+00 : f32
        %neg3A_714 = vector.broadcast %neg3A : f32 to vector<16xf32>
        %neg3A_715 = arith.subf %neg3A_714, %abs3A : vector<16xf32>
        %exp3A = math.exp %neg3A_715 : vector<16xf32>
        %add3A_716 = arith.constant 2.000000e+00 : f32
        %add3A_717 = vector.broadcast %add3A_716 : f32 to vector<16xf32>
        %add3A_718 = arith.addf %exp3A, %add3A_717 : vector<16xf32>
        %div3A = arith.divf %exp3A, %add3A_718 : vector<16xf32>
        %mul3A_719 = arith.mulf %div3A, %div3A : vector<16xf32>
        %mul3A_720 = arith.constant 0.142857149 : f32
        %mul3A_721 = vector.broadcast %mul3A_720 : f32 to vector<16xf32>
        %mul3A_722 = arith.mulf %mul3A_719, %mul3A_721 : vector<16xf32>
        %add3A_723 = arith.constant 2.000000e-01 : f32
        %add3A_724 = vector.broadcast %add3A_723 : f32 to vector<16xf32>
        %add3A_725 = arith.addf %add3A_724, %mul3A_722 : vector<16xf32>
        %mul3A_726 = arith.mulf %mul3A_719, %add3A_725 : vector<16xf32>
        %add3A_727 = arith.constant 0.333333343 : f32
        %add3A_728 = vector.broadcast %add3A_727 : f32 to vector<16xf32>
        %add3A_729 = arith.addf %add3A_728, %mul3A_726 : vector<16xf32>
        %mul3A_730 = arith.mulf %mul3A_719, %add3A_729 : vector<16xf32>
        %add3A_731 = arith.constant 1.000000e+00 : f32
        %add3A_732 = vector.broadcast %add3A_731 : f32 to vector<16xf32>
        %add3A_733 = arith.addf %add3A_732, %mul3A_730 : vector<16xf32>
        %min3A_734 = arith.constant 0.000000e+00 : f32
        %min3A_735 = vector.broadcast %min3A_734 : f32 to vector<16xf32>
        %min3A_736 = arith.minimumf %get3A_713, %min3A_735 : vector<16xf32>
        %mul3A_737 = arith.constant 2.000000e+00 : f32
        %mul3A_738 = vector.broadcast %mul3A_737 : f32 to vector<16xf32>
        %mul3A_739 = arith.mulf %mul3A_738, %div3A : vector<16xf32>
        %mul3A_740 = arith.mulf %mul3A_739, %add3A_733 : vector<16xf32>
        %sub3A_741 = arith.subf %min3A_736, %mul3A_740 : vector<16xf32>
        %get3A_742 = arith.constant 16 : index
        %get3A_743 = tpu.vector_load %arg21[%get3A_742] {strides = array<i32>} : memref<128xf32, #tpu.memory_space<vmem>>, vector<16xf32>,
        %mul3A_744 = arith.mulf %get3A_743, %select_n3A : vector<16xf32>
        %abs3A_745 = math.absf %mul3A_744 : vector<16xf32>
        %neg3A_746 = arith.constant 0.000000e+00 : f32
        %neg3A_747 = vector.broadcast %neg3A_746 : f32 to vector<16xf32>
        %neg3A_748 = arith.subf %neg3A_747, %abs3A_745 : vector<16xf32>
        %exp3A_749 = math.exp %neg3A_748 : vector<16xf32>
        %add3A_750 = arith.constant 2.000000e+00 : f32
        %add3A_751 = vector.broadcast %add3A_750 : f32 to vector<16xf32>
        %add3A_752 = arith.addf %exp3A_749, %add3A_751 : vector<16xf32>
        %div3A_753 = arith.divf %exp3A_749, %add3A_752 : vector<16xf32>
        %mul3A_754 = arith.mulf %div3A_753, %div3A_753 : vector<16xf32>
        %mul3A_755 = arith.constant 0.142857149 : f32
        %mul3A_756 = vector.broadcast %mul3A_755 : f32 to vector<16xf32>
        %mul3A_757 = arith.mulf %mul3A_754, %mul3A_756 : vector<16xf32>
        %add3A_758 = arith.constant 2.000000e-01 : f32
        %add3A_759 = vector.broadcast %add3A_758 : f32 to vector<16xf32>
        %add3A_760 = arith.addf %add3A_759, %mul3A_757 : vector<16xf32>
        %mul3A_761 = arith.mulf %mul3A_754, %add3A_760 : vector<16xf32>
        %add3A_762 = arith.constant 0.333333343 : f32
        %add3A_763 = vector.broadcast %add3A_762 : f32 to vector<16xf32>
        %add3A_764 = arith.addf %add3A_763, %mul3A_761 : vector<16xf32>
        %mul3A_765 = arith.mulf %mul3A_754, %add3A_764 : vector<16xf32>
        %add3A_766 = arith.constant 1.000000e+00 : f32
        %add3A_767 = vector.broadcast %add3A_766 : f32 to vector<16xf32>
        %add3A_768 = arith.addf %add3A_767, %mul3A_765 : vector<16xf32>
        %min3A_769 = arith.constant 0.000000e+00 : f32
        %min3A_770 = vector.broadcast %min3A_769 : f32 to vector<16xf32>
        %min3A_771 = arith.minimumf %mul3A_744, %min3A_770 : vector<16xf32>
        %mul3A_772 = arith.constant 2.000000e+00 : f32
        %mul3A_773 = vector.broadcast %mul3A_772 : f32 to vector<16xf32>
        %mul3A_774 = arith.mulf %mul3A_773, %div3A_753 : vector<16xf32>
        %mul3A_775 = arith.mulf %mul3A_774, %add3A_768 : vector<16xf32>
        %sub3A_776 = arith.subf %min3A_771, %mul3A_775 : vector<16xf32>
        %add3A_777 = arith.addf %sub3A_741, %sub3A_776 : vector<16xf32>
        %get3A_778 = arith.constant 32 : index
        %get3A_779 = tpu.vector_load %arg21[%get3A_778] {strides = array<i32>} : memref<128xf32, #tpu.memory_space<vmem>>, vector<16xf32>,
        %neg3A_780 = arith.constant 0.000000e+00 : f32
        %neg3A_781 = vector.broadcast %neg3A_780 : f32 to vector<16xf32>
        %neg3A_782 = arith.subf %neg3A_781, %get3A_779 : vector<16xf32>
        %abs3A_783 = math.absf %neg3A_782 : vector<16xf32>
        %neg3A_784 = arith.constant 0.000000e+00 : f32
        %neg3A_785 = vector.broadcast %neg3A_784 : f32 to vector<16xf32>
        %neg3A_786 = arith.subf %neg3A_785, %abs3A_783 : vector<16xf32>
        %exp3A_787 = math.exp %neg3A_786 : vector<16xf32>
        %add3A_788 = arith.constant 2.000000e+00 : f32
        %add3A_789 = vector.broadcast %add3A_788 : f32 to vector<16xf32>
        %add3A_790 = arith.addf %exp3A_787, %add3A_789 : vector<16xf32>
        %div3A_791 = arith.divf %exp3A_787, %add3A_790 : vector<16xf32>
        %mul3A_792 = arith.mulf %div3A_791, %div3A_791 : vector<16xf32>
        %mul3A_793 = arith.constant 0.142857149 : f32
        %mul3A_794 = vector.broadcast %mul3A_793 : f32 to vector<16xf32>
        %mul3A_795 = arith.mulf %mul3A_792, %mul3A_794 : vector<16xf32>
        %add3A_796 = arith.constant 2.000000e-01 : f32
        %add3A_797 = vector.broadcast %add3A_796 : f32 to vector<16xf32>
        %add3A_798 = arith.addf %add3A_797, %mul3A_795 : vector<16xf32>
        %mul3A_799 = arith.mulf %mul3A_792, %add3A_798 : vector<16xf32>
        %add3A_800 = arith.constant 0.333333343 : f32
        %add3A_801 = vector.broadcast %add3A_800 : f32 to vector<16xf32>
        %add3A_802 = arith.addf %add3A_801, %mul3A_799 : vector<16xf32>
        %mul3A_803 = arith.mulf %mul3A_792, %add3A_802 : vector<16xf32>
        %add3A_804 = arith.constant 1.000000e+00 : f32
        %add3A_805 = vector.broadcast %add3A_804 : f32 to vector<16xf32>
        %add3A_806 = arith.addf %add3A_805, %mul3A_803 : vector<16xf32>
        %min3A_807 = arith.constant 0.000000e+00 : f32
        %min3A_808 = vector.broadcast %min3A_807 : f32 to vector<16xf32>
        %min3A_809 = arith.minimumf %neg3A_782, %min3A_808 : vector<16xf32>
        %mul3A_810 = arith.constant 2.000000e+00 : f32
        %mul3A_811 = vector.broadcast %mul3A_810 : f32 to vector<16xf32>
        %mul3A_812 = arith.mulf %mul3A_811, %div3A_791 : vector<16xf32>
        %mul3A_813 = arith.mulf %mul3A_812, %add3A_806 : vector<16xf32>
        %sub3A_814 = arith.subf %min3A_809, %mul3A_813 : vector<16xf32>
        %add3A_815 = arith.addf %add3A_777, %sub3A_814 : vector<16xf32>
        %get3A_816 = arith.constant 48 : index
        %get3A_817 = tpu.vector_load %arg21[%get3A_816] {strides = array<i32>} : memref<128xf32, #tpu.memory_space<vmem>>, vector<16xf32>,
        %neg3A_818 = arith.constant 0.000000e+00 : f32
        %neg3A_819 = vector.broadcast %neg3A_818 : f32 to vector<16xf32>
        %neg3A_820 = arith.subf %neg3A_819, %get3A_817 : vector<16xf32>
        %abs3A_821 = math.absf %neg3A_820 : vector<16xf32>
        %neg3A_822 = arith.constant 0.000000e+00 : f32
        %neg3A_823 = vector.broadcast %neg3A_822 : f32 to vector<16xf32>
        %neg3A_824 = arith.subf %neg3A_823, %abs3A_821 : vector<16xf32>
        %exp3A_825 = math.exp %neg3A_824 : vector<16xf32>
        %add3A_826 = arith.constant 2.000000e+00 : f32
        %add3A_827 = vector.broadcast %add3A_826 : f32 to vector<16xf32>
        %add3A_828 = arith.addf %exp3A_825, %add3A_827 : vector<16xf32>
        %div3A_829 = arith.divf %exp3A_825, %add3A_828 : vector<16xf32>
        %mul3A_830 = arith.mulf %div3A_829, %div3A_829 : vector<16xf32>
        %mul3A_831 = arith.constant 0.142857149 : f32
        %mul3A_832 = vector.broadcast %mul3A_831 : f32 to vector<16xf32>
        %mul3A_833 = arith.mulf %mul3A_830, %mul3A_832 : vector<16xf32>
        %add3A_834 = arith.constant 2.000000e-01 : f32
        %add3A_835 = vector.broadcast %add3A_834 : f32 to vector<16xf32>
        %add3A_836 = arith.addf %add3A_835, %mul3A_833 : vector<16xf32>
        %mul3A_837 = arith.mulf %mul3A_830, %add3A_836 : vector<16xf32>
        %add3A_838 = arith.constant 0.333333343 : f32
        %add3A_839 = vector.broadcast %add3A_838 : f32 to vector<16xf32>
        %add3A_840 = arith.addf %add3A_839, %mul3A_837 : vector<16xf32>
        %mul3A_841 = arith.mulf %mul3A_830, %add3A_840 : vector<16xf32>
        %add3A_842 = arith.constant 1.000000e+00 : f32
        %add3A_843 = vector.broadcast %add3A_842 : f32 to vector<16xf32>
        %add3A_844 = arith.addf %add3A_843, %mul3A_841 : vector<16xf32>
        %min3A_845 = arith.constant 0.000000e+00 : f32
        %min3A_846 = vector.broadcast %min3A_845 : f32 to vector<16xf32>
        %min3A_847 = arith.minimumf %neg3A_820, %min3A_846 : vector<16xf32>
        %mul3A_848 = arith.constant 2.000000e+00 : f32
        %mul3A_849 = vector.broadcast %mul3A_848 : f32 to vector<16xf32>
        %mul3A_850 = arith.mulf %mul3A_849, %div3A_829 : vector<16xf32>
        %mul3A_851 = arith.mulf %mul3A_850, %add3A_844 : vector<16xf32>
        %sub3A_852 = arith.subf %min3A_847, %mul3A_851 : vector<16xf32>
        %add3A_853 = arith.addf %add3A_815, %sub3A_852 : vector<16xf32>
        %get3A_854 = arith.constant 64 : index
        %get3A_855 = tpu.vector_load %arg21[%get3A_854] {strides = array<i32>} : memref<128xf32, #tpu.memory_space<vmem>>, vector<16xf32>,
        %neg3A_856 = arith.constant 0.000000e+00 : f32
        %neg3A_857 = vector.broadcast %neg3A_856 : f32 to vector<16xf32>
        %neg3A_858 = arith.subf %neg3A_857, %get3A_855 : vector<16xf32>
        %abs3A_859 = math.absf %neg3A_858 : vector<16xf32>
        %neg3A_860 = arith.constant 0.000000e+00 : f32
        %neg3A_861 = vector.broadcast %neg3A_860 : f32 to vector<16xf32>
        %neg3A_862 = arith.subf %neg3A_861, %abs3A_859 : vector<16xf32>
        %exp3A_863 = math.exp %neg3A_862 : vector<16xf32>
        %add3A_864 = arith.constant 2.000000e+00 : f32
        %add3A_865 = vector.broadcast %add3A_864 : f32 to vector<16xf32>
        %add3A_866 = arith.addf %exp3A_863, %add3A_865 : vector<16xf32>
        %div3A_867 = arith.divf %exp3A_863, %add3A_866 : vector<16xf32>
        %mul3A_868 = arith.mulf %div3A_867, %div3A_867 : vector<16xf32>
        %mul3A_869 = arith.constant 0.142857149 : f32
        %mul3A_870 = vector.broadcast %mul3A_869 : f32 to vector<16xf32>
        %mul3A_871 = arith.mulf %mul3A_868, %mul3A_870 : vector<16xf32>
        %add3A_872 = arith.constant 2.000000e-01 : f32
        %add3A_873 = vector.broadcast %add3A_872 : f32 to vector<16xf32>
        %add3A_874 = arith.addf %add3A_873, %mul3A_871 : vector<16xf32>
        %mul3A_875 = arith.mulf %mul3A_868, %add3A_874 : vector<16xf32>
        %add3A_876 = arith.constant 0.333333343 : f32
        %add3A_877 = vector.broadcast %add3A_876 : f32 to vector<16xf32>
        %add3A_878 = arith.addf %add3A_877, %mul3A_875 : vector<16xf32>
        %mul3A_879 = arith.mulf %mul3A_868, %add3A_878 : vector<16xf32>
        %add3A_880 = arith.constant 1.000000e+00 : f32
        %add3A_881 = vector.broadcast %add3A_880 : f32 to vector<16xf32>
        %add3A_882 = arith.addf %add3A_881, %mul3A_879 : vector<16xf32>
        %min3A_883 = arith.constant 0.000000e+00 : f32
        %min3A_884 = vector.broadcast %min3A_883 : f32 to vector<16xf32>
        %min3A_885 = arith.minimumf %neg3A_858, %min3A_884 : vector<16xf32>
        %mul3A_886 = arith.constant 2.000000e+00 : f32
        %mul3A_887 = vector.broadcast %mul3A_886 : f32 to vector<16xf32>
        %mul3A_888 = arith.mulf %mul3A_887, %div3A_867 : vector<16xf32>
        %mul3A_889 = arith.mulf %mul3A_888, %add3A_882 : vector<16xf32>
        %sub3A_890 = arith.subf %min3A_885, %mul3A_889 : vector<16xf32>
        %add3A_891 = arith.addf %add3A_853, %sub3A_890 : vector<16xf32>
        %get3A_892 = arith.constant 80 : index
        %get3A_893 = tpu.vector_load %arg21[%get3A_892] {strides = array<i32>} : memref<128xf32, #tpu.memory_space<vmem>>, vector<16xf32>,
        %neg3A_894 = arith.constant 0.000000e+00 : f32
        %neg3A_895 = vector.broadcast %neg3A_894 : f32 to vector<16xf32>
        %neg3A_896 = arith.subf %neg3A_895, %get3A_893 : vector<16xf32>
        %abs3A_897 = math.absf %neg3A_896 : vector<16xf32>
        %neg3A_898 = arith.constant 0.000000e+00 : f32
        %neg3A_899 = vector.broadcast %neg3A_898 : f32 to vector<16xf32>
        %neg3A_900 = arith.subf %neg3A_899, %abs3A_897 : vector<16xf32>
        %exp3A_901 = math.exp %neg3A_900 : vector<16xf32>
        %add3A_902 = arith.constant 2.000000e+00 : f32
        %add3A_903 = vector.broadcast %add3A_902 : f32 to vector<16xf32>
        %add3A_904 = arith.addf %exp3A_901, %add3A_903 : vector<16xf32>
        %div3A_905 = arith.divf %exp3A_901, %add3A_904 : vector<16xf32>
        %mul3A_906 = arith.mulf %div3A_905, %div3A_905 : vector<16xf32>
        %mul3A_907 = arith.constant 0.142857149 : f32
        %mul3A_908 = vector.broadcast %mul3A_907 : f32 to vector<16xf32>
        %mul3A_909 = arith.mulf %mul3A_906, %mul3A_908 : vector<16xf32>
        %add3A_910 = arith.constant 2.000000e-01 : f32
        %add3A_911 = vector.broadcast %add3A_910 : f32 to vector<16xf32>
        %add3A_912 = arith.addf %add3A_911, %mul3A_909 : vector<16xf32>
        %mul3A_913 = arith.mulf %mul3A_906, %add3A_912 : vector<16xf32>
        %add3A_914 = arith.constant 0.333333343 : f32
        %add3A_915 = vector.broadcast %add3A_914 : f32 to vector<16xf32>
        %add3A_916 = arith.addf %add3A_915, %mul3A_913 : vector<16xf32>
        %mul3A_917 = arith.mulf %mul3A_906, %add3A_916 : vector<16xf32>
        %add3A_918 = arith.constant 1.000000e+00 : f32
        %add3A_919 = vector.broadcast %add3A_918 : f32 to vector<16xf32>
        %add3A_920 = arith.addf %add3A_919, %mul3A_917 : vector<16xf32>
        %min3A_921 = arith.constant 0.000000e+00 : f32
        %min3A_922 = vector.broadcast %min3A_921 : f32 to vector<16xf32>
        %min3A_923 = arith.minimumf %neg3A_896, %min3A_922 : vector<16xf32>
        %mul3A_924 = arith.constant 2.000000e+00 : f32
        %mul3A_925 = vector.broadcast %mul3A_924 : f32 to vector<16xf32>
        %mul3A_926 = arith.mulf %mul3A_925, %div3A_905 : vector<16xf32>
        %mul3A_927 = arith.mulf %mul3A_926, %add3A_920 : vector<16xf32>
        %sub3A_928 = arith.subf %min3A_923, %mul3A_927 : vector<16xf32>
        %add3A_929 = arith.addf %add3A_891, %sub3A_928 : vector<16xf32>
        %get3A_930 = arith.constant 96 : index
        %get3A_931 = tpu.vector_load %arg21[%get3A_930] {strides = array<i32>} : memref<128xf32, #tpu.memory_space<vmem>>, vector<16xf32>,
        %neg3A_932 = arith.constant 0.000000e+00 : f32
        %neg3A_933 = vector.broadcast %neg3A_932 : f32 to vector<16xf32>
        %neg3A_934 = arith.subf %neg3A_933, %get3A_931 : vector<16xf32>
        %abs3A_935 = math.absf %neg3A_934 : vector<16xf32>
        %neg3A_936 = arith.constant 0.000000e+00 : f32
        %neg3A_937 = vector.broadcast %neg3A_936 : f32 to vector<16xf32>
        %neg3A_938 = arith.subf %neg3A_937, %abs3A_935 : vector<16xf32>
        %exp3A_939 = math.exp %neg3A_938 : vector<16xf32>
        %add3A_940 = arith.constant 2.000000e+00 : f32
        %add3A_941 = vector.broadcast %add3A_940 : f32 to vector<16xf32>
        %add3A_942 = arith.addf %exp3A_939, %add3A_941 : vector<16xf32>
        %div3A_943 = arith.divf %exp3A_939, %add3A_942 : vector<16xf32>
        %mul3A_944 = arith.mulf %div3A_943, %div3A_943 : vector<16xf32>
        %mul3A_945 = arith.constant 0.142857149 : f32
        %mul3A_946 = vector.broadcast %mul3A_945 : f32 to vector<16xf32>
        %mul3A_947 = arith.mulf %mul3A_944, %mul3A_946 : vector<16xf32>
        %add3A_948 = arith.constant 2.000000e-01 : f32
        %add3A_949 = vector.broadcast %add3A_948 : f32 to vector<16xf32>
        %add3A_950 = arith.addf %add3A_949, %mul3A_947 : vector<16xf32>
        %mul3A_951 = arith.mulf %mul3A_944, %add3A_950 : vector<16xf32>
        %add3A_952 = arith.constant 0.333333343 : f32
        %add3A_953 = vector.broadcast %add3A_952 : f32 to vector<16xf32>
        %add3A_954 = arith.addf %add3A_953, %mul3A_951 : vector<16xf32>
        %mul3A_955 = arith.mulf %mul3A_944, %add3A_954 : vector<16xf32>
        %add3A_956 = arith.constant 1.000000e+00 : f32
        %add3A_957 = vector.broadcast %add3A_956 : f32 to vector<16xf32>
        %add3A_958 = arith.addf %add3A_957, %mul3A_955 : vector<16xf32>
        %min3A_959 = arith.constant 0.000000e+00 : f32
        %min3A_960 = vector.broadcast %min3A_959 : f32 to vector<16xf32>
        %min3A_961 = arith.minimumf %neg3A_934, %min3A_960 : vector<16xf32>
        %mul3A_962 = arith.constant 2.000000e+00 : f32
        %mul3A_963 = vector.broadcast %mul3A_962 : f32 to vector<16xf32>
        %mul3A_964 = arith.mulf %mul3A_963, %div3A_943 : vector<16xf32>
        %mul3A_965 = arith.mulf %mul3A_964, %add3A_958 : vector<16xf32>
        %sub3A_966 = arith.subf %min3A_961, %mul3A_965 : vector<16xf32>
        %add3A_967 = arith.addf %add3A_929, %sub3A_966 : vector<16xf32>
        %get3A_968 = arith.constant 112 : index
        %get3A_969 = tpu.vector_load %arg21[%get3A_968] {strides = array<i32>} : memref<128xf32, #tpu.memory_space<vmem>>, vector<16xf32>,
        %neg3A_970 = arith.constant 0.000000e+00 : f32
        %neg3A_971 = vector.broadcast %neg3A_970 : f32 to vector<16xf32>
        %neg3A_972 = arith.subf %neg3A_971, %get3A_969 : vector<16xf32>
        %abs3A_973 = math.absf %neg3A_972 : vector<16xf32>
        %neg3A_974 = arith.constant 0.000000e+00 : f32
        %neg3A_975 = vector.broadcast %neg3A_974 : f32 to vector<16xf32>
        %neg3A_976 = arith.subf %neg3A_975, %abs3A_973 : vector<16xf32>
        %exp3A_977 = math.exp %neg3A_976 : vector<16xf32>
        %add3A_978 = arith.constant 2.000000e+00 : f32
        %add3A_979 = vector.broadcast %add3A_978 : f32 to vector<16xf32>
        %add3A_980 = arith.addf %exp3A_977, %add3A_979 : vector<16xf32>
        %div3A_981 = arith.divf %exp3A_977, %add3A_980 : vector<16xf32>
        %mul3A_982 = arith.mulf %div3A_981, %div3A_981 : vector<16xf32>
        %mul3A_983 = arith.constant 0.142857149 : f32
        %mul3A_984 = vector.broadcast %mul3A_983 : f32 to vector<16xf32>
        %mul3A_985 = arith.mulf %mul3A_982, %mul3A_984 : vector<16xf32>
        %add3A_986 = arith.constant 2.000000e-01 : f32
        %add3A_987 = vector.broadcast %add3A_986 : f32 to vector<16xf32>
        %add3A_988 = arith.addf %add3A_987, %mul3A_985 : vector<16xf32>
        %mul3A_989 = arith.mulf %mul3A_982, %add3A_988 : vector<16xf32>
        %add3A_990 = arith.constant 0.333333343 : f32
        %add3A_991 = vector.broadcast %add3A_990 : f32 to vector<16xf32>
        %add3A_992 = arith.addf %add3A_991, %mul3A_989 : vector<16xf32>
        %mul3A_993 = arith.mulf %mul3A_982, %add3A_992 : vector<16xf32>
        %add3A_994 = arith.constant 1.000000e+00 : f32
        %add3A_995 = vector.broadcast %add3A_994 : f32 to vector<16xf32>
        %add3A_996 = arith.addf %add3A_995, %mul3A_993 : vector<16xf32>
        %min3A_997 = arith.constant 0.000000e+00 : f32
        %min3A_998 = vector.broadcast %min3A_997 : f32 to vector<16xf32>
        %min3A_999 = arith.minimumf %neg3A_972, %min3A_998 : vector<16xf32>
        %mul3A_1000 = arith.constant 2.000000e+00 : f32
        %mul3A_1001 = vector.broadcast %mul3A_1000 : f32 to vector<16xf32>
        %mul3A_1002 = arith.mulf %mul3A_1001, %div3A_981 : vector<16xf32>
        %mul3A_1003 = arith.mulf %mul3A_1002, %add3A_996 : vector<16xf32>
        %sub3A_1004 = arith.subf %min3A_999, %mul3A_1003 : vector<16xf32>
        %jit3A_1005 = arith.constant 0.000000e+00 : f32
        %broadcast_in_dim3A_1006 = vector.broadcast %jit3A_1005 : f32 to vector<16xf32>
        %select_n3A_1007 = arith.select %lt3A_9, %sub3A_1004, %broadcast_in_dim3A_1006 : vector<16xi1>, vector<16xf32>
        %add3A_1008 = arith.addf %add3A_967, %select_n3A_1007 : vector<16xf32>
        %neg3A_1009 = arith.constant 0.000000e+00 : f32
        %neg3A_1010 = vector.broadcast %neg3A_1009 : f32 to vector<16xf32>
        %neg3A_1011 = arith.subf %neg3A_1010, %add3A_1008 : vector<16xf32>
        %cumsum3A = arith.constant true
        %cumsum3A_1012 = vector.broadcast %cumsum3A : i1 to vector<16xi1>
        %cumsum3A_1013 = tpu.scan <sum>, %neg3A_1011 masked %cumsum3A_1012 : vector<16xf32>, vector<16xi1> -> vector<16xf32>
        %mul3A_1014 = arith.constant 8 : i32
        %mul3A_1015 = arith.muli %mul3A_641, %mul3A_1014 : i32
        %add3A_1016 = arith.addi %mul3A_1015, %scan3A_696 : i32
        %broadcast_in_dim3A_1017 = vector.broadcast %add3A_1016 : i32 to vector<16xi32>
        tpu.vector_store_idx %arg20[%broadcast_in_dim3A_1017], %cumsum3A_1013 masked %eq3A_11 : memref<512xf32, #tpu.memory_space<vmem>>[vector<16xi32>], vector<16xf32>, vector<16xi1>
      }
      %scan3A_665 = arith.constant 8 : i32
      %mul3A_666 = arith.constant 2 : i32
      %mul3A_667 = arith.muli %mul3A_666, %scan3A_639 : i32
      %add3A_668 = arith.constant 1 : i32
      %add3A_669 = arith.addi %mul3A_667, %add3A_668 : i32
      %dma_wait3A_670 = arith.constant 0 : i32
      %dma_wait3A_671 = arith.constant 0 : i32
      %dma_wait3A_672 = tpu.memref_slice %arg5[%dma_wait3A_670, %dma_wait3A_671] : memref<1000000x32xf32, #tpu.memory_space<hbm>> -> memref<1000000x32xf32, #tpu.memory_space<hbm>>
      tpu.wait_indirect_dma semaphore(%arg25 : memref<!tpu.dma_semaphore, #tpu.memory_space<semaphore_mem>>) src(%dma_wait3A_672 : memref<1000000x32xf32, #tpu.memory_space<hbm>>) dst(%arg17 : memref<16x32xf32, #tpu.memory_space<vmem>>)
      %dma_wait3A_673 = arith.constant 0 : i32
      %dma_wait3A_674 = arith.constant 0 : i32
      %dma_wait3A_675 = tpu.memref_slice %arg6[%dma_wait3A_673, %dma_wait3A_674] : memref<1000000x32xf32, #tpu.memory_space<hbm>> -> memref<1000000x32xf32, #tpu.memory_space<hbm>>
      tpu.wait_indirect_dma semaphore(%arg25 : memref<!tpu.dma_semaphore, #tpu.memory_space<semaphore_mem>>) src(%dma_wait3A_675 : memref<1000000x32xf32, #tpu.memory_space<hbm>>) dst(%arg19 : memref<960x32xf32, #tpu.memory_space<vmem>>)
      %add3A_676 = arith.constant 2 : i32
      %add3A_677 = arith.addi %add3A_669, %add3A_676 : i32
      %lt3A_678 = arith.constant 64 : i32
      %lt3A_679 = arith.cmpi slt, %add3A_677, %lt3A_678 : i32
      %convert_element_type3A_680 = arith.extui %lt3A_679 : i1 to i32
      %cond3A_681 = arith.constant 0 : i32
      %cond3A_682 = arith.cmpi ne, %convert_element_type3A_680, %cond3A_681 : i32
      scf.if %cond3A_682 {
        %add3A_696 = arith.constant 2 : i32
        %add3A_697 = arith.addi %add3A_669, %add3A_696 : i32
        %mul3A_698 = arith.constant 8 : i32
        %mul3A_699 = arith.muli %add3A_697, %mul3A_698 : i32
        %add3A_700 = arith.addi %mul3A_2, %mul3A_699 : i32
        %dma_start3A_701 = arith.constant 0 : i32
        %dma_start3A_702 = tpu.memref_slice %arg9[%dma_start3A_701] : memref<16xf32, #tpu.memory_space<vmem>> -> memref<8xf32, #tpu.memory_space<vmem>>
        %dma_start3A_703 = tpu.memref_slice %arg2[%add3A_700] : memref<16384xf32, #tpu.memory_space<hbm>> -> memref<8xf32, #tpu.memory_space<hbm>>
        %dma_start3A_704 = arith.constant 0 : i32
        %dma_start3A_705 = tpu.memref_slice %arg9[%dma_start3A_704] : memref<16xf32, #tpu.memory_space<vmem>> -> memref<8xf32, #tpu.memory_space<vmem>>
        %dma_start3A_706 = tpu.memref_slice %arg2[%add3A_700] : memref<16384xf32, #tpu.memory_space<hbm>> -> memref<8xf32, #tpu.memory_space<hbm>>
        tpu.enqueue_dma source(%dma_start3A_706 : memref<8xf32, #tpu.memory_space<hbm>>) target(%dma_start3A_705 : memref<8xf32, #tpu.memory_space<vmem>>) target_semaphore(%arg23 : memref<!tpu.dma_semaphore, #tpu.memory_space<semaphore_mem>>)
        %mul3A_707 = arith.constant 20 : i32
        %mul3A_708 = arith.muli %add3A_700, %mul3A_707 : i32
        %dma_start3A_709 = arith.constant 0 : i32
        %dma_start3A_710 = tpu.memref_slice %arg11[%dma_start3A_709] : memref<960xf32, #tpu.memory_space<vmem>> -> memref<160xf32, #tpu.memory_space<vmem>>
        %dma_start3A_711 = tpu.memref_slice %arg3[%mul3A_708] : memref<327680xf32, #tpu.memory_space<hbm>> -> memref<160xf32, #tpu.memory_space<hbm>>
        %dma_start3A_712 = arith.constant 0 : i32
        %dma_start3A_713 = tpu.memref_slice %arg11[%dma_start3A_712] : memref<960xf32, #tpu.memory_space<vmem>> -> memref<160xf32, #tpu.memory_space<vmem>>
        %dma_start3A_714 = tpu.memref_slice %arg3[%mul3A_708] : memref<327680xf32, #tpu.memory_space<hbm>> -> memref<160xf32, #tpu.memory_space<hbm>>
        tpu.enqueue_dma source(%dma_start3A_714 : memref<160xf32, #tpu.memory_space<hbm>>) target(%dma_start3A_713 : memref<160xf32, #tpu.memory_space<vmem>>) target_semaphore(%arg23 : memref<!tpu.dma_semaphore, #tpu.memory_space<semaphore_mem>>)
        %mul3A_715 = arith.constant 100 : i32
        %mul3A_716 = arith.muli %add3A_700, %mul3A_715 : i32
        %dma_start3A_717 = arith.constant 160 : i32
        %dma_start3A_718 = tpu.memref_slice %arg11[%dma_start3A_717] : memref<960xf32, #tpu.memory_space<vmem>> -> memref<800xf32, #tpu.memory_space<vmem>>
        %dma_start3A_719 = tpu.memref_slice %arg4[%mul3A_716] : memref<1638400xf32, #tpu.memory_space<hbm>> -> memref<800xf32, #tpu.memory_space<hbm>>
        %dma_start3A_720 = arith.constant 160 : i32
        %dma_start3A_721 = tpu.memref_slice %arg11[%dma_start3A_720] : memref<960xf32, #tpu.memory_space<vmem>> -> memref<800xf32, #tpu.memory_space<vmem>>
        %dma_start3A_722 = tpu.memref_slice %arg4[%mul3A_716] : memref<1638400xf32, #tpu.memory_space<hbm>> -> memref<800xf32, #tpu.memory_space<hbm>>
        tpu.enqueue_dma source(%dma_start3A_722 : memref<800xf32, #tpu.memory_space<hbm>>) target(%dma_start3A_721 : memref<800xf32, #tpu.memory_space<vmem>>) target_semaphore(%arg23 : memref<!tpu.dma_semaphore, #tpu.memory_space<semaphore_mem>>)
      } else {
      }
      %add3A_683 = arith.constant 1 : i32
      %add3A_684 = arith.addi %add3A_669, %add3A_683 : i32
      %lt3A_685 = arith.constant 64 : i32
      %lt3A_686 = arith.cmpi slt, %add3A_684, %lt3A_685 : i32
      %convert_element_type3A_687 = arith.extui %lt3A_686 : i1 to i32
      %cond3A_688 = arith.constant 0 : i32
      %cond3A_689 = arith.cmpi ne, %convert_element_type3A_687, %cond3A_688 : i32
      scf.if %cond3A_689 {
        %add3A_696 = arith.constant 1 : i32
        %add3A_697 = arith.addi %add3A_669, %add3A_696 : i32
        %mul3A_698 = arith.constant 8 : i32
        %mul3A_699 = arith.muli %add3A_697, %mul3A_698 : i32
        %add3A_700 = arith.addi %mul3A_2, %mul3A_699 : i32
        %dma_wait3A_701 = arith.constant 0 : i32
        %dma_wait3A_702 = tpu.memref_slice %arg8[%dma_wait3A_701] : memref<16xf32, #tpu.memory_space<vmem>> -> memref<8xf32, #tpu.memory_space<vmem>>
        %dma_wait3A_703 = tpu.memref_slice %arg2[%add3A_700] : memref<16384xf32, #tpu.memory_space<hbm>> -> memref<8xf32, #tpu.memory_space<hbm>>
        %dma_wait3A_704 = arith.constant 0 : i32
        %dma_wait3A_705 = tpu.memref_slice %arg8[%dma_wait3A_704] : memref<16xf32, #tpu.memory_space<vmem>> -> memref<8xf32, #tpu.memory_space<vmem>>
        %dma_wait3A_706 = tpu.memref_slice %arg2[%add3A_700] : memref<16384xf32, #tpu.memory_space<hbm>> -> memref<8xf32, #tpu.memory_space<hbm>>
        tpu.wait_dma2 semaphore(%arg22 : memref<!tpu.dma_semaphore, #tpu.memory_space<semaphore_mem>>) src(%dma_wait3A_706 : memref<8xf32, #tpu.memory_space<hbm>>) dst(%dma_wait3A_705 : memref<8xf32, #tpu.memory_space<vmem>>)
        %mul3A_707 = arith.constant 20 : i32
        %mul3A_708 = arith.muli %add3A_700, %mul3A_707 : i32
        %dma_wait3A_709 = arith.constant 0 : i32
        %dma_wait3A_710 = tpu.memref_slice %arg10[%dma_wait3A_709] : memref<960xf32, #tpu.memory_space<vmem>> -> memref<160xf32, #tpu.memory_space<vmem>>
        %dma_wait3A_711 = tpu.memref_slice %arg3[%mul3A_708] : memref<327680xf32, #tpu.memory_space<hbm>> -> memref<160xf32, #tpu.memory_space<hbm>>
        %dma_wait3A_712 = arith.constant 0 : i32
        %dma_wait3A_713 = tpu.memref_slice %arg10[%dma_wait3A_712] : memref<960xf32, #tpu.memory_space<vmem>> -> memref<160xf32, #tpu.memory_space<vmem>>
        %dma_wait3A_714 = tpu.memref_slice %arg3[%mul3A_708] : memref<327680xf32, #tpu.memory_space<hbm>> -> memref<160xf32, #tpu.memory_space<hbm>>
        tpu.wait_dma2 semaphore(%arg22 : memref<!tpu.dma_semaphore, #tpu.memory_space<semaphore_mem>>) src(%dma_wait3A_714 : memref<160xf32, #tpu.memory_space<hbm>>) dst(%dma_wait3A_713 : memref<160xf32, #tpu.memory_space<vmem>>)
        %mul3A_715 = arith.constant 100 : i32
        %mul3A_716 = arith.muli %add3A_700, %mul3A_715 : i32
        %dma_wait3A_717 = arith.constant 160 : i32
        %dma_wait3A_718 = tpu.memref_slice %arg10[%dma_wait3A_717] : memref<960xf32, #tpu.memory_space<vmem>> -> memref<800xf32, #tpu.memory_space<vmem>>
        %dma_wait3A_719 = tpu.memref_slice %arg4[%mul3A_716] : memref<1638400xf32, #tpu.memory_space<hbm>> -> memref<800xf32, #tpu.memory_space<hbm>>
        %dma_wait3A_720 = arith.constant 160 : i32
        %dma_wait3A_721 = tpu.memref_slice %arg10[%dma_wait3A_720] : memref<960xf32, #tpu.memory_space<vmem>> -> memref<800xf32, #tpu.memory_space<vmem>>
        %dma_wait3A_722 = tpu.memref_slice %arg4[%mul3A_716] : memref<1638400xf32, #tpu.memory_space<hbm>> -> memref<800xf32, #tpu.memory_space<hbm>>
        tpu.wait_dma2 semaphore(%arg22 : memref<!tpu.dma_semaphore, #tpu.memory_space<semaphore_mem>>) src(%dma_wait3A_722 : memref<800xf32, #tpu.memory_space<hbm>>) dst(%dma_wait3A_721 : memref<800xf32, #tpu.memory_space<vmem>>)
        %get3A_723 = arith.constant 0 : index
        %get3A_724 = tpu.vector_load %arg8[%get3A_723] {strides = array<i32>} : memref<16xf32, #tpu.memory_space<vmem>>, vector<16xf32>,
        %bitcast3A_725 = vector.bitcast %get3A_724 : vector<16xf32> to vector<16xi32>
        %max3A_726 = arith.constant 0 : i32
        %max3A_727 = vector.broadcast %max3A_726 : i32 to vector<16xi32>
        %max3A_728 = arith.maxsi %bitcast3A_725, %max3A_727 : vector<16xi32>
        %min3A_729 = arith.constant 999999 : i32
        %min3A_730 = vector.broadcast %min3A_729 : i32 to vector<16xi32>
        %min3A_731 = arith.minsi %max3A_728, %min3A_730 : vector<16xi32>
        %swap3A_732 = arith.constant 0 : index
        %swap3A_733 = tpu.vector_load %arg12[%swap3A_732] {strides = array<i32>} : memref<16xi32, #tpu.memory_space<vmem>>, vector<16xi32>,
        tpu.vector_store %arg12[%swap3A_732], %min3A_731 {strides = array<i32>} : memref<16xi32, #tpu.memory_space<vmem>>, vector<16xi32>,
        %get3A_734 = arith.constant 0 : index
        %get3A_735 = tpu.vector_load %arg10[%get3A_734] {strides = array<i32>} : memref<960xf32, #tpu.memory_space<vmem>>, vector<16xf32>,
        %bitcast3A_736 = vector.bitcast %get3A_735 : vector<16xf32> to vector<16xi32>
        %swap3A_737 = arith.constant 0 : index
        %swap3A_738 = tpu.vector_load %arg14[%swap3A_737] {strides = array<i32>} : memref<960xi32, #tpu.memory_space<vmem>>, vector<16xi32>,
        tpu.vector_store %arg14[%swap3A_737], %bitcast3A_736 {strides = array<i32>} : memref<960xi32, #tpu.memory_space<vmem>>, vector<16xi32>,
        %get3A_739 = arith.constant 16 : index
        %get3A_740 = tpu.vector_load %arg10[%get3A_739] {strides = array<i32>} : memref<960xf32, #tpu.memory_space<vmem>>, vector<16xf32>,
        %bitcast3A_741 = vector.bitcast %get3A_740 : vector<16xf32> to vector<16xi32>
        %swap3A_742 = arith.constant 16 : index
        %swap3A_743 = tpu.vector_load %arg14[%swap3A_742] {strides = array<i32>} : memref<960xi32, #tpu.memory_space<vmem>>, vector<16xi32>,
        tpu.vector_store %arg14[%swap3A_742], %bitcast3A_741 {strides = array<i32>} : memref<960xi32, #tpu.memory_space<vmem>>, vector<16xi32>,
        %get3A_744 = arith.constant 32 : index
        %get3A_745 = tpu.vector_load %arg10[%get3A_744] {strides = array<i32>} : memref<960xf32, #tpu.memory_space<vmem>>, vector<16xf32>,
        %bitcast3A_746 = vector.bitcast %get3A_745 : vector<16xf32> to vector<16xi32>
        %swap3A_747 = arith.constant 32 : index
        %swap3A_748 = tpu.vector_load %arg14[%swap3A_747] {strides = array<i32>} : memref<960xi32, #tpu.memory_space<vmem>>, vector<16xi32>,
        tpu.vector_store %arg14[%swap3A_747], %bitcast3A_746 {strides = array<i32>} : memref<960xi32, #tpu.memory_space<vmem>>, vector<16xi32>,
        %get3A_749 = arith.constant 48 : index
        %get3A_750 = tpu.vector_load %arg10[%get3A_749] {strides = array<i32>} : memref<960xf32, #tpu.memory_space<vmem>>, vector<16xf32>,
        %bitcast3A_751 = vector.bitcast %get3A_750 : vector<16xf32> to vector<16xi32>
        %swap3A_752 = arith.constant 48 : index
        %swap3A_753 = tpu.vector_load %arg14[%swap3A_752] {strides = array<i32>} : memref<960xi32, #tpu.memory_space<vmem>>, vector<16xi32>,
        tpu.vector_store %arg14[%swap3A_752], %bitcast3A_751 {strides = array<i32>} : memref<960xi32, #tpu.memory_space<vmem>>, vector<16xi32>,
        %get3A_754 = arith.constant 64 : index
        %get3A_755 = tpu.vector_load %arg10[%get3A_754] {strides = array<i32>} : memref<960xf32, #tpu.memory_space<vmem>>, vector<16xf32>,
        %bitcast3A_756 = vector.bitcast %get3A_755 : vector<16xf32> to vector<16xi32>
        %swap3A_757 = arith.constant 64 : index
        %swap3A_758 = tpu.vector_load %arg14[%swap3A_757] {strides = array<i32>} : memref<960xi32, #tpu.memory_space<vmem>>, vector<16xi32>,
        tpu.vector_store %arg14[%swap3A_757], %bitcast3A_756 {strides = array<i32>} : memref<960xi32, #tpu.memory_space<vmem>>, vector<16xi32>,
        %get3A_759 = arith.constant 80 : index
        %get3A_760 = tpu.vector_load %arg10[%get3A_759] {strides = array<i32>} : memref<960xf32, #tpu.memory_space<vmem>>, vector<16xf32>,
        %bitcast3A_761 = vector.bitcast %get3A_760 : vector<16xf32> to vector<16xi32>
        %swap3A_762 = arith.constant 80 : index
        %swap3A_763 = tpu.vector_load %arg14[%swap3A_762] {strides = array<i32>} : memref<960xi32, #tpu.memory_space<vmem>>, vector<16xi32>,
        tpu.vector_store %arg14[%swap3A_762], %bitcast3A_761 {strides = array<i32>} : memref<960xi32, #tpu.memory_space<vmem>>, vector<16xi32>,
        %get3A_764 = arith.constant 96 : index
        %get3A_765 = tpu.vector_load %arg10[%get3A_764] {strides = array<i32>} : memref<960xf32, #tpu.memory_space<vmem>>, vector<16xf32>,
        %bitcast3A_766 = vector.bitcast %get3A_765 : vector<16xf32> to vector<16xi32>
        %swap3A_767 = arith.constant 96 : index
        %swap3A_768 = tpu.vector_load %arg14[%swap3A_767] {strides = array<i32>} : memref<960xi32, #tpu.memory_space<vmem>>, vector<16xi32>,
        tpu.vector_store %arg14[%swap3A_767], %bitcast3A_766 {strides = array<i32>} : memref<960xi32, #tpu.memory_space<vmem>>, vector<16xi32>,
        %get3A_769 = arith.constant 112 : index
        %get3A_770 = tpu.vector_load %arg10[%get3A_769] {strides = array<i32>} : memref<960xf32, #tpu.memory_space<vmem>>, vector<16xf32>,
        %bitcast3A_771 = vector.bitcast %get3A_770 : vector<16xf32> to vector<16xi32>
        %swap3A_772 = arith.constant 112 : index
        %swap3A_773 = tpu.vector_load %arg14[%swap3A_772] {strides = array<i32>} : memref<960xi32, #tpu.memory_space<vmem>>, vector<16xi32>,
        tpu.vector_store %arg14[%swap3A_772], %bitcast3A_771 {strides = array<i32>} : memref<960xi32, #tpu.memory_space<vmem>>, vector<16xi32>,
        %get3A_774 = arith.constant 128 : index
        %get3A_775 = tpu.vector_load %arg10[%get3A_774] {strides = array<i32>} : memref<960xf32, #tpu.memory_space<vmem>>, vector<16xf32>,
        %bitcast3A_776 = vector.bitcast %get3A_775 : vector<16xf32> to vector<16xi32>
        %swap3A_777 = arith.constant 128 : index
        %swap3A_778 = tpu.vector_load %arg14[%swap3A_777] {strides = array<i32>} : memref<960xi32, #tpu.memory_space<vmem>>, vector<16xi32>,
        tpu.vector_store %arg14[%swap3A_777], %bitcast3A_776 {strides = array<i32>} : memref<960xi32, #tpu.memory_space<vmem>>, vector<16xi32>,
        %get3A_779 = arith.constant 144 : index
        %get3A_780 = tpu.vector_load %arg10[%get3A_779] {strides = array<i32>} : memref<960xf32, #tpu.memory_space<vmem>>, vector<16xf32>,
        %bitcast3A_781 = vector.bitcast %get3A_780 : vector<16xf32> to vector<16xi32>
        %swap3A_782 = arith.constant 144 : index
        %swap3A_783 = tpu.vector_load %arg14[%swap3A_782] {strides = array<i32>} : memref<960xi32, #tpu.memory_space<vmem>>, vector<16xi32>,
        tpu.vector_store %arg14[%swap3A_782], %bitcast3A_781 {strides = array<i32>} : memref<960xi32, #tpu.memory_space<vmem>>, vector<16xi32>,
        %get3A_784 = arith.constant 160 : index
        %get3A_785 = tpu.vector_load %arg10[%get3A_784] {strides = array<i32>} : memref<960xf32, #tpu.memory_space<vmem>>, vector<16xf32>,
        %bitcast3A_786 = vector.bitcast %get3A_785 : vector<16xf32> to vector<16xi32>
        %swap3A_787 = arith.constant 160 : index
        %swap3A_788 = tpu.vector_load %arg14[%swap3A_787] {strides = array<i32>} : memref<960xi32, #tpu.memory_space<vmem>>, vector<16xi32>,
        tpu.vector_store %arg14[%swap3A_787], %bitcast3A_786 {strides = array<i32>} : memref<960xi32, #tpu.memory_space<vmem>>, vector<16xi32>,
        %get3A_789 = arith.constant 176 : index
        %get3A_790 = tpu.vector_load %arg10[%get3A_789] {strides = array<i32>} : memref<960xf32, #tpu.memory_space<vmem>>, vector<16xf32>,
        %bitcast3A_791 = vector.bitcast %get3A_790 : vector<16xf32> to vector<16xi32>
        %swap3A_792 = arith.constant 176 : index
        %swap3A_793 = tpu.vector_load %arg14[%swap3A_792] {strides = array<i32>} : memref<960xi32, #tpu.memory_space<vmem>>, vector<16xi32>,
        tpu.vector_store %arg14[%swap3A_792], %bitcast3A_791 {strides = array<i32>} : memref<960xi32, #tpu.memory_space<vmem>>, vector<16xi32>,
        %get3A_794 = arith.constant 192 : index
        %get3A_795 = tpu.vector_load %arg10[%get3A_794] {strides = array<i32>} : memref<960xf32, #tpu.memory_space<vmem>>, vector<16xf32>,
        %bitcast3A_796 = vector.bitcast %get3A_795 : vector<16xf32> to vector<16xi32>
        %swap3A_797 = arith.constant 192 : index
        %swap3A_798 = tpu.vector_load %arg14[%swap3A_797] {strides = array<i32>} : memref<960xi32, #tpu.memory_space<vmem>>, vector<16xi32>,
        tpu.vector_store %arg14[%swap3A_797], %bitcast3A_796 {strides = array<i32>} : memref<960xi32, #tpu.memory_space<vmem>>, vector<16xi32>,
        %get3A_799 = arith.constant 208 : index
        %get3A_800 = tpu.vector_load %arg10[%get3A_799] {strides = array<i32>} : memref<960xf32, #tpu.memory_space<vmem>>, vector<16xf32>,
        %bitcast3A_801 = vector.bitcast %get3A_800 : vector<16xf32> to vector<16xi32>
        %swap3A_802 = arith.constant 208 : index
        %swap3A_803 = tpu.vector_load %arg14[%swap3A_802] {strides = array<i32>} : memref<960xi32, #tpu.memory_space<vmem>>, vector<16xi32>,
        tpu.vector_store %arg14[%swap3A_802], %bitcast3A_801 {strides = array<i32>} : memref<960xi32, #tpu.memory_space<vmem>>, vector<16xi32>,
        %get3A_804 = arith.constant 224 : index
        %get3A_805 = tpu.vector_load %arg10[%get3A_804] {strides = array<i32>} : memref<960xf32, #tpu.memory_space<vmem>>, vector<16xf32>,
        %bitcast3A_806 = vector.bitcast %get3A_805 : vector<16xf32> to vector<16xi32>
        %swap3A_807 = arith.constant 224 : index
        %swap3A_808 = tpu.vector_load %arg14[%swap3A_807] {strides = array<i32>} : memref<960xi32, #tpu.memory_space<vmem>>, vector<16xi32>,
        tpu.vector_store %arg14[%swap3A_807], %bitcast3A_806 {strides = array<i32>} : memref<960xi32, #tpu.memory_space<vmem>>, vector<16xi32>,
        %get3A_809 = arith.constant 240 : index
        %get3A_810 = tpu.vector_load %arg10[%get3A_809] {strides = array<i32>} : memref<960xf32, #tpu.memory_space<vmem>>, vector<16xf32>,
        %bitcast3A_811 = vector.bitcast %get3A_810 : vector<16xf32> to vector<16xi32>
        %swap3A_812 = arith.constant 240 : index
        %swap3A_813 = tpu.vector_load %arg14[%swap3A_812] {strides = array<i32>} : memref<960xi32, #tpu.memory_space<vmem>>, vector<16xi32>,
        tpu.vector_store %arg14[%swap3A_812], %bitcast3A_811 {strides = array<i32>} : memref<960xi32, #tpu.memory_space<vmem>>, vector<16xi32>,
        %get3A_814 = arith.constant 256 : index
        %get3A_815 = tpu.vector_load %arg10[%get3A_814] {strides = array<i32>} : memref<960xf32, #tpu.memory_space<vmem>>, vector<16xf32>,
        %bitcast3A_816 = vector.bitcast %get3A_815 : vector<16xf32> to vector<16xi32>
        %swap3A_817 = arith.constant 256 : index
        %swap3A_818 = tpu.vector_load %arg14[%swap3A_817] {strides = array<i32>} : memref<960xi32, #tpu.memory_space<vmem>>, vector<16xi32>,
        tpu.vector_store %arg14[%swap3A_817], %bitcast3A_816 {strides = array<i32>} : memref<960xi32, #tpu.memory_space<vmem>>, vector<16xi32>,
        %get3A_819 = arith.constant 272 : index
        %get3A_820 = tpu.vector_load %arg10[%get3A_819] {strides = array<i32>} : memref<960xf32, #tpu.memory_space<vmem>>, vector<16xf32>,
        %bitcast3A_821 = vector.bitcast %get3A_820 : vector<16xf32> to vector<16xi32>
        %swap3A_822 = arith.constant 272 : index
        %swap3A_823 = tpu.vector_load %arg14[%swap3A_822] {strides = array<i32>} : memref<960xi32, #tpu.memory_space<vmem>>, vector<16xi32>,
        tpu.vector_store %arg14[%swap3A_822], %bitcast3A_821 {strides = array<i32>} : memref<960xi32, #tpu.memory_space<vmem>>, vector<16xi32>,
        %get3A_824 = arith.constant 288 : index
        %get3A_825 = tpu.vector_load %arg10[%get3A_824] {strides = array<i32>} : memref<960xf32, #tpu.memory_space<vmem>>, vector<16xf32>,
        %bitcast3A_826 = vector.bitcast %get3A_825 : vector<16xf32> to vector<16xi32>
        %swap3A_827 = arith.constant 288 : index
        %swap3A_828 = tpu.vector_load %arg14[%swap3A_827] {strides = array<i32>} : memref<960xi32, #tpu.memory_space<vmem>>, vector<16xi32>,
        tpu.vector_store %arg14[%swap3A_827], %bitcast3A_826 {strides = array<i32>} : memref<960xi32, #tpu.memory_space<vmem>>, vector<16xi32>,
        %get3A_829 = arith.constant 304 : index
        %get3A_830 = tpu.vector_load %arg10[%get3A_829] {strides = array<i32>} : memref<960xf32, #tpu.memory_space<vmem>>, vector<16xf32>,
        %bitcast3A_831 = vector.bitcast %get3A_830 : vector<16xf32> to vector<16xi32>
        %swap3A_832 = arith.constant 304 : index
        %swap3A_833 = tpu.vector_load %arg14[%swap3A_832] {strides = array<i32>} : memref<960xi32, #tpu.memory_space<vmem>>, vector<16xi32>,
        tpu.vector_store %arg14[%swap3A_832], %bitcast3A_831 {strides = array<i32>} : memref<960xi32, #tpu.memory_space<vmem>>, vector<16xi32>,
        %get3A_834 = arith.constant 320 : index
        %get3A_835 = tpu.vector_load %arg10[%get3A_834] {strides = array<i32>} : memref<960xf32, #tpu.memory_space<vmem>>, vector<16xf32>,
        %bitcast3A_836 = vector.bitcast %get3A_835 : vector<16xf32> to vector<16xi32>
        %swap3A_837 = arith.constant 320 : index
        %swap3A_838 = tpu.vector_load %arg14[%swap3A_837] {strides = array<i32>} : memref<960xi32, #tpu.memory_space<vmem>>, vector<16xi32>,
        tpu.vector_store %arg14[%swap3A_837], %bitcast3A_836 {strides = array<i32>} : memref<960xi32, #tpu.memory_space<vmem>>, vector<16xi32>,
        %get3A_839 = arith.constant 336 : index
        %get3A_840 = tpu.vector_load %arg10[%get3A_839] {strides = array<i32>} : memref<960xf32, #tpu.memory_space<vmem>>, vector<16xf32>,
        %bitcast3A_841 = vector.bitcast %get3A_840 : vector<16xf32> to vector<16xi32>
        %swap3A_842 = arith.constant 336 : index
        %swap3A_843 = tpu.vector_load %arg14[%swap3A_842] {strides = array<i32>} : memref<960xi32, #tpu.memory_space<vmem>>, vector<16xi32>,
        tpu.vector_store %arg14[%swap3A_842], %bitcast3A_841 {strides = array<i32>} : memref<960xi32, #tpu.memory_space<vmem>>, vector<16xi32>,
        %get3A_844 = arith.constant 352 : index
        %get3A_845 = tpu.vector_load %arg10[%get3A_844] {strides = array<i32>} : memref<960xf32, #tpu.memory_space<vmem>>, vector<16xf32>,
        %bitcast3A_846 = vector.bitcast %get3A_845 : vector<16xf32> to vector<16xi32>
        %swap3A_847 = arith.constant 352 : index
        %swap3A_848 = tpu.vector_load %arg14[%swap3A_847] {strides = array<i32>} : memref<960xi32, #tpu.memory_space<vmem>>, vector<16xi32>,
        tpu.vector_store %arg14[%swap3A_847], %bitcast3A_846 {strides = array<i32>} : memref<960xi32, #tpu.memory_space<vmem>>, vector<16xi32>,
        %get3A_849 = arith.constant 368 : index
        %get3A_850 = tpu.vector_load %arg10[%get3A_849] {strides = array<i32>} : memref<960xf32, #tpu.memory_space<vmem>>, vector<16xf32>,
        %bitcast3A_851 = vector.bitcast %get3A_850 : vector<16xf32> to vector<16xi32>
        %swap3A_852 = arith.constant 368 : index
        %swap3A_853 = tpu.vector_load %arg14[%swap3A_852] {strides = array<i32>} : memref<960xi32, #tpu.memory_space<vmem>>, vector<16xi32>,
        tpu.vector_store %arg14[%swap3A_852], %bitcast3A_851 {strides = array<i32>} : memref<960xi32, #tpu.memory_space<vmem>>, vector<16xi32>,
        %get3A_854 = arith.constant 384 : index
        %get3A_855 = tpu.vector_load %arg10[%get3A_854] {strides = array<i32>} : memref<960xf32, #tpu.memory_space<vmem>>, vector<16xf32>,
        %bitcast3A_856 = vector.bitcast %get3A_855 : vector<16xf32> to vector<16xi32>
        %swap3A_857 = arith.constant 384 : index
        %swap3A_858 = tpu.vector_load %arg14[%swap3A_857] {strides = array<i32>} : memref<960xi32, #tpu.memory_space<vmem>>, vector<16xi32>,
        tpu.vector_store %arg14[%swap3A_857], %bitcast3A_856 {strides = array<i32>} : memref<960xi32, #tpu.memory_space<vmem>>, vector<16xi32>,
        %get3A_859 = arith.constant 400 : index
        %get3A_860 = tpu.vector_load %arg10[%get3A_859] {strides = array<i32>} : memref<960xf32, #tpu.memory_space<vmem>>, vector<16xf32>,
        %bitcast3A_861 = vector.bitcast %get3A_860 : vector<16xf32> to vector<16xi32>
        %swap3A_862 = arith.constant 400 : index
        %swap3A_863 = tpu.vector_load %arg14[%swap3A_862] {strides = array<i32>} : memref<960xi32, #tpu.memory_space<vmem>>, vector<16xi32>,
        tpu.vector_store %arg14[%swap3A_862], %bitcast3A_861 {strides = array<i32>} : memref<960xi32, #tpu.memory_space<vmem>>, vector<16xi32>,
        %get3A_864 = arith.constant 416 : index
        %get3A_865 = tpu.vector_load %arg10[%get3A_864] {strides = array<i32>} : memref<960xf32, #tpu.memory_space<vmem>>, vector<16xf32>,
        %bitcast3A_866 = vector.bitcast %get3A_865 : vector<16xf32> to vector<16xi32>
        %swap3A_867 = arith.constant 416 : index
        %swap3A_868 = tpu.vector_load %arg14[%swap3A_867] {strides = array<i32>} : memref<960xi32, #tpu.memory_space<vmem>>, vector<16xi32>,
        tpu.vector_store %arg14[%swap3A_867], %bitcast3A_866 {strides = array<i32>} : memref<960xi32, #tpu.memory_space<vmem>>, vector<16xi32>,
        %get3A_869 = arith.constant 432 : index
        %get3A_870 = tpu.vector_load %arg10[%get3A_869] {strides = array<i32>} : memref<960xf32, #tpu.memory_space<vmem>>, vector<16xf32>,
        %bitcast3A_871 = vector.bitcast %get3A_870 : vector<16xf32> to vector<16xi32>
        %swap3A_872 = arith.constant 432 : index
        %swap3A_873 = tpu.vector_load %arg14[%swap3A_872] {strides = array<i32>} : memref<960xi32, #tpu.memory_space<vmem>>, vector<16xi32>,
        tpu.vector_store %arg14[%swap3A_872], %bitcast3A_871 {strides = array<i32>} : memref<960xi32, #tpu.memory_space<vmem>>, vector<16xi32>,
        %get3A_874 = arith.constant 448 : index
        %get3A_875 = tpu.vector_load %arg10[%get3A_874] {strides = array<i32>} : memref<960xf32, #tpu.memory_space<vmem>>, vector<16xf32>,
        %bitcast3A_876 = vector.bitcast %get3A_875 : vector<16xf32> to vector<16xi32>
        %swap3A_877 = arith.constant 448 : index
        %swap3A_878 = tpu.vector_load %arg14[%swap3A_877] {strides = array<i32>} : memref<960xi32, #tpu.memory_space<vmem>>, vector<16xi32>,
        tpu.vector_store %arg14[%swap3A_877], %bitcast3A_876 {strides = array<i32>} : memref<960xi32, #tpu.memory_space<vmem>>, vector<16xi32>,
        %get3A_879 = arith.constant 464 : index
        %get3A_880 = tpu.vector_load %arg10[%get3A_879] {strides = array<i32>} : memref<960xf32, #tpu.memory_space<vmem>>, vector<16xf32>,
        %bitcast3A_881 = vector.bitcast %get3A_880 : vector<16xf32> to vector<16xi32>
        %swap3A_882 = arith.constant 464 : index
        %swap3A_883 = tpu.vector_load %arg14[%swap3A_882] {strides = array<i32>} : memref<960xi32, #tpu.memory_space<vmem>>, vector<16xi32>,
        tpu.vector_store %arg14[%swap3A_882], %bitcast3A_881 {strides = array<i32>} : memref<960xi32, #tpu.memory_space<vmem>>, vector<16xi32>,
        %get3A_884 = arith.constant 480 : index
        %get3A_885 = tpu.vector_load %arg10[%get3A_884] {strides = array<i32>} : memref<960xf32, #tpu.memory_space<vmem>>, vector<16xf32>,
        %bitcast3A_886 = vector.bitcast %get3A_885 : vector<16xf32> to vector<16xi32>
        %swap3A_887 = arith.constant 480 : index
        %swap3A_888 = tpu.vector_load %arg14[%swap3A_887] {strides = array<i32>} : memref<960xi32, #tpu.memory_space<vmem>>, vector<16xi32>,
        tpu.vector_store %arg14[%swap3A_887], %bitcast3A_886 {strides = array<i32>} : memref<960xi32, #tpu.memory_space<vmem>>, vector<16xi32>,
        %get3A_889 = arith.constant 496 : index
        %get3A_890 = tpu.vector_load %arg10[%get3A_889] {strides = array<i32>} : memref<960xf32, #tpu.memory_space<vmem>>, vector<16xf32>,
        %bitcast3A_891 = vector.bitcast %get3A_890 : vector<16xf32> to vector<16xi32>
        %swap3A_892 = arith.constant 496 : index
        %swap3A_893 = tpu.vector_load %arg14[%swap3A_892] {strides = array<i32>} : memref<960xi32, #tpu.memory_space<vmem>>, vector<16xi32>,
        tpu.vector_store %arg14[%swap3A_892], %bitcast3A_891 {strides = array<i32>} : memref<960xi32, #tpu.memory_space<vmem>>, vector<16xi32>,
        %get3A_894 = arith.constant 512 : index
        %get3A_895 = tpu.vector_load %arg10[%get3A_894] {strides = array<i32>} : memref<960xf32, #tpu.memory_space<vmem>>, vector<16xf32>,
        %bitcast3A_896 = vector.bitcast %get3A_895 : vector<16xf32> to vector<16xi32>
        %swap3A_897 = arith.constant 512 : index
        %swap3A_898 = tpu.vector_load %arg14[%swap3A_897] {strides = array<i32>} : memref<960xi32, #tpu.memory_space<vmem>>, vector<16xi32>,
        tpu.vector_store %arg14[%swap3A_897], %bitcast3A_896 {strides = array<i32>} : memref<960xi32, #tpu.memory_space<vmem>>, vector<16xi32>,
        %get3A_899 = arith.constant 528 : index
        %get3A_900 = tpu.vector_load %arg10[%get3A_899] {strides = array<i32>} : memref<960xf32, #tpu.memory_space<vmem>>, vector<16xf32>,
        %bitcast3A_901 = vector.bitcast %get3A_900 : vector<16xf32> to vector<16xi32>
        %swap3A_902 = arith.constant 528 : index
        %swap3A_903 = tpu.vector_load %arg14[%swap3A_902] {strides = array<i32>} : memref<960xi32, #tpu.memory_space<vmem>>, vector<16xi32>,
        tpu.vector_store %arg14[%swap3A_902], %bitcast3A_901 {strides = array<i32>} : memref<960xi32, #tpu.memory_space<vmem>>, vector<16xi32>,
        %get3A_904 = arith.constant 544 : index
        %get3A_905 = tpu.vector_load %arg10[%get3A_904] {strides = array<i32>} : memref<960xf32, #tpu.memory_space<vmem>>, vector<16xf32>,
        %bitcast3A_906 = vector.bitcast %get3A_905 : vector<16xf32> to vector<16xi32>
        %swap3A_907 = arith.constant 544 : index
        %swap3A_908 = tpu.vector_load %arg14[%swap3A_907] {strides = array<i32>} : memref<960xi32, #tpu.memory_space<vmem>>, vector<16xi32>,
        tpu.vector_store %arg14[%swap3A_907], %bitcast3A_906 {strides = array<i32>} : memref<960xi32, #tpu.memory_space<vmem>>, vector<16xi32>,
        %get3A_909 = arith.constant 560 : index
        %get3A_910 = tpu.vector_load %arg10[%get3A_909] {strides = array<i32>} : memref<960xf32, #tpu.memory_space<vmem>>, vector<16xf32>,
        %bitcast3A_911 = vector.bitcast %get3A_910 : vector<16xf32> to vector<16xi32>
        %swap3A_912 = arith.constant 560 : index
        %swap3A_913 = tpu.vector_load %arg14[%swap3A_912] {strides = array<i32>} : memref<960xi32, #tpu.memory_space<vmem>>, vector<16xi32>,
        tpu.vector_store %arg14[%swap3A_912], %bitcast3A_911 {strides = array<i32>} : memref<960xi32, #tpu.memory_space<vmem>>, vector<16xi32>,
        %get3A_914 = arith.constant 576 : index
        %get3A_915 = tpu.vector_load %arg10[%get3A_914] {strides = array<i32>} : memref<960xf32, #tpu.memory_space<vmem>>, vector<16xf32>,
        %bitcast3A_916 = vector.bitcast %get3A_915 : vector<16xf32> to vector<16xi32>
        %swap3A_917 = arith.constant 576 : index
        %swap3A_918 = tpu.vector_load %arg14[%swap3A_917] {strides = array<i32>} : memref<960xi32, #tpu.memory_space<vmem>>, vector<16xi32>,
        tpu.vector_store %arg14[%swap3A_917], %bitcast3A_916 {strides = array<i32>} : memref<960xi32, #tpu.memory_space<vmem>>, vector<16xi32>,
        %get3A_919 = arith.constant 592 : index
        %get3A_920 = tpu.vector_load %arg10[%get3A_919] {strides = array<i32>} : memref<960xf32, #tpu.memory_space<vmem>>, vector<16xf32>,
        %bitcast3A_921 = vector.bitcast %get3A_920 : vector<16xf32> to vector<16xi32>
        %swap3A_922 = arith.constant 592 : index
        %swap3A_923 = tpu.vector_load %arg14[%swap3A_922] {strides = array<i32>} : memref<960xi32, #tpu.memory_space<vmem>>, vector<16xi32>,
        tpu.vector_store %arg14[%swap3A_922], %bitcast3A_921 {strides = array<i32>} : memref<960xi32, #tpu.memory_space<vmem>>, vector<16xi32>,
        %get3A_924 = arith.constant 608 : index
        %get3A_925 = tpu.vector_load %arg10[%get3A_924] {strides = array<i32>} : memref<960xf32, #tpu.memory_space<vmem>>, vector<16xf32>,
        %bitcast3A_926 = vector.bitcast %get3A_925 : vector<16xf32> to vector<16xi32>
        %swap3A_927 = arith.constant 608 : index
        %swap3A_928 = tpu.vector_load %arg14[%swap3A_927] {strides = array<i32>} : memref<960xi32, #tpu.memory_space<vmem>>, vector<16xi32>,
        tpu.vector_store %arg14[%swap3A_927], %bitcast3A_926 {strides = array<i32>} : memref<960xi32, #tpu.memory_space<vmem>>, vector<16xi32>,
        %get3A_929 = arith.constant 624 : index
        %get3A_930 = tpu.vector_load %arg10[%get3A_929] {strides = array<i32>} : memref<960xf32, #tpu.memory_space<vmem>>, vector<16xf32>,
        %bitcast3A_931 = vector.bitcast %get3A_930 : vector<16xf32> to vector<16xi32>
        %swap3A_932 = arith.constant 624 : index
        %swap3A_933 = tpu.vector_load %arg14[%swap3A_932] {strides = array<i32>} : memref<960xi32, #tpu.memory_space<vmem>>, vector<16xi32>,
        tpu.vector_store %arg14[%swap3A_932], %bitcast3A_931 {strides = array<i32>} : memref<960xi32, #tpu.memory_space<vmem>>, vector<16xi32>,
        %get3A_934 = arith.constant 640 : index
        %get3A_935 = tpu.vector_load %arg10[%get3A_934] {strides = array<i32>} : memref<960xf32, #tpu.memory_space<vmem>>, vector<16xf32>,
        %bitcast3A_936 = vector.bitcast %get3A_935 : vector<16xf32> to vector<16xi32>
        %swap3A_937 = arith.constant 640 : index
        %swap3A_938 = tpu.vector_load %arg14[%swap3A_937] {strides = array<i32>} : memref<960xi32, #tpu.memory_space<vmem>>, vector<16xi32>,
        tpu.vector_store %arg14[%swap3A_937], %bitcast3A_936 {strides = array<i32>} : memref<960xi32, #tpu.memory_space<vmem>>, vector<16xi32>,
        %get3A_939 = arith.constant 656 : index
        %get3A_940 = tpu.vector_load %arg10[%get3A_939] {strides = array<i32>} : memref<960xf32, #tpu.memory_space<vmem>>, vector<16xf32>,
        %bitcast3A_941 = vector.bitcast %get3A_940 : vector<16xf32> to vector<16xi32>
        %swap3A_942 = arith.constant 656 : index
        %swap3A_943 = tpu.vector_load %arg14[%swap3A_942] {strides = array<i32>} : memref<960xi32, #tpu.memory_space<vmem>>, vector<16xi32>,
        tpu.vector_store %arg14[%swap3A_942], %bitcast3A_941 {strides = array<i32>} : memref<960xi32, #tpu.memory_space<vmem>>, vector<16xi32>,
        %get3A_944 = arith.constant 672 : index
        %get3A_945 = tpu.vector_load %arg10[%get3A_944] {strides = array<i32>} : memref<960xf32, #tpu.memory_space<vmem>>, vector<16xf32>,
        %bitcast3A_946 = vector.bitcast %get3A_945 : vector<16xf32> to vector<16xi32>
        %swap3A_947 = arith.constant 672 : index
        %swap3A_948 = tpu.vector_load %arg14[%swap3A_947] {strides = array<i32>} : memref<960xi32, #tpu.memory_space<vmem>>, vector<16xi32>,
        tpu.vector_store %arg14[%swap3A_947], %bitcast3A_946 {strides = array<i32>} : memref<960xi32, #tpu.memory_space<vmem>>, vector<16xi32>,
        %get3A_949 = arith.constant 688 : index
        %get3A_950 = tpu.vector_load %arg10[%get3A_949] {strides = array<i32>} : memref<960xf32, #tpu.memory_space<vmem>>, vector<16xf32>,
        %bitcast3A_951 = vector.bitcast %get3A_950 : vector<16xf32> to vector<16xi32>
        %swap3A_952 = arith.constant 688 : index
        %swap3A_953 = tpu.vector_load %arg14[%swap3A_952] {strides = array<i32>} : memref<960xi32, #tpu.memory_space<vmem>>, vector<16xi32>,
        tpu.vector_store %arg14[%swap3A_952], %bitcast3A_951 {strides = array<i32>} : memref<960xi32, #tpu.memory_space<vmem>>, vector<16xi32>,
        %get3A_954 = arith.constant 704 : index
        %get3A_955 = tpu.vector_load %arg10[%get3A_954] {strides = array<i32>} : memref<960xf32, #tpu.memory_space<vmem>>, vector<16xf32>,
        %bitcast3A_956 = vector.bitcast %get3A_955 : vector<16xf32> to vector<16xi32>
        %swap3A_957 = arith.constant 704 : index
        %swap3A_958 = tpu.vector_load %arg14[%swap3A_957] {strides = array<i32>} : memref<960xi32, #tpu.memory_space<vmem>>, vector<16xi32>,
        tpu.vector_store %arg14[%swap3A_957], %bitcast3A_956 {strides = array<i32>} : memref<960xi32, #tpu.memory_space<vmem>>, vector<16xi32>,
        %get3A_959 = arith.constant 720 : index
        %get3A_960 = tpu.vector_load %arg10[%get3A_959] {strides = array<i32>} : memref<960xf32, #tpu.memory_space<vmem>>, vector<16xf32>,
        %bitcast3A_961 = vector.bitcast %get3A_960 : vector<16xf32> to vector<16xi32>
        %swap3A_962 = arith.constant 720 : index
        %swap3A_963 = tpu.vector_load %arg14[%swap3A_962] {strides = array<i32>} : memref<960xi32, #tpu.memory_space<vmem>>, vector<16xi32>,
        tpu.vector_store %arg14[%swap3A_962], %bitcast3A_961 {strides = array<i32>} : memref<960xi32, #tpu.memory_space<vmem>>, vector<16xi32>,
        %get3A_964 = arith.constant 736 : index
        %get3A_965 = tpu.vector_load %arg10[%get3A_964] {strides = array<i32>} : memref<960xf32, #tpu.memory_space<vmem>>, vector<16xf32>,
        %bitcast3A_966 = vector.bitcast %get3A_965 : vector<16xf32> to vector<16xi32>
        %swap3A_967 = arith.constant 736 : index
        %swap3A_968 = tpu.vector_load %arg14[%swap3A_967] {strides = array<i32>} : memref<960xi32, #tpu.memory_space<vmem>>, vector<16xi32>,
        tpu.vector_store %arg14[%swap3A_967], %bitcast3A_966 {strides = array<i32>} : memref<960xi32, #tpu.memory_space<vmem>>, vector<16xi32>,
        %get3A_969 = arith.constant 752 : index
        %get3A_970 = tpu.vector_load %arg10[%get3A_969] {strides = array<i32>} : memref<960xf32, #tpu.memory_space<vmem>>, vector<16xf32>,
        %bitcast3A_971 = vector.bitcast %get3A_970 : vector<16xf32> to vector<16xi32>
        %swap3A_972 = arith.constant 752 : index
        %swap3A_973 = tpu.vector_load %arg14[%swap3A_972] {strides = array<i32>} : memref<960xi32, #tpu.memory_space<vmem>>, vector<16xi32>,
        tpu.vector_store %arg14[%swap3A_972], %bitcast3A_971 {strides = array<i32>} : memref<960xi32, #tpu.memory_space<vmem>>, vector<16xi32>,
        %get3A_974 = arith.constant 768 : index
        %get3A_975 = tpu.vector_load %arg10[%get3A_974] {strides = array<i32>} : memref<960xf32, #tpu.memory_space<vmem>>, vector<16xf32>,
        %bitcast3A_976 = vector.bitcast %get3A_975 : vector<16xf32> to vector<16xi32>
        %swap3A_977 = arith.constant 768 : index
        %swap3A_978 = tpu.vector_load %arg14[%swap3A_977] {strides = array<i32>} : memref<960xi32, #tpu.memory_space<vmem>>, vector<16xi32>,
        tpu.vector_store %arg14[%swap3A_977], %bitcast3A_976 {strides = array<i32>} : memref<960xi32, #tpu.memory_space<vmem>>, vector<16xi32>,
        %get3A_979 = arith.constant 784 : index
        %get3A_980 = tpu.vector_load %arg10[%get3A_979] {strides = array<i32>} : memref<960xf32, #tpu.memory_space<vmem>>, vector<16xf32>,
        %bitcast3A_981 = vector.bitcast %get3A_980 : vector<16xf32> to vector<16xi32>
        %swap3A_982 = arith.constant 784 : index
        %swap3A_983 = tpu.vector_load %arg14[%swap3A_982] {strides = array<i32>} : memref<960xi32, #tpu.memory_space<vmem>>, vector<16xi32>,
        tpu.vector_store %arg14[%swap3A_982], %bitcast3A_981 {strides = array<i32>} : memref<960xi32, #tpu.memory_space<vmem>>, vector<16xi32>,
        %get3A_984 = arith.constant 800 : index
        %get3A_985 = tpu.vector_load %arg10[%get3A_984] {strides = array<i32>} : memref<960xf32, #tpu.memory_space<vmem>>, vector<16xf32>,
        %bitcast3A_986 = vector.bitcast %get3A_985 : vector<16xf32> to vector<16xi32>
        %swap3A_987 = arith.constant 800 : index
        %swap3A_988 = tpu.vector_load %arg14[%swap3A_987] {strides = array<i32>} : memref<960xi32, #tpu.memory_space<vmem>>, vector<16xi32>,
        tpu.vector_store %arg14[%swap3A_987], %bitcast3A_986 {strides = array<i32>} : memref<960xi32, #tpu.memory_space<vmem>>, vector<16xi32>,
        %get3A_989 = arith.constant 816 : index
        %get3A_990 = tpu.vector_load %arg10[%get3A_989] {strides = array<i32>} : memref<960xf32, #tpu.memory_space<vmem>>, vector<16xf32>,
        %bitcast3A_991 = vector.bitcast %get3A_990 : vector<16xf32> to vector<16xi32>
        %swap3A_992 = arith.constant 816 : index
        %swap3A_993 = tpu.vector_load %arg14[%swap3A_992] {strides = array<i32>} : memref<960xi32, #tpu.memory_space<vmem>>, vector<16xi32>,
        tpu.vector_store %arg14[%swap3A_992], %bitcast3A_991 {strides = array<i32>} : memref<960xi32, #tpu.memory_space<vmem>>, vector<16xi32>,
        %get3A_994 = arith.constant 832 : index
        %get3A_995 = tpu.vector_load %arg10[%get3A_994] {strides = array<i32>} : memref<960xf32, #tpu.memory_space<vmem>>, vector<16xf32>,
        %bitcast3A_996 = vector.bitcast %get3A_995 : vector<16xf32> to vector<16xi32>
        %swap3A_997 = arith.constant 832 : index
        %swap3A_998 = tpu.vector_load %arg14[%swap3A_997] {strides = array<i32>} : memref<960xi32, #tpu.memory_space<vmem>>, vector<16xi32>,
        tpu.vector_store %arg14[%swap3A_997], %bitcast3A_996 {strides = array<i32>} : memref<960xi32, #tpu.memory_space<vmem>>, vector<16xi32>,
        %get3A_999 = arith.constant 848 : index
        %get3A_1000 = tpu.vector_load %arg10[%get3A_999] {strides = array<i32>} : memref<960xf32, #tpu.memory_space<vmem>>, vector<16xf32>,
        %bitcast3A_1001 = vector.bitcast %get3A_1000 : vector<16xf32> to vector<16xi32>
        %swap3A_1002 = arith.constant 848 : index
        %swap3A_1003 = tpu.vector_load %arg14[%swap3A_1002] {strides = array<i32>} : memref<960xi32, #tpu.memory_space<vmem>>, vector<16xi32>,
        tpu.vector_store %arg14[%swap3A_1002], %bitcast3A_1001 {strides = array<i32>} : memref<960xi32, #tpu.memory_space<vmem>>, vector<16xi32>,
        %get3A_1004 = arith.constant 864 : index
        %get3A_1005 = tpu.vector_load %arg10[%get3A_1004] {strides = array<i32>} : memref<960xf32, #tpu.memory_space<vmem>>, vector<16xf32>,
        %bitcast3A_1006 = vector.bitcast %get3A_1005 : vector<16xf32> to vector<16xi32>
        %swap3A_1007 = arith.constant 864 : index
        %swap3A_1008 = tpu.vector_load %arg14[%swap3A_1007] {strides = array<i32>} : memref<960xi32, #tpu.memory_space<vmem>>, vector<16xi32>,
        tpu.vector_store %arg14[%swap3A_1007], %bitcast3A_1006 {strides = array<i32>} : memref<960xi32, #tpu.memory_space<vmem>>, vector<16xi32>,
        %get3A_1009 = arith.constant 880 : index
        %get3A_1010 = tpu.vector_load %arg10[%get3A_1009] {strides = array<i32>} : memref<960xf32, #tpu.memory_space<vmem>>, vector<16xf32>,
        %bitcast3A_1011 = vector.bitcast %get3A_1010 : vector<16xf32> to vector<16xi32>
        %swap3A_1012 = arith.constant 880 : index
        %swap3A_1013 = tpu.vector_load %arg14[%swap3A_1012] {strides = array<i32>} : memref<960xi32, #tpu.memory_space<vmem>>, vector<16xi32>,
        tpu.vector_store %arg14[%swap3A_1012], %bitcast3A_1011 {strides = array<i32>} : memref<960xi32, #tpu.memory_space<vmem>>, vector<16xi32>,
        %get3A_1014 = arith.constant 896 : index
        %get3A_1015 = tpu.vector_load %arg10[%get3A_1014] {strides = array<i32>} : memref<960xf32, #tpu.memory_space<vmem>>, vector<16xf32>,
        %bitcast3A_1016 = vector.bitcast %get3A_1015 : vector<16xf32> to vector<16xi32>
        %swap3A_1017 = arith.constant 896 : index
        %swap3A_1018 = tpu.vector_load %arg14[%swap3A_1017] {strides = array<i32>} : memref<960xi32, #tpu.memory_space<vmem>>, vector<16xi32>,
        tpu.vector_store %arg14[%swap3A_1017], %bitcast3A_1016 {strides = array<i32>} : memref<960xi32, #tpu.memory_space<vmem>>, vector<16xi32>,
        %get3A_1019 = arith.constant 912 : index
        %get3A_1020 = tpu.vector_load %arg10[%get3A_1019] {strides = array<i32>} : memref<960xf32, #tpu.memory_space<vmem>>, vector<16xf32>,
        %bitcast3A_1021 = vector.bitcast %get3A_1020 : vector<16xf32> to vector<16xi32>
        %swap3A_1022 = arith.constant 912 : index
        %swap3A_1023 = tpu.vector_load %arg14[%swap3A_1022] {strides = array<i32>} : memref<960xi32, #tpu.memory_space<vmem>>, vector<16xi32>,
        tpu.vector_store %arg14[%swap3A_1022], %bitcast3A_1021 {strides = array<i32>} : memref<960xi32, #tpu.memory_space<vmem>>, vector<16xi32>,
        %get3A_1024 = arith.constant 928 : index
        %get3A_1025 = tpu.vector_load %arg10[%get3A_1024] {strides = array<i32>} : memref<960xf32, #tpu.memory_space<vmem>>, vector<16xf32>,
        %bitcast3A_1026 = vector.bitcast %get3A_1025 : vector<16xf32> to vector<16xi32>
        %swap3A_1027 = arith.constant 928 : index
        %swap3A_1028 = tpu.vector_load %arg14[%swap3A_1027] {strides = array<i32>} : memref<960xi32, #tpu.memory_space<vmem>>, vector<16xi32>,
        tpu.vector_store %arg14[%swap3A_1027], %bitcast3A_1026 {strides = array<i32>} : memref<960xi32, #tpu.memory_space<vmem>>, vector<16xi32>,
        %get3A_1029 = arith.constant 944 : index
        %get3A_1030 = tpu.vector_load %arg10[%get3A_1029] {strides = array<i32>} : memref<960xf32, #tpu.memory_space<vmem>>, vector<16xf32>,
        %bitcast3A_1031 = vector.bitcast %get3A_1030 : vector<16xf32> to vector<16xi32>
        %swap3A_1032 = arith.constant 944 : index
        %swap3A_1033 = tpu.vector_load %arg14[%swap3A_1032] {strides = array<i32>} : memref<960xi32, #tpu.memory_space<vmem>>, vector<16xi32>,
        tpu.vector_store %arg14[%swap3A_1032], %bitcast3A_1031 {strides = array<i32>} : memref<960xi32, #tpu.memory_space<vmem>>, vector<16xi32>,
        %dma_start3A_1034 = arith.constant 0 : i32
        %dma_start3A_1035 = arith.constant 0 : i32
        %dma_start3A_1036 = tpu.memref_slice %arg5[%dma_start3A_1034, %dma_start3A_1035] : memref<1000000x32xf32, #tpu.memory_space<hbm>> -> memref<1000000x32xf32, #tpu.memory_space<hbm>>
        tpu.enqueue_indirect_dma source(%dma_start3A_1036 : memref<1000000x32xf32, #tpu.memory_space<hbm>>) target(%arg16 : memref<16x32xf32, #tpu.memory_space<vmem>>) offsets(%arg12 : memref<16xi32, #tpu.memory_space<vmem>>) semaphore(%arg24 : memref<!tpu.dma_semaphore, #tpu.memory_space<semaphore_mem>>)
        %dma_start3A_1037 = arith.constant 0 : i32
        %dma_start3A_1038 = arith.constant 0 : i32
        %dma_start3A_1039 = tpu.memref_slice %arg6[%dma_start3A_1037, %dma_start3A_1038] : memref<1000000x32xf32, #tpu.memory_space<hbm>> -> memref<1000000x32xf32, #tpu.memory_space<hbm>>
        tpu.enqueue_indirect_dma source(%dma_start3A_1039 : memref<1000000x32xf32, #tpu.memory_space<hbm>>) target(%arg18 : memref<960x32xf32, #tpu.memory_space<vmem>>) offsets(%arg14 : memref<960xi32, #tpu.memory_space<vmem>>) semaphore(%arg24 : memref<!tpu.dma_semaphore, #tpu.memory_space<semaphore_mem>>)
      } else {
      }
      %scan3A_690 = arith.constant 0 : i32
      %scan3A_691 = arith.constant 0 : i32
      %scan3A_692 = arith.constant 8 : i32
      %scan3A_693 = arith.addi %scan3A_691, %scan3A_692 : i32
      %scan3A_694 = arith.constant 1 : i32
      scf.for %scan3A_696 = %scan3A_691 to %scan3A_693 step %scan3A_694  : i32 {
        %get3A_697 = arith.index_cast %scan3A_696 : i32 to index
        %get3A_698 = arith.constant 0 : index
        %get3A_699 = tpu.vector_load %arg17[%get3A_697, %get3A_698] {strides = array<i32>} : memref<16x32xf32, #tpu.memory_space<vmem>>, vector<16xf32>,
        %get3A_700 = arith.index_cast %scan3A_696 : i32 to index
        %get3A_701 = arith.constant 16 : index
        %get3A_702 = tpu.vector_load %arg17[%get3A_700, %get3A_701] {strides = array<i32>} : memref<16x32xf32, #tpu.memory_space<vmem>>, vector<16xf32>,
        %mul3A_703 = arith.constant 20 : i32
        %mul3A_704 = arith.muli %scan3A_696, %mul3A_703 : i32
        %mul3A_705 = arith.constant 100 : i32
        %mul3A_706 = arith.muli %scan3A_696, %mul3A_705 : i32
        %add3A_707 = arith.constant 160 : i32
        %add3A_708 = arith.addi %add3A_707, %mul3A_706 : i32
        %sub3A = arith.constant 20 : i32
        %sub3A_709 = arith.subi %add3A_708, %sub3A : i32
        %parallel_loop3A = arith.constant 0 : i32
        %parallel_loop3A_710 = arith.constant 120 : i32
        %parallel_loop3A_711 = arith.constant 1 : i32
        scf.for %parallel_loop3A_1018 = %parallel_loop3A to %parallel_loop3A_710 step %parallel_loop3A_711  : i32 {
          %parallel_loop3A_1019 = arith.constant 20 : i32
          %parallel_loop3A_1020 = arith.cmpi slt, %parallel_loop3A_1018, %parallel_loop3A_1019 : i32
          %parallel_loop3A_1021 = arith.addi %mul3A_704, %parallel_loop3A_1018 : i32
          %parallel_loop3A_1022 = arith.addi %sub3A_709, %parallel_loop3A_1018 : i32
          %parallel_loop3A_1023 = arith.select %parallel_loop3A_1020, %parallel_loop3A_1021, %parallel_loop3A_1022 : i32
          %parallel_loop3A_1024 = arith.index_cast %parallel_loop3A_1023 : i32 to index
          %parallel_loop3A_1025 = arith.constant 0 : index
          %parallel_loop3A_1026 = tpu.vector_load %arg19[%parallel_loop3A_1024, %parallel_loop3A_1025] {strides = array<i32>} : memref<960x32xf32, #tpu.memory_space<vmem>>, vector<16xf32>,
          %parallel_loop3A_1027 = arith.mulf %parallel_loop3A_1026, %get3A_699 : vector<16xf32>
          %parallel_loop3A_1028 = arith.index_cast %parallel_loop3A_1023 : i32 to index
          %parallel_loop3A_1029 = arith.constant 16 : index
          %parallel_loop3A_1030 = tpu.vector_load %arg19[%parallel_loop3A_1028, %parallel_loop3A_1029] {strides = array<i32>} : memref<960x32xf32, #tpu.memory_space<vmem>>, vector<16xf32>,
          %parallel_loop3A_1031 = arith.mulf %parallel_loop3A_1030, %get3A_702 : vector<16xf32>
          %parallel_loop3A_1032 = arith.addf %parallel_loop3A_1027, %parallel_loop3A_1031 : vector<16xf32>
          %parallel_loop3A_1033 = vector.broadcast %parallel_loop3A_1018 : i32 to vector<16xi32>
          %parallel_loop3A_1034 = arith.constant true
          %parallel_loop3A_1035 = vector.broadcast %parallel_loop3A_1034 : i1 to vector<16xi1>
          %parallel_loop3A_1036 = tpu.scan <sum>, %parallel_loop3A_1032 masked %parallel_loop3A_1035 : vector<16xf32>, vector<16xi1> -> vector<16xf32>
          tpu.vector_store_idx %arg21[%parallel_loop3A_1033], %parallel_loop3A_1036 masked %eq3A_11 : memref<128xf32, #tpu.memory_space<vmem>>[vector<16xi32>], vector<16xf32>, vector<16xi1>
        } {sc.loop_unroll_factor = 8 : i64, sc.parallel_access}
        %get3A_712 = arith.constant 0 : index
        %get3A_713 = tpu.vector_load %arg21[%get3A_712] {strides = array<i32>} : memref<128xf32, #tpu.memory_space<vmem>>, vector<16xf32>,
        %abs3A = math.absf %get3A_713 : vector<16xf32>
        %neg3A = arith.constant 0.000000e+00 : f32
        %neg3A_714 = vector.broadcast %neg3A : f32 to vector<16xf32>
        %neg3A_715 = arith.subf %neg3A_714, %abs3A : vector<16xf32>
        %exp3A = math.exp %neg3A_715 : vector<16xf32>
        %add3A_716 = arith.constant 2.000000e+00 : f32
        %add3A_717 = vector.broadcast %add3A_716 : f32 to vector<16xf32>
        %add3A_718 = arith.addf %exp3A, %add3A_717 : vector<16xf32>
        %div3A = arith.divf %exp3A, %add3A_718 : vector<16xf32>
        %mul3A_719 = arith.mulf %div3A, %div3A : vector<16xf32>
        %mul3A_720 = arith.constant 0.142857149 : f32
        %mul3A_721 = vector.broadcast %mul3A_720 : f32 to vector<16xf32>
        %mul3A_722 = arith.mulf %mul3A_719, %mul3A_721 : vector<16xf32>
        %add3A_723 = arith.constant 2.000000e-01 : f32
        %add3A_724 = vector.broadcast %add3A_723 : f32 to vector<16xf32>
        %add3A_725 = arith.addf %add3A_724, %mul3A_722 : vector<16xf32>
        %mul3A_726 = arith.mulf %mul3A_719, %add3A_725 : vector<16xf32>
        %add3A_727 = arith.constant 0.333333343 : f32
        %add3A_728 = vector.broadcast %add3A_727 : f32 to vector<16xf32>
        %add3A_729 = arith.addf %add3A_728, %mul3A_726 : vector<16xf32>
        %mul3A_730 = arith.mulf %mul3A_719, %add3A_729 : vector<16xf32>
        %add3A_731 = arith.constant 1.000000e+00 : f32
        %add3A_732 = vector.broadcast %add3A_731 : f32 to vector<16xf32>
        %add3A_733 = arith.addf %add3A_732, %mul3A_730 : vector<16xf32>
        %min3A_734 = arith.constant 0.000000e+00 : f32
        %min3A_735 = vector.broadcast %min3A_734 : f32 to vector<16xf32>
        %min3A_736 = arith.minimumf %get3A_713, %min3A_735 : vector<16xf32>
        %mul3A_737 = arith.constant 2.000000e+00 : f32
        %mul3A_738 = vector.broadcast %mul3A_737 : f32 to vector<16xf32>
        %mul3A_739 = arith.mulf %mul3A_738, %div3A : vector<16xf32>
        %mul3A_740 = arith.mulf %mul3A_739, %add3A_733 : vector<16xf32>
        %sub3A_741 = arith.subf %min3A_736, %mul3A_740 : vector<16xf32>
        %get3A_742 = arith.constant 16 : index
        %get3A_743 = tpu.vector_load %arg21[%get3A_742] {strides = array<i32>} : memref<128xf32, #tpu.memory_space<vmem>>, vector<16xf32>,
        %mul3A_744 = arith.mulf %get3A_743, %select_n3A : vector<16xf32>
        %abs3A_745 = math.absf %mul3A_744 : vector<16xf32>
        %neg3A_746 = arith.constant 0.000000e+00 : f32
        %neg3A_747 = vector.broadcast %neg3A_746 : f32 to vector<16xf32>
        %neg3A_748 = arith.subf %neg3A_747, %abs3A_745 : vector<16xf32>
        %exp3A_749 = math.exp %neg3A_748 : vector<16xf32>
        %add3A_750 = arith.constant 2.000000e+00 : f32
        %add3A_751 = vector.broadcast %add3A_750 : f32 to vector<16xf32>
        %add3A_752 = arith.addf %exp3A_749, %add3A_751 : vector<16xf32>
        %div3A_753 = arith.divf %exp3A_749, %add3A_752 : vector<16xf32>
        %mul3A_754 = arith.mulf %div3A_753, %div3A_753 : vector<16xf32>
        %mul3A_755 = arith.constant 0.142857149 : f32
        %mul3A_756 = vector.broadcast %mul3A_755 : f32 to vector<16xf32>
        %mul3A_757 = arith.mulf %mul3A_754, %mul3A_756 : vector<16xf32>
        %add3A_758 = arith.constant 2.000000e-01 : f32
        %add3A_759 = vector.broadcast %add3A_758 : f32 to vector<16xf32>
        %add3A_760 = arith.addf %add3A_759, %mul3A_757 : vector<16xf32>
        %mul3A_761 = arith.mulf %mul3A_754, %add3A_760 : vector<16xf32>
        %add3A_762 = arith.constant 0.333333343 : f32
        %add3A_763 = vector.broadcast %add3A_762 : f32 to vector<16xf32>
        %add3A_764 = arith.addf %add3A_763, %mul3A_761 : vector<16xf32>
        %mul3A_765 = arith.mulf %mul3A_754, %add3A_764 : vector<16xf32>
        %add3A_766 = arith.constant 1.000000e+00 : f32
        %add3A_767 = vector.broadcast %add3A_766 : f32 to vector<16xf32>
        %add3A_768 = arith.addf %add3A_767, %mul3A_765 : vector<16xf32>
        %min3A_769 = arith.constant 0.000000e+00 : f32
        %min3A_770 = vector.broadcast %min3A_769 : f32 to vector<16xf32>
        %min3A_771 = arith.minimumf %mul3A_744, %min3A_770 : vector<16xf32>
        %mul3A_772 = arith.constant 2.000000e+00 : f32
        %mul3A_773 = vector.broadcast %mul3A_772 : f32 to vector<16xf32>
        %mul3A_774 = arith.mulf %mul3A_773, %div3A_753 : vector<16xf32>
        %mul3A_775 = arith.mulf %mul3A_774, %add3A_768 : vector<16xf32>
        %sub3A_776 = arith.subf %min3A_771, %mul3A_775 : vector<16xf32>
        %add3A_777 = arith.addf %sub3A_741, %sub3A_776 : vector<16xf32>
        %get3A_778 = arith.constant 32 : index
        %get3A_779 = tpu.vector_load %arg21[%get3A_778] {strides = array<i32>} : memref<128xf32, #tpu.memory_space<vmem>>, vector<16xf32>,
        %neg3A_780 = arith.constant 0.000000e+00 : f32
        %neg3A_781 = vector.broadcast %neg3A_780 : f32 to vector<16xf32>
        %neg3A_782 = arith.subf %neg3A_781, %get3A_779 : vector<16xf32>
        %abs3A_783 = math.absf %neg3A_782 : vector<16xf32>
        %neg3A_784 = arith.constant 0.000000e+00 : f32
        %neg3A_785 = vector.broadcast %neg3A_784 : f32 to vector<16xf32>
        %neg3A_786 = arith.subf %neg3A_785, %abs3A_783 : vector<16xf32>
        %exp3A_787 = math.exp %neg3A_786 : vector<16xf32>
        %add3A_788 = arith.constant 2.000000e+00 : f32
        %add3A_789 = vector.broadcast %add3A_788 : f32 to vector<16xf32>
        %add3A_790 = arith.addf %exp3A_787, %add3A_789 : vector<16xf32>
        %div3A_791 = arith.divf %exp3A_787, %add3A_790 : vector<16xf32>
        %mul3A_792 = arith.mulf %div3A_791, %div3A_791 : vector<16xf32>
        %mul3A_793 = arith.constant 0.142857149 : f32
        %mul3A_794 = vector.broadcast %mul3A_793 : f32 to vector<16xf32>
        %mul3A_795 = arith.mulf %mul3A_792, %mul3A_794 : vector<16xf32>
        %add3A_796 = arith.constant 2.000000e-01 : f32
        %add3A_797 = vector.broadcast %add3A_796 : f32 to vector<16xf32>
        %add3A_798 = arith.addf %add3A_797, %mul3A_795 : vector<16xf32>
        %mul3A_799 = arith.mulf %mul3A_792, %add3A_798 : vector<16xf32>
        %add3A_800 = arith.constant 0.333333343 : f32
        %add3A_801 = vector.broadcast %add3A_800 : f32 to vector<16xf32>
        %add3A_802 = arith.addf %add3A_801, %mul3A_799 : vector<16xf32>
        %mul3A_803 = arith.mulf %mul3A_792, %add3A_802 : vector<16xf32>
        %add3A_804 = arith.constant 1.000000e+00 : f32
        %add3A_805 = vector.broadcast %add3A_804 : f32 to vector<16xf32>
        %add3A_806 = arith.addf %add3A_805, %mul3A_803 : vector<16xf32>
        %min3A_807 = arith.constant 0.000000e+00 : f32
        %min3A_808 = vector.broadcast %min3A_807 : f32 to vector<16xf32>
        %min3A_809 = arith.minimumf %neg3A_782, %min3A_808 : vector<16xf32>
        %mul3A_810 = arith.constant 2.000000e+00 : f32
        %mul3A_811 = vector.broadcast %mul3A_810 : f32 to vector<16xf32>
        %mul3A_812 = arith.mulf %mul3A_811, %div3A_791 : vector<16xf32>
        %mul3A_813 = arith.mulf %mul3A_812, %add3A_806 : vector<16xf32>
        %sub3A_814 = arith.subf %min3A_809, %mul3A_813 : vector<16xf32>
        %add3A_815 = arith.addf %add3A_777, %sub3A_814 : vector<16xf32>
        %get3A_816 = arith.constant 48 : index
        %get3A_817 = tpu.vector_load %arg21[%get3A_816] {strides = array<i32>} : memref<128xf32, #tpu.memory_space<vmem>>, vector<16xf32>,
        %neg3A_818 = arith.constant 0.000000e+00 : f32
        %neg3A_819 = vector.broadcast %neg3A_818 : f32 to vector<16xf32>
        %neg3A_820 = arith.subf %neg3A_819, %get3A_817 : vector<16xf32>
        %abs3A_821 = math.absf %neg3A_820 : vector<16xf32>
        %neg3A_822 = arith.constant 0.000000e+00 : f32
        %neg3A_823 = vector.broadcast %neg3A_822 : f32 to vector<16xf32>
        %neg3A_824 = arith.subf %neg3A_823, %abs3A_821 : vector<16xf32>
        %exp3A_825 = math.exp %neg3A_824 : vector<16xf32>
        %add3A_826 = arith.constant 2.000000e+00 : f32
        %add3A_827 = vector.broadcast %add3A_826 : f32 to vector<16xf32>
        %add3A_828 = arith.addf %exp3A_825, %add3A_827 : vector<16xf32>
        %div3A_829 = arith.divf %exp3A_825, %add3A_828 : vector<16xf32>
        %mul3A_830 = arith.mulf %div3A_829, %div3A_829 : vector<16xf32>
        %mul3A_831 = arith.constant 0.142857149 : f32
        %mul3A_832 = vector.broadcast %mul3A_831 : f32 to vector<16xf32>
        %mul3A_833 = arith.mulf %mul3A_830, %mul3A_832 : vector<16xf32>
        %add3A_834 = arith.constant 2.000000e-01 : f32
        %add3A_835 = vector.broadcast %add3A_834 : f32 to vector<16xf32>
        %add3A_836 = arith.addf %add3A_835, %mul3A_833 : vector<16xf32>
        %mul3A_837 = arith.mulf %mul3A_830, %add3A_836 : vector<16xf32>
        %add3A_838 = arith.constant 0.333333343 : f32
        %add3A_839 = vector.broadcast %add3A_838 : f32 to vector<16xf32>
        %add3A_840 = arith.addf %add3A_839, %mul3A_837 : vector<16xf32>
        %mul3A_841 = arith.mulf %mul3A_830, %add3A_840 : vector<16xf32>
        %add3A_842 = arith.constant 1.000000e+00 : f32
        %add3A_843 = vector.broadcast %add3A_842 : f32 to vector<16xf32>
        %add3A_844 = arith.addf %add3A_843, %mul3A_841 : vector<16xf32>
        %min3A_845 = arith.constant 0.000000e+00 : f32
        %min3A_846 = vector.broadcast %min3A_845 : f32 to vector<16xf32>
        %min3A_847 = arith.minimumf %neg3A_820, %min3A_846 : vector<16xf32>
        %mul3A_848 = arith.constant 2.000000e+00 : f32
        %mul3A_849 = vector.broadcast %mul3A_848 : f32 to vector<16xf32>
        %mul3A_850 = arith.mulf %mul3A_849, %div3A_829 : vector<16xf32>
        %mul3A_851 = arith.mulf %mul3A_850, %add3A_844 : vector<16xf32>
        %sub3A_852 = arith.subf %min3A_847, %mul3A_851 : vector<16xf32>
        %add3A_853 = arith.addf %add3A_815, %sub3A_852 : vector<16xf32>
        %get3A_854 = arith.constant 64 : index
        %get3A_855 = tpu.vector_load %arg21[%get3A_854] {strides = array<i32>} : memref<128xf32, #tpu.memory_space<vmem>>, vector<16xf32>,
        %neg3A_856 = arith.constant 0.000000e+00 : f32
        %neg3A_857 = vector.broadcast %neg3A_856 : f32 to vector<16xf32>
        %neg3A_858 = arith.subf %neg3A_857, %get3A_855 : vector<16xf32>
        %abs3A_859 = math.absf %neg3A_858 : vector<16xf32>
        %neg3A_860 = arith.constant 0.000000e+00 : f32
        %neg3A_861 = vector.broadcast %neg3A_860 : f32 to vector<16xf32>
        %neg3A_862 = arith.subf %neg3A_861, %abs3A_859 : vector<16xf32>
        %exp3A_863 = math.exp %neg3A_862 : vector<16xf32>
        %add3A_864 = arith.constant 2.000000e+00 : f32
        %add3A_865 = vector.broadcast %add3A_864 : f32 to vector<16xf32>
        %add3A_866 = arith.addf %exp3A_863, %add3A_865 : vector<16xf32>
        %div3A_867 = arith.divf %exp3A_863, %add3A_866 : vector<16xf32>
        %mul3A_868 = arith.mulf %div3A_867, %div3A_867 : vector<16xf32>
        %mul3A_869 = arith.constant 0.142857149 : f32
        %mul3A_870 = vector.broadcast %mul3A_869 : f32 to vector<16xf32>
        %mul3A_871 = arith.mulf %mul3A_868, %mul3A_870 : vector<16xf32>
        %add3A_872 = arith.constant 2.000000e-01 : f32
        %add3A_873 = vector.broadcast %add3A_872 : f32 to vector<16xf32>
        %add3A_874 = arith.addf %add3A_873, %mul3A_871 : vector<16xf32>
        %mul3A_875 = arith.mulf %mul3A_868, %add3A_874 : vector<16xf32>
        %add3A_876 = arith.constant 0.333333343 : f32
        %add3A_877 = vector.broadcast %add3A_876 : f32 to vector<16xf32>
        %add3A_878 = arith.addf %add3A_877, %mul3A_875 : vector<16xf32>
        %mul3A_879 = arith.mulf %mul3A_868, %add3A_878 : vector<16xf32>
        %add3A_880 = arith.constant 1.000000e+00 : f32
        %add3A_881 = vector.broadcast %add3A_880 : f32 to vector<16xf32>
        %add3A_882 = arith.addf %add3A_881, %mul3A_879 : vector<16xf32>
        %min3A_883 = arith.constant 0.000000e+00 : f32
        %min3A_884 = vector.broadcast %min3A_883 : f32 to vector<16xf32>
        %min3A_885 = arith.minimumf %neg3A_858, %min3A_884 : vector<16xf32>
        %mul3A_886 = arith.constant 2.000000e+00 : f32
        %mul3A_887 = vector.broadcast %mul3A_886 : f32 to vector<16xf32>
        %mul3A_888 = arith.mulf %mul3A_887, %div3A_867 : vector<16xf32>
        %mul3A_889 = arith.mulf %mul3A_888, %add3A_882 : vector<16xf32>
        %sub3A_890 = arith.subf %min3A_885, %mul3A_889 : vector<16xf32>
        %add3A_891 = arith.addf %add3A_853, %sub3A_890 : vector<16xf32>
        %get3A_892 = arith.constant 80 : index
        %get3A_893 = tpu.vector_load %arg21[%get3A_892] {strides = array<i32>} : memref<128xf32, #tpu.memory_space<vmem>>, vector<16xf32>,
        %neg3A_894 = arith.constant 0.000000e+00 : f32
        %neg3A_895 = vector.broadcast %neg3A_894 : f32 to vector<16xf32>
        %neg3A_896 = arith.subf %neg3A_895, %get3A_893 : vector<16xf32>
        %abs3A_897 = math.absf %neg3A_896 : vector<16xf32>
        %neg3A_898 = arith.constant 0.000000e+00 : f32
        %neg3A_899 = vector.broadcast %neg3A_898 : f32 to vector<16xf32>
        %neg3A_900 = arith.subf %neg3A_899, %abs3A_897 : vector<16xf32>
        %exp3A_901 = math.exp %neg3A_900 : vector<16xf32>
        %add3A_902 = arith.constant 2.000000e+00 : f32
        %add3A_903 = vector.broadcast %add3A_902 : f32 to vector<16xf32>
        %add3A_904 = arith.addf %exp3A_901, %add3A_903 : vector<16xf32>
        %div3A_905 = arith.divf %exp3A_901, %add3A_904 : vector<16xf32>
        %mul3A_906 = arith.mulf %div3A_905, %div3A_905 : vector<16xf32>
        %mul3A_907 = arith.constant 0.142857149 : f32
        %mul3A_908 = vector.broadcast %mul3A_907 : f32 to vector<16xf32>
        %mul3A_909 = arith.mulf %mul3A_906, %mul3A_908 : vector<16xf32>
        %add3A_910 = arith.constant 2.000000e-01 : f32
        %add3A_911 = vector.broadcast %add3A_910 : f32 to vector<16xf32>
        %add3A_912 = arith.addf %add3A_911, %mul3A_909 : vector<16xf32>
        %mul3A_913 = arith.mulf %mul3A_906, %add3A_912 : vector<16xf32>
        %add3A_914 = arith.constant 0.333333343 : f32
        %add3A_915 = vector.broadcast %add3A_914 : f32 to vector<16xf32>
        %add3A_916 = arith.addf %add3A_915, %mul3A_913 : vector<16xf32>
        %mul3A_917 = arith.mulf %mul3A_906, %add3A_916 : vector<16xf32>
        %add3A_918 = arith.constant 1.000000e+00 : f32
        %add3A_919 = vector.broadcast %add3A_918 : f32 to vector<16xf32>
        %add3A_920 = arith.addf %add3A_919, %mul3A_917 : vector<16xf32>
        %min3A_921 = arith.constant 0.000000e+00 : f32
        %min3A_922 = vector.broadcast %min3A_921 : f32 to vector<16xf32>
        %min3A_923 = arith.minimumf %neg3A_896, %min3A_922 : vector<16xf32>
        %mul3A_924 = arith.constant 2.000000e+00 : f32
        %mul3A_925 = vector.broadcast %mul3A_924 : f32 to vector<16xf32>
        %mul3A_926 = arith.mulf %mul3A_925, %div3A_905 : vector<16xf32>
        %mul3A_927 = arith.mulf %mul3A_926, %add3A_920 : vector<16xf32>
        %sub3A_928 = arith.subf %min3A_923, %mul3A_927 : vector<16xf32>
        %add3A_929 = arith.addf %add3A_891, %sub3A_928 : vector<16xf32>
        %get3A_930 = arith.constant 96 : index
        %get3A_931 = tpu.vector_load %arg21[%get3A_930] {strides = array<i32>} : memref<128xf32, #tpu.memory_space<vmem>>, vector<16xf32>,
        %neg3A_932 = arith.constant 0.000000e+00 : f32
        %neg3A_933 = vector.broadcast %neg3A_932 : f32 to vector<16xf32>
        %neg3A_934 = arith.subf %neg3A_933, %get3A_931 : vector<16xf32>
        %abs3A_935 = math.absf %neg3A_934 : vector<16xf32>
        %neg3A_936 = arith.constant 0.000000e+00 : f32
        %neg3A_937 = vector.broadcast %neg3A_936 : f32 to vector<16xf32>
        %neg3A_938 = arith.subf %neg3A_937, %abs3A_935 : vector<16xf32>
        %exp3A_939 = math.exp %neg3A_938 : vector<16xf32>
        %add3A_940 = arith.constant 2.000000e+00 : f32
        %add3A_941 = vector.broadcast %add3A_940 : f32 to vector<16xf32>
        %add3A_942 = arith.addf %exp3A_939, %add3A_941 : vector<16xf32>
        %div3A_943 = arith.divf %exp3A_939, %add3A_942 : vector<16xf32>
        %mul3A_944 = arith.mulf %div3A_943, %div3A_943 : vector<16xf32>
        %mul3A_945 = arith.constant 0.142857149 : f32
        %mul3A_946 = vector.broadcast %mul3A_945 : f32 to vector<16xf32>
        %mul3A_947 = arith.mulf %mul3A_944, %mul3A_946 : vector<16xf32>
        %add3A_948 = arith.constant 2.000000e-01 : f32
        %add3A_949 = vector.broadcast %add3A_948 : f32 to vector<16xf32>
        %add3A_950 = arith.addf %add3A_949, %mul3A_947 : vector<16xf32>
        %mul3A_951 = arith.mulf %mul3A_944, %add3A_950 : vector<16xf32>
        %add3A_952 = arith.constant 0.333333343 : f32
        %add3A_953 = vector.broadcast %add3A_952 : f32 to vector<16xf32>
        %add3A_954 = arith.addf %add3A_953, %mul3A_951 : vector<16xf32>
        %mul3A_955 = arith.mulf %mul3A_944, %add3A_954 : vector<16xf32>
        %add3A_956 = arith.constant 1.000000e+00 : f32
        %add3A_957 = vector.broadcast %add3A_956 : f32 to vector<16xf32>
        %add3A_958 = arith.addf %add3A_957, %mul3A_955 : vector<16xf32>
        %min3A_959 = arith.constant 0.000000e+00 : f32
        %min3A_960 = vector.broadcast %min3A_959 : f32 to vector<16xf32>
        %min3A_961 = arith.minimumf %neg3A_934, %min3A_960 : vector<16xf32>
        %mul3A_962 = arith.constant 2.000000e+00 : f32
        %mul3A_963 = vector.broadcast %mul3A_962 : f32 to vector<16xf32>
        %mul3A_964 = arith.mulf %mul3A_963, %div3A_943 : vector<16xf32>
        %mul3A_965 = arith.mulf %mul3A_964, %add3A_958 : vector<16xf32>
        %sub3A_966 = arith.subf %min3A_961, %mul3A_965 : vector<16xf32>
        %add3A_967 = arith.addf %add3A_929, %sub3A_966 : vector<16xf32>
        %get3A_968 = arith.constant 112 : index
        %get3A_969 = tpu.vector_load %arg21[%get3A_968] {strides = array<i32>} : memref<128xf32, #tpu.memory_space<vmem>>, vector<16xf32>,
        %neg3A_970 = arith.constant 0.000000e+00 : f32
        %neg3A_971 = vector.broadcast %neg3A_970 : f32 to vector<16xf32>
        %neg3A_972 = arith.subf %neg3A_971, %get3A_969 : vector<16xf32>
        %abs3A_973 = math.absf %neg3A_972 : vector<16xf32>
        %neg3A_974 = arith.constant 0.000000e+00 : f32
        %neg3A_975 = vector.broadcast %neg3A_974 : f32 to vector<16xf32>
        %neg3A_976 = arith.subf %neg3A_975, %abs3A_973 : vector<16xf32>
        %exp3A_977 = math.exp %neg3A_976 : vector<16xf32>
        %add3A_978 = arith.constant 2.000000e+00 : f32
        %add3A_979 = vector.broadcast %add3A_978 : f32 to vector<16xf32>
        %add3A_980 = arith.addf %exp3A_977, %add3A_979 : vector<16xf32>
        %div3A_981 = arith.divf %exp3A_977, %add3A_980 : vector<16xf32>
        %mul3A_982 = arith.mulf %div3A_981, %div3A_981 : vector<16xf32>
        %mul3A_983 = arith.constant 0.142857149 : f32
        %mul3A_984 = vector.broadcast %mul3A_983 : f32 to vector<16xf32>
        %mul3A_985 = arith.mulf %mul3A_982, %mul3A_984 : vector<16xf32>
        %add3A_986 = arith.constant 2.000000e-01 : f32
        %add3A_987 = vector.broadcast %add3A_986 : f32 to vector<16xf32>
        %add3A_988 = arith.addf %add3A_987, %mul3A_985 : vector<16xf32>
        %mul3A_989 = arith.mulf %mul3A_982, %add3A_988 : vector<16xf32>
        %add3A_990 = arith.constant 0.333333343 : f32
        %add3A_991 = vector.broadcast %add3A_990 : f32 to vector<16xf32>
        %add3A_992 = arith.addf %add3A_991, %mul3A_989 : vector<16xf32>
        %mul3A_993 = arith.mulf %mul3A_982, %add3A_992 : vector<16xf32>
        %add3A_994 = arith.constant 1.000000e+00 : f32
        %add3A_995 = vector.broadcast %add3A_994 : f32 to vector<16xf32>
        %add3A_996 = arith.addf %add3A_995, %mul3A_993 : vector<16xf32>
        %min3A_997 = arith.constant 0.000000e+00 : f32
        %min3A_998 = vector.broadcast %min3A_997 : f32 to vector<16xf32>
        %min3A_999 = arith.minimumf %neg3A_972, %min3A_998 : vector<16xf32>
        %mul3A_1000 = arith.constant 2.000000e+00 : f32
        %mul3A_1001 = vector.broadcast %mul3A_1000 : f32 to vector<16xf32>
        %mul3A_1002 = arith.mulf %mul3A_1001, %div3A_981 : vector<16xf32>
        %mul3A_1003 = arith.mulf %mul3A_1002, %add3A_996 : vector<16xf32>
        %sub3A_1004 = arith.subf %min3A_999, %mul3A_1003 : vector<16xf32>
        %jit3A_1005 = arith.constant 0.000000e+00 : f32
        %broadcast_in_dim3A_1006 = vector.broadcast %jit3A_1005 : f32 to vector<16xf32>
        %select_n3A_1007 = arith.select %lt3A_9, %sub3A_1004, %broadcast_in_dim3A_1006 : vector<16xi1>, vector<16xf32>
        %add3A_1008 = arith.addf %add3A_967, %select_n3A_1007 : vector<16xf32>
        %neg3A_1009 = arith.constant 0.000000e+00 : f32
        %neg3A_1010 = vector.broadcast %neg3A_1009 : f32 to vector<16xf32>
        %neg3A_1011 = arith.subf %neg3A_1010, %add3A_1008 : vector<16xf32>
        %cumsum3A = arith.constant true
        %cumsum3A_1012 = vector.broadcast %cumsum3A : i1 to vector<16xi1>
        %cumsum3A_1013 = tpu.scan <sum>, %neg3A_1011 masked %cumsum3A_1012 : vector<16xf32>, vector<16xi1> -> vector<16xf32>
        %mul3A_1014 = arith.constant 8 : i32
        %mul3A_1015 = arith.muli %add3A_669, %mul3A_1014 : i32
        %add3A_1016 = arith.addi %mul3A_1015, %scan3A_696 : i32
        %broadcast_in_dim3A_1017 = vector.broadcast %add3A_1016 : i32 to vector<16xi32>
        tpu.vector_store_idx %arg20[%broadcast_in_dim3A_1017], %cumsum3A_1013 masked %eq3A_11 : memref<512xf32, #tpu.memory_space<vmem>>[vector<16xi32>], vector<16xf32>, vector<16xi1>
      }
      %scan3A_695 = arith.constant 8 : i32
    }
    %scan3A_638 = arith.constant 32 : i32
    "tpu.region"() ({
      %run_scoped3A = tpu.sem_alloc : memref<!tpu.dma_semaphore, #tpu.memory_space<semaphore_mem>>
      %dma_start3A_639 = tpu.memref_slice %arg7[%mul3A_2] : memref<16384xf32, #tpu.memory_space<hbm>> -> memref<512xf32, #tpu.memory_space<hbm>>
      %dma_start3A_640 = tpu.memref_slice %arg7[%mul3A_2] : memref<16384xf32, #tpu.memory_space<hbm>> -> memref<512xf32, #tpu.memory_space<hbm>>
      tpu.enqueue_dma source(%arg20 : memref<512xf32, #tpu.memory_space<vmem>>) target(%dma_start3A_640 : memref<512xf32, #tpu.memory_space<hbm>>) target_semaphore(%run_scoped3A : memref<!tpu.dma_semaphore, #tpu.memory_space<semaphore_mem>>)
      %dma_wait3A_641 = tpu.memref_slice %arg7[%mul3A_2] : memref<16384xf32, #tpu.memory_space<hbm>> -> memref<512xf32, #tpu.memory_space<hbm>>
      %dma_wait3A_642 = tpu.memref_slice %arg7[%mul3A_2] : memref<16384xf32, #tpu.memory_space<hbm>> -> memref<512xf32, #tpu.memory_space<hbm>>
      tpu.wait_dma2 semaphore(%run_scoped3A : memref<!tpu.dma_semaphore, #tpu.memory_space<semaphore_mem>>) src(%arg20 : memref<512xf32, #tpu.memory_space<vmem>>) dst(%dma_wait3A_642 : memref<512xf32, #tpu.memory_space<hbm>>)
      tpu.yield
    }) : () -> ()
    return
  }
}

</mosaic_0001>

<sc_bundles>
// kernel: kernel.3.cloned.1.call-start
scs
__scs_entry_jumppad:
0x0: {  	(pc) =	sbr.rel $0x88, $3  }
0x1: {  	(tag) =	ssettag $0x0;
	lr =	simm.s32 $0x1  }
0x2: {  	[smem:$0x3F9C] =	sst lr;
	_ =	strace $0xD0000000  }
0x3: {  	_ = 	snop  }
0x4: {  	_ = 	snop  }
0x5: {  	_ = 	snop  }
0x6: {  	_ = 	snop  }
0x7: {  	_ = 	snop  }
__scs_overlays_trampoline_lowered:
0x8: {  	[smem:$0x3FAB] =	sst s0  }
0x9: {  	[smem:$0x3FAC] =	sst s1  }
0xa: {  	[smem:$0x3FAD] =	sst s2  }
0xb: {  	[smem:$0x3FAE] =	sst s3  }
0xc: {  	[smem:$0x3FAF] =	sst s4  }
0xd: {  	[smem:$0x3FB0] =	sst s5  }
0xe: {  	[smem:$0x3FB1] =	sst s6  }
0xf: {  	[smem:$0x3FB2] =	sst s7  }
0x10: {  	[smem:$0x3FB3] =	sst s8  }
0x11: {  	[smem:$0x3FB4] =	sst s9;
	s0 =	simm.s32 @!p0 $0x0  }
0x12: {  	s1 =	sld [smem:$0x3F9A];
	s0 =	simm.s32 @p0 $0x1  }
0x13: {  	[smem:$0x3FB5] =	sst s0;
	s0 =	simm.s32 @!p1 $0x0  }
0x14: {  	s2 =	sld [smem:$0x3F99];
	s0 =	simm.s32 @p1 $0x1  }
0x15: {  	[smem:$0x3FB6] =	sst s0;
	s0 =	simm.s32 @!p2 $0x0  }
0x16: {  	s3 =	sld [smem:$0x3FDB];
	s0 =	simm.s32 @p2 $0x1  }
0x17: {  	s4 =	simm.s32 $0x1BF5;
	[smem:$0x3FB8] =	sst s0  }
0x18: {  	s0 =	sld [smem:$0x3F9B];
	_ =	swait.ge [sflag:s4], $0x0  }
0x19: {  	s7 =	sld [smem:$0x3F9C]  }
0x1a: {  	s8 =	sadd.s32 $0xFFFFE003, lr  }
0x1b: {  	s9 =	sadd.s32 $0xFFFFFEF7, lr;
	s5 =	simm.s32 $0xFFFFFFFF;
	p2 =	slt.u32 s8, $0xFFFFF086  }
0x1c: {  	p1 =	slt.u32 s9, $0xF7A;
	s5 =	simm.s32 @!p2 $0x0  }
0x1d: {  	s5 =	simm.s32 @p1 $0x1;
	p0 =	seq.s32 s7, s2  }
0x1e: {  	s7 =	smul.u32 @!p0 $0xF7A, s2;
	p2 =	seq.s32 @!p0 s5, $0x0  }
0x1f: {  	s9 =	smul.u32 $0xF7A, s1;
	s8 =	simm.s32 @!p0 $0x1BF5;
	p2 =	por !p2, p0  }
0x20: {  	[sflag:s8] =	ssyncset.s32 @!p0 $0xFFFFF086;
	s6 =	sadd.s32 @!p0 s3, s7;
	s7 =	simm.s32 @!p0 $0x108  }
0x21: {  	s3 =	sadd.s32 s3, s9;
	s6 =	sadd.s32 @!p0 $0x88, s6;
	s7 =	simm.s32 @p2 $0x1082  }
0x22: {  	[simem:s7], [sflag:s8] =	dma.local @!p0 [hbm:s6], $0xF7A  }
0x23: {  	s9 =	sor.u32 $0xD0000000, s2;
	s6 =	simm.s32 $0x108;
	_ =	swait.ge @!p0 [sflag:s8], $0x0  }
0x24: {  	s3 =	sadd.s32 $0x88, s3;
	s6 =	simm.s32 @!p1 $0x1082;
	[sflag:s4] =	ssyncset.s32 $0xFFFFF086  }
0x25: {  	[simem:s6], [sflag:s4] =	dma.local [hbm:s3], $0xF7A  }
0x26: {  	[smem:$0x3F9C] =	sst s1;
	(tag) =	ssettag s2;
	_ =	strace s9  }
0x27: {  	s1 =	sld [smem:$0x3FAC]  }
0x28: {  	s2 =	sld [smem:$0x3FAD]  }
0x29: {  	s4 =	sld [smem:$0x3FAF]  }
0x2a: {  	p0 =	seq.s32 s5, $0x0;
	s5 =	sld [smem:$0x3FB0]  }
0x2b: {  	s6 =	sld [smem:$0x3FB1]  }
0x2c: {  	s7 =	sld [smem:$0x3FB2]  }
0x2d: {  	s3 =	simm.s32 $0x108;
	s8 =	sld [smem:$0x3FB3]  }
0x2e: {  	s3 =	simm.s32 @!p0 $0x1082;
	s9 =	sld [smem:$0x3FB4]  }
0x2f: {  	lr =	sadd.s32 s0, s3;
	s0 =	sld [smem:$0x3FAB]  }
0x30: {  	s3 =	sld [smem:$0x3FAE]  }
0x31: {  	[smem:$0x3FB7] =	sst s10  }
0x32: {  	s10 =	sld [smem:$0x3FB5];
	_ =	sdelay $0x3  }
0x33: {  	p0 =	seq.s32 s10, $0x1;
	s10 =	sld [smem:$0x3FB7];
	_ =	sdelay $0x3  }
0x34: {  	[smem:$0x3FB7] =	sst s10  }
0x35: {  	s10 =	sld [smem:$0x3FB6];
	_ =	sdelay $0x3  }
0x36: {  	p1 =	seq.s32 s10, $0x1;
	s10 =	sld [smem:$0x3FB7];
	_ =	sdelay $0x3  }
0x37: {  	[smem:$0x3FB7] =	sst s10  }
0x38: {  	s10 =	sld [smem:$0x3FB8]  }
0x39: {  	_ = 	snop;
	(pc) =	sbr.ind lr, $3  }
0x3a: {  	_ = 	snop  }
0x3b: {  	_ = 	snop  }
0x3c: {  	p2 =	seq.s32 s10, $0x1;
	s10 =	sld [smem:$0x3FB7]  }
0x3d: {  	_ =	shalt  }
0x3e: {  	_ =	shalt  }
0x3f: {  	_ =	shalt  }
0x40: {  	_ =	shalt  }
0x41: {  	_ =	shalt  }
0x42: {  	_ =	shalt  }
0x43: {  	_ =	shalt  }
0x44: {  	_ =	shalt  }
0x45: {  	_ =	shalt  }
0x46: {  	_ =	shalt  }
0x47: {  	_ =	shalt  }
0x48: {  	_ =	shalt  }
0x49: {  	_ =	shalt  }
0x4a: {  	_ =	shalt  }
0x4b: {  	_ =	shalt  }
0x4c: {  	_ =	shalt  }
0x4d: {  	_ =	shalt  }
0x4e: {  	_ =	shalt  }
0x4f: {  	_ =	shalt  }
0x50: {  	_ =	shalt  }
0x51: {  	_ =	shalt  }
0x52: {  	_ =	shalt  }
0x53: {  	_ =	shalt  }
0x54: {  	_ =	shalt  }
0x55: {  	_ =	shalt  }
0x56: {  	_ =	shalt  }
0x57: {  	_ =	shalt  }
0x58: {  	_ =	shalt  }
0x59: {  	_ =	shalt  }
0x5a: {  	_ =	shalt  }
0x5b: {  	_ =	shalt  }
0x5c: {  	_ =	shalt  }
0x5d: {  	_ =	shalt  }
0x5e: {  	_ =	shalt  }
0x5f: {  	_ =	shalt  }
0x60: {  	_ =	shalt  }
0x61: {  	_ =	shalt  }
0x62: {  	_ =	shalt  }
0x63: {  	_ =	shalt  }
0x64: {  	_ =	shalt  }
0x65: {  	_ =	shalt  }
0x66: {  	_ =	shalt  }
0x67: {  	_ =	shalt  }
0x68: {  	_ =	shalt  }
0x69: {  	_ =	shalt  }
0x6a: {  	_ =	shalt  }
0x6b: {  	_ =	shalt  }
0x6c: {  	_ =	shalt  }
0x6d: {  	_ =	shalt  }
0x6e: {  	_ =	shalt  }
0x6f: {  	_ =	shalt  }
0x70: {  	_ =	shalt  }
0x71: {  	_ =	shalt  }
0x72: {  	_ =	shalt  }
0x73: {  	_ =	shalt  }
0x74: {  	_ =	shalt  }
0x75: {  	_ =	shalt  }
0x76: {  	_ =	shalt  }
0x77: {  	_ =	shalt  }
0x78: {  	_ =	shalt  }
0x79: {  	_ =	shalt  }
0x7a: {  	_ =	shalt  }
0x7b: {  	_ =	shalt  }
0x7c: {  	_ =	shalt  }
0x7d: {  	_ =	shalt  }
0x7e: {  	_ =	shalt  }
0x7f: {  	_ =	shalt  }
0x80: {  	_ =	shalt  }
0x81: {  	_ =	shalt  }
0x82: {  	_ =	shalt  }
0x83: {  	_ =	shalt  }
0x84: {  	_ =	shalt  }
0x85: {  	_ =	shalt  }
0x86: {  	_ =	shalt  }
0x87: {  	_ =	shalt  }
.Lfunc_end0:
.L_simem_size_0:
called_computation_lowered:
.L_overlay_start_0:
0x88: {  	s2 =	sld [smem:$0x3FD9]  }
0x89: {  	s3 =	sld [smem:$0x3FFE];
	_ =	sdelay $0x1  }
0x8a: {  	s1 =	srdreg.scid  }
0x8b: {  	s0 =	sand.u32 $0x1, s1  }
0x8c: {  	s17 =	sshll.u32 s0, $0xA;
	s2 =	sadd.s32 s3, s2  }
0x8d: {  	s2 =	sadd.s32 s2, s17  }
0x8e: {  	[smem:$0x3FC3] =	sst s2  }
0x8f: {  	_ = 	snop  }
0x90: {  	s2 =	sld [smem:$0x3FD0];
	(tm) =	ssettm $0x1  }
0x91: {  	s18 =	sld [smem:$0x3FFB];
	_ =	sdelay $0x3  }
0x92: {  	_ =	strace s18  }
0x93: {  	s3 =	sld [smem:$0x3FFC];
	_ =	sdelay $0x3  }
0x94: {  	_ =	strace s3  }
0x95: {  	s3 =	sld [smem:$0x3FFD];
	_ =	sdelay $0x3  }
0x96: {  	_ =	strace s3  }
0x97: {  	_ =	strace $0x8FFFFFFF  }
0x98: {  	s19 =	sld [smem:$0x3FDB];
	_ =	sdelay $0x1  }
0x99: {  	s4 =	simm.s32 $_scs_section_size  }
0x9a: {  	s5 =	simm.s32 $_size__tile_overlayer_lowered;
	s6 =	simm.s32 $_tile_overlayer_lowered  }
0x9b: {  	s22 =	simm.s32 $0x1BFF;
	s21 =	sshll.u32 s6, $0x1;
	s3 =	sadd.s32 s4, s19  }
0x9c: {  	s7 =	simm.s32 $0x0;
	s20 =	sshll.u32 s5, $0x1;
	s5 =	sadd.s32 s21, s3  }
0x9d: {  	[timem:s7], [sflag:s22] =	dma.local [hbm:s5], s20  }
0x9e: {  	_ =	swait.ge [sflag:s22], s20  }
0x9f: {  	s4 =	ssub.s32 $0x0, s20;
	[sflag:s22] =	ssyncset.done $0x0  }
0xa0: {  	[sflag:s22] =	ssyncadd.s32 s4;
	_ =	sdelay $0x1  }
0xa1: {  	s23 =	simm.s32 $0x1B8B  }
0xa2: {  	_ =	swait.ge [sflag:s23], $0x1  }
0xa3: {  	[sflag:s23] =	ssyncset.done $0x0  }
0xa4: {  	s25 =	simm.s32 $0x1B8E;
	s24 =	sld [smem:$0x3FFE];
	[sflag:s23] =	ssyncadd.s32 $0xFFFFFFFF  }
0xa5: {  	s26 =	simm.s32 $execute0_lowered;
	[smem:$0x3FD2] =	sst s25  }
0xa6: {  	s5 =	sshll.u32 s26, $0x1;
	_ =	strace $0x80000046;
	[dreg:$0x1] =	wrdreg $0xFFFFFFFF  }
0xa7: {  	s28 =	simm.s32 $_size_execute0_lowered;
	s3 =	sadd.s32 s3, s5;
	[dreg:$0x0] =	wrdreg $0x0  }
0xa8: {  	s5 =	sshll.u32 s28, $0x1;
	[dreg:$0x2] =	wrdreg s3  }
0xa9: {  	[dreg:$0x3] =	wrdreg s5  }
0xaa: {  	[dreg:$0x4] =	wrdreg $0xC0  }
0xab: {  	_ =	task [dreg:s7], $0x5FFFF  }
0xac: {  	[dreg:$0x1] =	wrdreg $0xFFFFFFFF  }
0xad: {  	[dreg:$0x0] =	wrdreg $0x60  }
0xae: {  	[dreg:$0x2] =	wrdreg s24  }
0xaf: {  	[dreg:$0x3] =	wrdreg s2  }
0xb0: {  	[dreg:$0x4] =	wrdreg $0x9  }
0xb1: {  	_ =	task.clear_ibuf [dreg:s7], $0x5FFFF;
	_ =	strace $0x90000046  }
0xb2: {  	s29 =	simm.s32 $0x9;
	_ =	strace $0x80000048  }
0xb3: {  	_ =	swait.ge [sflag:s29], $0x1  }
0xb4: {  	[sflag:s29] =	ssyncadd.s32 $0xFFFFFFFF  }
0xb5: {  	_ =	strace $0x90000048  }
0xb6: {  	_ =	sfence  }
0xb7: {  	s30 =	sld [smem:$0x0];
	_ =	sdelay $0x2  }
0xb8: {  	s31 =	sshll.u32 s1, $0xD;
	s1 =	sshrl.u32 s1, $0x2  }
0xb9: {  	s3 =	sand.u32 $0x4000, s31;
	s1 =	sadd.s32 s1, s30  }
0xba: {  	s0 =	sor.u32 s3, s0;
	s1 =	sshll.u32 s1, $0x11  }
0xbb: {  	s0 =	sor.u32 s1, s0  }
0xbc: {  	s0 =	sadd.s32 $0x8F2B, s0  }
0xbd: {  	[sflag:s0] =	ssyncadd.remote.s32 $0x1  }
0xbe: {  	_ =	sfence.sel $0xFFFF  }
0xbf: {  	[dreg:$0x0] =	wrdreg $0xFFFFFFFF;
	(pc) =	sbr.abs _section_cstart, $3  }
0xc0: {  	[dreg:$0x1] =	wrdreg $0xFFFFFFFF  }
0xc1: {  	_ =	task.clear_ibuf [dreg:s7], $0x2FFFF;
	_ =	strace $0x9FFFFFFF  }
0xc2: {  	(tm) =	ssettm $0x7FFFFFFF  }
0xc3: {  	_ =	shalt  }
tec
execute0_lowered:
.L_overlay_start_1:
0x0: {  	(tag) =	ssettag $0x1  }
0x1: {  	s0 =	rddreg [dreg:$0x0]  }
0x2: {  	s2 =	rddreg [dreg:$0x1]  }
0x3: {  	s1 =	simm.s32 $0x0;
	s6 =	srdreg.scid;
	s7 =	stileid.u32  }
0x4: {  	s20 =	simm.s32 $0x10;
	s23 =	simm.s32 $0x1;
	s30 =	simm.s32 $0x3  }
0x5: {  	s31 =	simm.s32 $0x2;
	s18 =	simm.s32 $0xB80;
	s19 =	simm.s32 $0x8B40  }
0x6: {  	[smem:$0x7FF] =	sst s1;
	s3 =	sadd.s32 $0x3CA00, s0;
	s4 =	sadd.s32 $0x32A00, s0  }
0x7: {  	s5 =	sadd.s32 $0xA00, s0;
	s8 =	sand.u32 $0x1, s6;
	s9 =	sshll.u32 s7, $0x1  }
0x8: {  	s6 =	sadd.s32 $0x1313800, s0;
	s7 =	sadd.s32 $0xF42E00, s0;
	s24 =	sor.u32 s8, s9  }
0x9: {  	_ =	strace $0x80000047;
	s8 =	ssub.s32 $0x2, s8;
	s10 =	smul.u32 $0x500, s24  }
0xa: {  	s9 =	sshll.u32 s24, $0x9;
	s11 =	sshrl.u32 s8, $0x1;
	s12 =	smul.u32 $0x1900, s24  }
0xb: {  	s0 =	sshll.u32 s24, $0x6;
	s13 =	sor.u32 $0x8, s9;
	s8 =	ssub.s32 s8, s11  }
0xc: {  	s14 =	sadd.s32 s3, s0;
	s0 =	sadd.s32 s2, s0;
	s25 =	smul.u32 $0x14, s13  }
0xd: {  	[dreg:$0x3] =	wrdreg s14;
	s10 =	sadd.s32 s4, s10;
	s26 =	smul.u32 $0x64, s13  }
0xe: {  	s12 =	sadd.s32 s5, s12;
	s28 =	sshrl.u32 s13, $0x3;
	[dreg:$0xa] =	wrdreg s0  }
0xf: {  	s14 =	sor.u32 $0x10, s9;
	s9 =	sor.u32 $0x18, s9;
	[dreg:$0x4] =	wrdreg s10  }
0x10: {  	v0 =	vimm.s32 $0x0;
	vm0 =	vcmask $0x300;
	s29 =	smax.u32 s8, $0x1;
	s8 =	simm.s32 $0x10540;
	[dreg:$0x5] =	wrdreg s12  }
.Ltmp0:
0x11: {  	v0 =	vsel vm0, $0x3, v0;
	vm0 =	vcmask $0x3F3C;
	s12 =	sadd.s32 s3, s28;
	[dreg:$0x9] =	wrdreg s9;
	(pc) =	sbr.rel .LBB2_1-.Ltmp0, $4  }
0x12: {  	[dreg:$0xb] =	wrdreg s29;
	s9 =	simm.s32 $0x10340;
	s11 =	sshrl.u32 s25, $0x3  }
0x13: {  	[dreg:$0x6] =	wrdreg s12;
	s10 =	sshrl.u32 s26, $0x3;
	s11 =	sadd.s32 s4, s11  }
0x14: {  	v1 =	vimm.f32 $-1.000000000e+00;
	vm1 =	vcmask $0xF00;
	s26 =	simm.s32 $0x3C0;
	s10 =	sadd.s32 s5, s10;
	[dreg:$0x7] =	wrdreg s11  }
0x15: {  	v1 =	vsel vm1, $0x3F800000, v1;
	vm1 =	vmmov $0xff;
	[dreg:$0x8] =	wrdreg s10;
	s10 =	simm.s32 $0x4;
	s11 =	simm.s32 $0x0  }
.LBB2_21:
0x16: {  	s0 =	rddreg [dreg:$0xa];
	s2 =	simm.s32 $0x5  }
0x17: {  	[hbm4b:s0+s1] =	stream.linear.scatter [tilespmem:s9], [sflag:$0x5], $0x200, $0x38;
	[tilespmem:$0x105C0] =	vst v63  }
0x18: {  	_ =	swait.ge [sflag:s2], $0x200  }
0x19: {  	s11 =	rddreg [dreg:$0xc]  }
0x1a: {  	s29 =	rddreg [dreg:$0xb];
	s11 =	sadd.s32 $0x1, s11  }
0x1b: {  	p0 =	sne.s32 s11, s29  }
.Ltmp1:
0x1c: {  	_ = 	snop;
	(pc) =	sbr.rel @!p0 .LBB2_22-.Ltmp1, $3  }
0x1d: {  	_ =	sdelay $0x1  }
0x1e: {  	[sflag:s2] =	ssyncset.done $0x0  }
0x1f: {  	[sflag:s2] =	ssyncadd.s32 $0xFFFFFE00  }
.LBB2_1:
0x20: {  	[dreg:$0xc] =	wrdreg s11  }
0x21: {  	s0 =	rddreg [dreg:$0x3]  }
0x22: {  	[tilespmem:s1], [sflag:$0x1] =	stream.linear.gather [hbm4b:s0+s1], $0x8, $0x38;
	[tilespmem:$0x105C0] =	vst v63  }
0x23: {  	s11 =	rddreg [dreg:$0x4];
	s2 =	simm.s32 $0x20  }
0x24: {  	[tilespmem:s2], [sflag:$0x1] =	stream.linear.gather [hbm4b:s11+s1], $0xA0, $0x38;
	[tilespmem:$0x105C0] =	vst v63  }
0x25: {  	s12 =	rddreg [dreg:$0x5];
	s13 =	simm.s32 $0xC0  }
0x26: {  	[tilespmem:s13], [sflag:$0x1] =	stream.linear.gather [hbm4b:s12+s1], $0x320, $0x38;
	[tilespmem:$0x105C0] =	vst v63  }
0x27: {  	s15 =	rddreg [dreg:$0x6]  }
0x28: {  	[tilespmem:s20], [sflag:$0x2] =	stream.linear.gather [hbm4b:s15+s1], $0x8, $0x38;
	[tilespmem:$0x105C0] =	vst v63  }
0x29: {  	s16 =	rddreg [dreg:$0x7];
	s17 =	simm.s32 $0x3E0  }
0x2a: {  	[tilespmem:s17], [sflag:$0x2] =	stream.linear.gather [hbm4b:s16+s1], $0xA0, $0x38;
	[tilespmem:$0x105C0] =	vst v63  }
0x2b: {  	s21 =	rddreg [dreg:$0x8];
	s22 =	simm.s32 $0x480  }
0x2c: {  	[tilespmem:s22], [sflag:$0x2] =	stream.linear.gather [hbm4b:s21+s1], $0x320, $0x38;
	[tilespmem:$0x105C0] =	vst v63  }
0x2d: {  	_ =	swait.ge [sflag:s23], $0x8  }
0x2e: {  	[sflag:s23] =	ssyncset.done $0x0  }
0x2f: {  	[sflag:s23] =	ssyncadd.s32 $0xFFFFFFF8  }
0x30: {  	_ =	swait.ge [sflag:s23], $0xA0  }
0x31: {  	[sflag:s23] =	ssyncset.done $0x0  }
0x32: {  	[sflag:s23] =	ssyncadd.s32 $0xFFFFFF60  }
0x33: {  	_ =	swait.ge [sflag:s23], $0x320  }
0x34: {  	[sflag:s23] =	ssyncset.done $0x0  }
0x35: {  	[sflag:s23] =	ssyncadd.s32 $0xFFFFFCE0  }
0x36: {  	v2 =	vld [tilespmem:$0x0];
	_ =	sdelay $0x3  }
0x37: {  	v3 =	vld [tilespmem:$0x20]  }
0x38: {  	v4 =	vld [tilespmem:$0x30];
	vm2 =	vgt.s32 v2, $0x0  }
0x39: {  	v5 =	vld [tilespmem:$0x40];
	v2 =	vnsel vm2, $0x0, v2  }
0x3a: {  	v6 =	vld [tilespmem:$0x50];
	v2 =	vmin.u32 v2, $0xF423F  }
0x3b: {  	[tilespmem:$0x7A0] =	vst v2;
	v2 =	vld [tilespmem:$0x60]  }
0x3c: {  	v31 =	vld [tilespmem:$0x80];
	[tilespmem:$0x7C0] =	vst v3  }
0x3d: {  	v32 =	vld [tilespmem:$0x90];
	[tilespmem:$0x7D0] =	vst v4  }
0x3e: {  	v33 =	vld [tilespmem:$0xA0];
	[tilespmem:$0x7E0] =	vst v5  }
0x3f: {  	v3 =	vld [tilespmem:$0x70];
	[tilespmem:$0x7F0] =	vst v6  }
0x40: {  	[tilespmem:$0x800] =	vst v2;
	v2 =	vld [tilespmem:$0xB0]  }
0x41: {  	v34 =	vld [tilespmem:$0xD0];
	[tilespmem:$0x820] =	vst v31  }
0x42: {  	v35 =	vld [tilespmem:$0xE0];
	[tilespmem:$0x830] =	vst v32  }
0x43: {  	v36 =	vld [tilespmem:$0xF0];
	[tilespmem:$0x840] =	vst v33  }
0x44: {  	[tilespmem:$0x810] =	vst v3;
	v3 =	vld [tilespmem:$0xC0]  }
0x45: {  	[tilespmem:$0x850] =	vst v2;
	v2 =	vld [tilespmem:$0x100]  }
0x46: {  	v37 =	vld [tilespmem:$0x120];
	[tilespmem:$0x870] =	vst v34  }
0x47: {  	v38 =	vld [tilespmem:$0x130];
	[tilespmem:$0x880] =	vst v35  }
0x48: {  	v39 =	vld [tilespmem:$0x140];
	[tilespmem:$0x890] =	vst v36  }
0x49: {  	[tilespmem:$0x860] =	vst v3;
	v3 =	vld [tilespmem:$0x110]  }
0x4a: {  	[tilespmem:$0x8A0] =	vst v2;
	v2 =	vld [tilespmem:$0x150]  }
0x4b: {  	v40 =	vld [tilespmem:$0x170];
	[tilespmem:$0x8C0] =	vst v37  }
0x4c: {  	v41 =	vld [tilespmem:$0x180];
	[tilespmem:$0x8D0] =	vst v38  }
0x4d: {  	v42 =	vld [tilespmem:$0x190];
	[tilespmem:$0x8E0] =	vst v39  }
0x4e: {  	[tilespmem:$0x8B0] =	vst v3;
	v3 =	vld [tilespmem:$0x160]  }
0x4f: {  	[tilespmem:$0x8F0] =	vst v2;
	v2 =	vld [tilespmem:$0x1A0]  }
0x50: {  	v43 =	vld [tilespmem:$0x1C0];
	[tilespmem:$0x910] =	vst v40  }
0x51: {  	v44 =	vld [tilespmem:$0x1D0];
	[tilespmem:$0x920] =	vst v41  }
0x52: {  	v45 =	vld [tilespmem:$0x1E0];
	[tilespmem:$0x930] =	vst v42  }
0x53: {  	[tilespmem:$0x900] =	vst v3;
	v3 =	vld [tilespmem:$0x1B0]  }
0x54: {  	[tilespmem:$0x940] =	vst v2;
	v2 =	vld [tilespmem:$0x1F0]  }
0x55: {  	v46 =	vld [tilespmem:$0x210];
	[tilespmem:$0x960] =	vst v43  }
0x56: {  	v47 =	vld [tilespmem:$0x220];
	[tilespmem:$0x970] =	vst v44  }
0x57: {  	v48 =	vld [tilespmem:$0x230];
	[tilespmem:$0x980] =	vst v45  }
0x58: {  	[tilespmem:$0x950] =	vst v3;
	v3 =	vld [tilespmem:$0x200]  }
0x59: {  	[tilespmem:$0x990] =	vst v2;
	v2 =	vld [tilespmem:$0x240]  }
0x5a: {  	v49 =	vld [tilespmem:$0x260];
	[tilespmem:$0x9B0] =	vst v46  }
0x5b: {  	v50 =	vld [tilespmem:$0x270];
	[tilespmem:$0x9C0] =	vst v47  }
0x5c: {  	v51 =	vld [tilespmem:$0x280];
	[tilespmem:$0x9D0] =	vst v48  }
0x5d: {  	[tilespmem:$0x9A0] =	vst v3;
	v3 =	vld [tilespmem:$0x250]  }
0x5e: {  	[tilespmem:$0x9E0] =	vst v2;
	v2 =	vld [tilespmem:$0x290]  }
0x5f: {  	v52 =	vld [tilespmem:$0x2B0];
	[tilespmem:$0xA00] =	vst v49  }
0x60: {  	v53 =	vld [tilespmem:$0x2C0];
	[tilespmem:$0xA10] =	vst v50  }
0x61: {  	v54 =	vld [tilespmem:$0x2D0];
	[tilespmem:$0xA20] =	vst v51  }
0x62: {  	[tilespmem:$0x9F0] =	vst v3;
	v3 =	vld [tilespmem:$0x2A0]  }
0x63: {  	[tilespmem:$0xA30] =	vst v2;
	v2 =	vld [tilespmem:$0x2E0]  }
0x64: {  	v55 =	vld [tilespmem:$0x300];
	[tilespmem:$0xA50] =	vst v52  }
0x65: {  	v56 =	vld [tilespmem:$0x310];
	[tilespmem:$0xA60] =	vst v53  }
0x66: {  	v57 =	vld [tilespmem:$0x320];
	[tilespmem:$0xA70] =	vst v54  }
0x67: {  	[tilespmem:$0xA40] =	vst v3;
	v3 =	vld [tilespmem:$0x2F0]  }
0x68: {  	[tilespmem:$0xA80] =	vst v2;
	v2 =	vld [tilespmem:$0x330]  }
0x69: {  	v58 =	vld [tilespmem:$0x350];
	[tilespmem:$0xAA0] =	vst v55  }
0x6a: {  	v59 =	vld [tilespmem:$0x360];
	[tilespmem:$0xAB0] =	vst v56  }
0x6b: {  	v60 =	vld [tilespmem:$0x370];
	[tilespmem:$0xAC0] =	vst v57  }
0x6c: {  	[tilespmem:$0xA90] =	vst v3;
	v3 =	vld [tilespmem:$0x340]  }
0x6d: {  	[tilespmem:$0xAD0] =	vst v2;
	v2 =	vld [tilespmem:$0x380]  }
0x6e: {  	v61 =	vld [tilespmem:$0x3A0];
	[tilespmem:$0xAF0] =	vst v58  }
0x6f: {  	v62 =	vld [tilespmem:$0x3B0];
	[tilespmem:$0xB00] =	vst v59  }
0x70: {  	v63 =	vld [tilespmem:$0x3C0];
	[tilespmem:$0xB10] =	vst v60  }
0x71: {  	[tilespmem:$0xAE0] =	vst v3;
	v3 =	vld [tilespmem:$0x390]  }
0x72: {  	[tilespmem:$0xB20] =	vst v2;
	v2 =	vld [tilespmem:$0x3D0]  }
0x73: {  	[tilespmem:$0xB40] =	vst v61  }
0x74: {  	[tilespmem:$0xB50] =	vst v62  }
0x75: {  	[tilespmem:$0xB60] =	vst v63  }
.Ltmp2:
0x76: {  	[tilespmem:$0xB30] =	vst v3;
	(pc) =	sbr.rel .LBB2_2-.Ltmp2, $4  }
0x77: {  	s24 =	simm.s32 $0x7A0;
	s25 =	simm.s32 $0xF40;
	[tilespmem:$0xB70] =	vst v2  }
0x78: {  	[tilespmem:s25], [sflag:$0x3] =	stream.indirect.gather [hbm4b:s6+s20], $0x20, s24, s20, $0xb8;
	[tilespmem:$0x105C0] =	vst v63  }
0x79: {  	s28 =	simm.s32 $0x7C0;
	s29 =	simm.s32 $0x1340;
	s13 =	simm.s32 $0x0  }
0x7a: {  	[tilespmem:s29], [sflag:$0x3] =	stream.indirect.gather [hbm4b:s7+s26], $0x20, s28, s26, $0xb8;
	[tilespmem:$0x105C0] =	vst v63  }
.LBB2_20:
0x7b: {  	s13 =	sadd.s32 $0x1, s13  }
0x7c: {  	p0 =	sne.s32 s13, $0x20  }
.Ltmp3:
0x7d: {  	_ = 	snop;
	(pc) =	sbr.rel @!p0 .LBB2_21-.Ltmp3, $1  }
0x7e: {  	_ =	sdelay $0x3  }
.LBB2_2:
0x7f: {  	_ =	swait.ge [sflag:s30], $0x200  }
0x80: {  	[sflag:s30] =	ssyncset.done $0x0  }
0x81: {  	s16 =	sshll.u32 s13, $0x4;
	p0 =	seq.s32 s13, $0x1F;
	[sflag:s30] =	ssyncadd.s32 $0xFFFFFE00  }
0x82: {  	s11 =	sadd.s32 @!p0 s16, s14;
	s15 =	simm.s32 @!p0 $0x0;
	_ =	swait.ge [sflag:s30], $0x7800  }
0x83: {  	s12 =	sshrl.u32 @!p0 s11, $0x3;
	s17 =	smul.u32 @!p0 $0x14, s11;
	[sflag:s30] =	ssyncset.done $0x0  }
0x84: {  	s11 =	smul.u32 @!p0 $0x64, s11;
	s12 =	sadd.s32 @!p0 s3, s12;
	[sflag:s30] =	ssyncadd.s32 $0xFFFF8800  }
0x85: {  	[tilespmem:s15], [sflag:$0x1] =	stream.linear.gather @!p0 [hbm4b:s12+s15], $0x8, $0x38;
	[tilespmem:$0x105C0] =	vst v63  }
0x86: {  	s12 =	sshrl.u32 @!p0 s17, $0x3  }
0x87: {  	s11 =	sshrl.u32 @!p0 s11, $0x3;
	s17 =	simm.s32 @!p0 $0x20;
	s12 =	sadd.s32 @!p0 s4, s12  }
0x88: {  	[tilespmem:s17], [sflag:$0x1] =	stream.linear.gather @!p0 [hbm4b:s12+s15], $0xA0, $0x38;
	[tilespmem:$0x105C0] =	vst v63  }
0x89: {  	s11 =	sadd.s32 @!p0 s5, s11;
	s12 =	simm.s32 @!p0 $0xC0  }
0x8a: {  	[tilespmem:s12], [sflag:$0x1] =	stream.linear.gather @!p0 [hbm4b:s11+s15], $0x320, $0x38;
	[tilespmem:$0x105C0] =	vst v63  }
0x8b: {  	_ =	swait.ge [sflag:s31], $0x8  }
0x8c: {  	[sflag:s31] =	ssyncset.done $0x0  }
0x8d: {  	[sflag:s31] =	ssyncadd.s32 $0xFFFFFFF8  }
0x8e: {  	_ =	swait.ge [sflag:s31], $0xA0  }
0x8f: {  	[sflag:s31] =	ssyncset.done $0x0  }
0x90: {  	[sflag:s31] =	ssyncadd.s32 $0xFFFFFF60  }
0x91: {  	_ =	swait.ge [sflag:s31], $0x320  }
0x92: {  	[sflag:s31] =	ssyncset.done $0x0  }
0x93: {  	[sflag:s31] =	ssyncadd.s32 $0xFFFFFCE0  }
0x94: {  	v2 =	vld [tilespmem:$0x10];
	_ =	sdelay $0x3  }
0x95: {  	v3 =	vld [tilespmem:$0x3E0]  }
0x96: {  	v4 =	vld [tilespmem:$0x3F0];
	vm2 =	vgt.s32 v2, $0x0  }
0x97: {  	v5 =	vld [tilespmem:$0x400];
	v2 =	vnsel vm2, $0x0, v2  }
0x98: {  	v6 =	vld [tilespmem:$0x410];
	v2 =	vmin.u32 v2, $0xF423F  }
0x99: {  	[tilespmem:$0x7B0] =	vst v2;
	v2 =	vld [tilespmem:$0x420]  }
0x9a: {  	v31 =	vld [tilespmem:$0x440];
	[tilespmem:$0xB80] =	vst v3  }
0x9b: {  	v32 =	vld [tilespmem:$0x450];
	[tilespmem:$0xB90] =	vst v4  }
0x9c: {  	v33 =	vld [tilespmem:$0x460];
	[tilespmem:$0xBA0] =	vst v5  }
0x9d: {  	v3 =	vld [tilespmem:$0x430];
	[tilespmem:$0xBB0] =	vst v6  }
0x9e: {  	[tilespmem:$0xBC0] =	vst v2;
	v2 =	vld [tilespmem:$0x470]  }
0x9f: {  	v34 =	vld [tilespmem:$0x490];
	[tilespmem:$0xBE0] =	vst v31  }
0xa0: {  	v35 =	vld [tilespmem:$0x4A0];
	[tilespmem:$0xBF0] =	vst v32  }
0xa1: {  	v36 =	vld [tilespmem:$0x4B0];
	[tilespmem:$0xC00] =	vst v33  }
0xa2: {  	[tilespmem:$0xBD0] =	vst v3;
	v3 =	vld [tilespmem:$0x480]  }
0xa3: {  	[tilespmem:$0xC10] =	vst v2;
	v2 =	vld [tilespmem:$0x4C0]  }
0xa4: {  	v37 =	vld [tilespmem:$0x4E0];
	[tilespmem:$0xC30] =	vst v34  }
0xa5: {  	v38 =	vld [tilespmem:$0x4F0];
	[tilespmem:$0xC40] =	vst v35  }
0xa6: {  	v39 =	vld [tilespmem:$0x500];
	[tilespmem:$0xC50] =	vst v36  }
0xa7: {  	[tilespmem:$0xC20] =	vst v3;
	v3 =	vld [tilespmem:$0x4D0]  }
0xa8: {  	[tilespmem:$0xC60] =	vst v2;
	v2 =	vld [tilespmem:$0x510]  }
0xa9: {  	v40 =	vld [tilespmem:$0x530];
	[tilespmem:$0xC80] =	vst v37  }
0xaa: {  	v41 =	vld [tilespmem:$0x540];
	[tilespmem:$0xC90] =	vst v38  }
0xab: {  	v42 =	vld [tilespmem:$0x550];
	[tilespmem:$0xCA0] =	vst v39  }
0xac: {  	[tilespmem:$0xC70] =	vst v3;
	v3 =	vld [tilespmem:$0x520]  }
0xad: {  	[tilespmem:$0xCB0] =	vst v2;
	v2 =	vld [tilespmem:$0x560]  }
0xae: {  	v43 =	vld [tilespmem:$0x580];
	[tilespmem:$0xCD0] =	vst v40  }
0xaf: {  	v44 =	vld [tilespmem:$0x590];
	[tilespmem:$0xCE0] =	vst v41  }
0xb0: {  	v45 =	vld [tilespmem:$0x5A0];
	[tilespmem:$0xCF0] =	vst v42  }
0xb1: {  	[tilespmem:$0xCC0] =	vst v3;
	v3 =	vld [tilespmem:$0x570]  }
0xb2: {  	[tilespmem:$0xD00] =	vst v2;
	v2 =	vld [tilespmem:$0x5B0]  }
0xb3: {  	v46 =	vld [tilespmem:$0x5D0];
	[tilespmem:$0xD20] =	vst v43  }
0xb4: {  	v47 =	vld [tilespmem:$0x5E0];
	[tilespmem:$0xD30] =	vst v44  }
0xb5: {  	v48 =	vld [tilespmem:$0x5F0];
	[tilespmem:$0xD40] =	vst v45  }
0xb6: {  	[tilespmem:$0xD10] =	vst v3;
	v3 =	vld [tilespmem:$0x5C0]  }
0xb7: {  	[tilespmem:$0xD50] =	vst v2;
	v2 =	vld [tilespmem:$0x600]  }
0xb8: {  	v49 =	vld [tilespmem:$0x620];
	[tilespmem:$0xD70] =	vst v46  }
0xb9: {  	v50 =	vld [tilespmem:$0x630];
	[tilespmem:$0xD80] =	vst v47  }
0xba: {  	v51 =	vld [tilespmem:$0x640];
	[tilespmem:$0xD90] =	vst v48  }
0xbb: {  	[tilespmem:$0xD60] =	vst v3;
	v3 =	vld [tilespmem:$0x610]  }
0xbc: {  	[tilespmem:$0xDA0] =	vst v2;
	v2 =	vld [tilespmem:$0x650]  }
0xbd: {  	v52 =	vld [tilespmem:$0x670];
	[tilespmem:$0xDC0] =	vst v49  }
0xbe: {  	v53 =	vld [tilespmem:$0x680];
	[tilespmem:$0xDD0] =	vst v50  }
0xbf: {  	v54 =	vld [tilespmem:$0x690];
	[tilespmem:$0xDE0] =	vst v51  }
0xc0: {  	[tilespmem:$0xDB0] =	vst v3;
	v3 =	vld [tilespmem:$0x660]  }
0xc1: {  	[tilespmem:$0xDF0] =	vst v2;
	v2 =	vld [tilespmem:$0x6A0]  }
0xc2: {  	v55 =	vld [tilespmem:$0x6C0];
	[tilespmem:$0xE10] =	vst v52  }
0xc3: {  	v56 =	vld [tilespmem:$0x6D0];
	[tilespmem:$0xE20] =	vst v53  }
0xc4: {  	v57 =	vld [tilespmem:$0x6E0];
	[tilespmem:$0xE30] =	vst v54  }
0xc5: {  	[tilespmem:$0xE00] =	vst v3;
	v3 =	vld [tilespmem:$0x6B0]  }
0xc6: {  	[tilespmem:$0xE40] =	vst v2;
	v2 =	vld [tilespmem:$0x6F0]  }
0xc7: {  	v58 =	vld [tilespmem:$0x710];
	[tilespmem:$0xE60] =	vst v55  }
0xc8: {  	v59 =	vld [tilespmem:$0x720];
	[tilespmem:$0xE70] =	vst v56  }
0xc9: {  	v60 =	vld [tilespmem:$0x730];
	[tilespmem:$0xE80] =	vst v57  }
0xca: {  	[tilespmem:$0xE50] =	vst v3;
	v3 =	vld [tilespmem:$0x700]  }
0xcb: {  	[tilespmem:$0xE90] =	vst v2;
	v2 =	vld [tilespmem:$0x740]  }
0xcc: {  	v61 =	vld [tilespmem:$0x760];
	[tilespmem:$0xEB0] =	vst v58  }
0xcd: {  	v62 =	vld [tilespmem:$0x770];
	[tilespmem:$0xEC0] =	vst v59  }
0xce: {  	v63 =	vld [tilespmem:$0x780];
	[tilespmem:$0xED0] =	vst v60  }
0xcf: {  	[tilespmem:$0xEA0] =	vst v3;
	v3 =	vld [tilespmem:$0x750]  }
0xd0: {  	[tilespmem:$0xEE0] =	vst v2;
	v2 =	vld [tilespmem:$0x790]  }
0xd1: {  	[tilespmem:$0xF00] =	vst v61  }
0xd2: {  	[tilespmem:$0xF10] =	vst v62  }
0xd3: {  	[tilespmem:$0xF20] =	vst v63  }
0xd4: {  	[tilespmem:$0xEF0] =	vst v3  }
0xd5: {  	s0 =	simm.s32 $0x7B0;
	s2 =	simm.s32 $0x1140;
	[tilespmem:$0xF30] =	vst v2  }
0xd6: {  	[tilespmem:s2], [sflag:$0x4] =	stream.indirect.gather [hbm4b:s6+s20], $0x20, s0, s20, $0xb8;
	[tilespmem:$0x105C0] =	vst v63  }
0xd7: {  	s17 =	simm.s32 $0x0  }
0xd8: {  	[tilespmem:s19], [sflag:$0x4] =	stream.indirect.gather [hbm4b:s7+s26], $0x20, s18, s26, $0xb8;
	[tilespmem:$0x105C0] =	vst v63  }
.LBB2_3:
0xd9: {  	s11 =	smul.u32 $0x64, s17;
	_ =	sdelay $0x1  }
0xda: {  	s12 =	smul.u32 $0x14, s17;
	s29 =	sadd.s32 $0x8C, s11  }
0xdb: {  	p1 =	por $0x1, $0x1;
	s11 =	smov.u32 s29  }
0xdc: {  	s11 =	smov.u32 @p1 s12  }
0xdd: {  	s15 =	sshll.u32 s17, $0x5;
	s11 =	sadd.s32 $0x7, s11  }
0xde: {  	s15 =	sand.u32 $0x3FFFFFE0, s15;
	s11 =	sshll.u32 s11, $0x5  }
0xdf: {  	v2 =	vld [tilespmem:s15+$0xF40];
	s21 =	sadd.s32 $0xFFFFFF60, s11  }
0xe0: {  	v3 =	vld [tilespmem:s15+$0xF50];
	s24 =	sand.u32 $0x3FFFFFE0, s21  }
0xe1: {  	s25 =	sadd.s32 $0xFFFFFF40, s11;
	v4 =	vld [tilespmem:s24+$0x1350]  }
0xe2: {  	s21 =	sand.u32 $0x3FFFFFE0, s25;
	v5 =	vld [tilespmem:s24+$0x1340]  }
0xe3: {  	s0 =	simm.s32 $0x2;
	s22 =	sadd.s32 $0xFFFFFF80, s11;
	v6 =	vld [tilespmem:s21+$0x1350]  }
0xe4: {  	p3 =	por $0x1, $0x1;
	p4 =	por $0x1, $0x1;
	v7 =	vmov s0;
	s2 =	sand.u32 $0x3FFFFFE0, s22;
	v8 =	vld [tilespmem:s21+$0x1340]  }
0xe5: {  	p2 =	por $0x1, $0x1;
	v7 =	vshrl.u32 v7, $0x3;
	s28 =	smov.u32 s29;
	s22 =	simm.s32 $0x0;
	v10 =	vld [tilespmem:s2+$0x1340]  }
.Ltmp4:
0xe6: {  	v7 =	vshll.u32 v7, v0;
	p1 =	por $0x1, $0x1;
	s28 =	smov.u32 @p4 s12;
	v9 =	vmov s22;
	(pc) =	sbr.rel @!p3 .LBB2_4-.Ltmp4, $4  }
0xe7: {  	p4 =	por $0x1, $0x1;
	s11 =	sadd.s32 $0xFFFFFF20, s11;
	s25 =	simm.s32 $0x3;
	v9 =	vshrl.u32 v9, $0x3;
	v11 =	vmul.f32 v5, v2;
	v4 =	vmul.f32 v4, v3  }
0xe8: {  	v15 =	vadd.s32 $0x2, v7;
	s0 =	sand.u32 $0x3FFFFFE0, s11;
	s11 =	smov.u32 s29;
	v24 =	vld [tilespmem:s2+$0x1350];
	v18 =	vmov s25;
	s2 =	simm.s32 $0x5;
	v14 =	vshll.u32 v9, v0  }
0xe9: {  	s24 =	simm.s32 $0x7;
	s21 =	simm.s32 $0xF;
	s22 =	simm.s32 $0x4;
	v20 =	vld [tilespmem:s0+$0x1350];
	v5 =	vmul.f32 v8, v2;
	v9 =	vadd.f32 v4, v11;
	v4 =	vmov s2  }
0xea: {  	s25 =	simm.s32 $0x6;
	s11 =	smov.u32 @p1 s12;
	v25 =	vld [tilespmem:s0+$0x1340];
	p1 =	por $0x0, $0x0;
	v7 =	vmul.f32 v6, v3;
	v26 =	vmul.f32 v10, v2;
	v6 =	vshrl.u32 v4, $0x3  }
0xeb: {  	s0 =	smov.u32 s29;
	s15 =	sadd.s32 $0x7, s28  }
0xec: {  	s0 =	smov.u32 @p4 s12;
	s15 =	sshll.u32 s15, $0x5  }
0xed: {  	s0 =	sadd.s32 $0x7, s0;
	s15 =	sadd.s32 $0xFFFFFFC0, s15  }
0xee: {  	s0 =	sshll.u32 s0, $0x5;
	s15 =	sand.u32 $0x3FFFFFE0, s15  }
0xef: {  	v4 =	vmul.f32 v24, v3;
	s0 =	sand.u32 $0x3FFFFFE0, s0;
	v16 =	vld [tilespmem:s15+$0x1340]  }
0xf0: {  	s11 =	sadd.s32 $0x7, s11;
	v10 =	vmov s25;
	s2 =	simm.s32 $0xA;
	s25 =	smov.u32 s29;
	v8 =	vld [tilespmem:s0+$0x1350]  }
0xf1: {  	v18 =	vshrl.u32 v18, $0x3;
	p1 =	por $0x1, $0x1;
	s11 =	sshll.u32 s11, $0x5;
	s25 =	smov.u32 @p2 s12;
	v17 =	vadd.f32 v4, v26;
	v11 =	vld [tilespmem:s0+$0x1340]  }
0xf2: {  	v6 =	vshll.u32 v6, v0;
	v10 =	vshrl.u32 v10, $0x3;
	s11 =	sadd.s32 $0xFFFFFFA0, s11;
	v4 =	vmov s2;
	v19 =	vld [tilespmem:s15+$0x1350];
	s2 =	sadd.s32 $0x7, s25;
	s15 =	smov.u32 s29  }
0xf3: {  	v10 =	vshll.u32 v10, v0;
	v12 =	vmul.f32 v20, v3;
	v13 =	vmul.f32 v25, v2;
	s0 =	sand.u32 $0x3FFFFFE0, s11;
	s11 =	sshll.u32 s2, $0x5;
	s15 =	smov.u32 @p1 s12;
	(xrf2) =	vadd.scan.msk.f32 $0xffff, v17  }
0xf4: {  	v18 =	vshll.u32 v18, v0;
	v20 =	vshrl.u32 v4, $0x3;
	v4 =	vadd.s32 $0x6, v10;
	v21 =	vld [tilespmem:s0+$0x1350];
	s11 =	sadd.s32 $0xFFFFFFE0, s11;
	s15 =	sadd.s32 $0xF, s15  }
0xf5: {  	v10 =	vshll.u32 v20, v0;
	v17 =	vld [tilespmem:s0+$0x1340];
	v20 =	vmov s22;
	v28 =	vadd.f32 v12, v13;
	s0 =	sand.u32 $0x3FFFFFE0, s11;
	s11 =	sshll.u32 s15, $0x5  }
0xf6: {  	v12 =	vshrl.u32 v20, $0x3;
	s25 =	sadd.s32 $0xFFFFFF60, s11;
	v20 =	vld [tilespmem:s0+$0x1340];
	v8 =	vmul.f32 v8, v3;
	v22 =	vmul.f32 v11, v2  }
0xf7: {  	v7 =	vadd.f32 v7, v5;
	v18 =	vadd.s32 $0x3, v18;
	(xrf2) =	vadd.scan.msk.f32 $0xffff, v9;
	s15 =	sand.u32 $0x3FFFFFE0, s25;
	v9 =	vmul.f32 v19, v3;
	v19 =	vld [tilespmem:s0+$0x1350]  }
0xf8: {  	v6 =	vadd.s32 $0x5, v6;
	v18 =	vbroadcast v18, $0x0;
	s22 =	simm.s32 $0x8;
	v23 =	vld [tilespmem:s15+$0x1340];
	v25 =	vadd.f32 v8, v22  }
0xf9: {  	v13 =	vmov s22;
	s2 =	sadd.s32 $0xFFFFFF40, s11;
	v11 =	vshll.u32 v12, v0;
	v12 =	vmul.f32 v16, v2;
	v24 =	vld [tilespmem:s15+$0x1350]  }
0xfa: {  	v13 =	vshrl.u32 v13, $0x3;
	s0 =	sand.u32 $0x3FFFFFE0, s2;
	v16 =	vmul.f32 v21, v3;
	v17 =	vmul.f32 v17, v2;
	(xrf2) =	vadd.scan.msk.f32 $0xffff, v25  }
0xfb: {  	s22 =	sadd.s32 $0xFFFFFF80, s11;
	v5 =	vld [tilespmem:s0+$0x1340];
	v9 =	vadd.f32 v9, v12;
	v8 =	vbroadcast v14, $0x0;
	v12 =	vmov s24  }
0xfc: {  	s15 =	sand.u32 $0x3FFFFFE0, s22;
	v14 =	vld [tilespmem:s0+$0x1350];
	v22 =	vbroadcast v15, $0x0;
	s24 =	sadd.s32 $0xFFFFFF20, s11;
	v16 =	vadd.f32 v16, v17;
	v12 =	vshrl.u32 v12, $0x3  }
0xfd: {  	p3 =	por $0x1, $0x1;
	s28 =	simm.s32 $0x1;
	v15 =	vld [tilespmem:s15+$0x1340];
	v17 =	vmul.f32 v20, v2;
	s0 =	sand.u32 $0x3FFFFFE0, s24;
	v21 =	vmul.f32 v19, v3;
	v20 =	vshll.u32 v12, v0;
	v19, _, _ =	vpop (xrf2);
	(xrf2) =	vadd.scan.msk.f32 $0xffff, v9  }
.Ltmp5:
0xfe: {  	p4 =	por $0x1, $0x1;
	p2 =	por $0x1, $0x1;
	v23 =	vmul.f32 v23, v2;
	v25 =	vmul.f32 v24, v3;
	v29 =	vadd.s32 $0x7, v20;
	v20 =	vld [tilespmem:s0+$0x1350];
	(pc) =	sbr.rel @!p3 .LBB2_6-.Ltmp5, $4  }
0xff: {  	p1 =	por $0x1, $0x1;
	v10 =	vadd.s32 $0x2, v10;
	v13 =	vshll.u32 v13, v0;
	s25 =	simm.s32 $0xB;
	s2 =	simm.s32 $0xD;
	v12 =	vbroadcast v6, $0x0;
	v24 =	vld [tilespmem:s15+$0x1350]  }
0x100: {  	s22 =	simm.s32 $0xC;
	s11 =	smov.u32 s29;
	s24 =	simm.s32 $0x17;
	v6 =	vmov s2;
	v5 =	vmul.f32 v5, v2;
	(xrf2) =	vadd.scan.msk.f32 $0xffff, v7;
	v9 =	vadd.f32 v25, v23;
	v25 =	vld [tilespmem:s0+$0x1340]  }
0x101: {  	s11 =	smov.u32 @p1 s12;
	p1 =	por $0x1, $0x1;
	v6 =	vshrl.u32 v6, $0x3;
	[tilespmem:v18+s8+$0x0] =	vst.idx.msk vm0, v19;
	v19 =	vmov s28;
	v7 =	vmul.f32 v14, v3;
	s28 =	smov.u32 s29  }
0x102: {  	v18 =	vmov s25;
	s25 =	simm.s32 $0xE;
	v27, _, _ =	vpop (xrf2);
	v26 =	vmul.f32 v15, v2;
	v23 =	vbroadcast v29, $0x0;
	s28 =	smov.u32 @p4 s12;
	p4 =	por $0x1, $0x1;
	(xrf2) =	vadd.scan.msk.f32 $0xffff, v28  }
.LBB2_7:
0x103: {  	s15 =	sadd.s32 $0xFFFFFFF9, s24;
	s0 =	sadd.s32 s21, s28;
	s2 =	smov.u32 s29  }
0x104: {  	v14 =	vmul.f32 v20, v3;
	v15 =	vmul.f32 v24, v3;
	v20 =	vmov s25;
	[tilespmem:v22+s8+$0x0] =	vst.idx.msk vm0, v27;
	v22, _, _ =	vpop (xrf2);
	s25 =	sadd.s32 $0xFFFFFFFB, s24;
	s28 =	smov.u32 s29;
	s2 =	smov.u32 @p4 s12  }
0x105: {  	v24 =	vmul.f32 v25, v2;
	v11 =	vadd.s32 $0x4, v11;
	s11 =	sadd.s32 s21, s11;
	s0 =	sshll.u32 s0, $0x5;
	v27 =	vshrl.u32 v20, $0x3;
	s2 =	sadd.s32 s21, s2  }
0x106: {  	v17 =	vadd.f32 v21, v17;
	s28 =	smov.u32 @p2 s12;
	v25 =	vbroadcast v11, $0x0;
	v15 =	vadd.f32 v15, v26;
	s0 =	sadd.s32 $0xFFFFFFC0, s0;
	s2 =	sshll.u32 s2, $0x5;
	(xrf2) =	vadd.scan.msk.f32 $0xffff, v16  }
0x107: {  	v11 =	vmov s25;
	s25 =	sadd.s32 s21, s28;
	v16 =	vshrl.u32 v18, $0x3;
	s0 =	sand.u32 $0x3FFFFFE0, s0;
	v18 =	vshll.u32 v27, v0;
	s2 =	sand.u32 $0x3FFFFFE0, s2;
	v20, _, _ =	vpop (xrf2)  }
0x108: {  	p2 =	slt.u32 s15, $0x14;
	v11 =	vshrl.u32 v11, $0x3;
	s28 =	smov.u32 s29;
	s25 =	sshll.u32 s25, $0x5;
	v16 =	vshll.u32 v16, v0;
	v18 =	vadd.s32 $0x6, v18;
	v21 =	vld [tilespmem:s2+$0x1350]  }
0x109: {  	v28 =	vmov s22;
	s11 =	sshll.u32 s11, $0x5;
	s28 =	smov.u32 @p2 s12;
	v11 =	vshll.u32 v11, v0;
	s22 =	sadd.s32 $0xFFFFFFE0, s25;
	v16 =	vadd.s32 $0x3, v16;
	v27 =	vld [tilespmem:s2+$0x1340];
	(xrf2) =	vadd.scan.msk.f32 $0xffff, v15  }
0x10a: {  	v14 =	vadd.f32 v14, v24;
	s11 =	sadd.s32 $0xFFFFFFA0, s11;
	s22 =	sand.u32 $0x3FFFFFE0, s22;
	s2 =	sadd.s32 s24, s28;
	v15 =	vadd.s32 $0x2, v11;
	v11 =	vshrl.u32 v28, $0x3;
	v24 =	vld [tilespmem:s0+$0x1340];
	v26, _, _ =	vpop (xrf2)  }
0x10b: {  	v19 =	vshrl.u32 v19, $0x3;
	p3 =	slt.u32 s15, $0x70;
	v28 =	vmov s15;
	s15 =	sand.u32 $0x3FFFFFE0, s11;
	s2 =	sshll.u32 s2, $0x5;
	v11 =	vshll.u32 v11, v0;
	v29 =	vld [tilespmem:s0+$0x1350];
	[tilespmem:v23+s8+$0x0] =	vst.idx.msk vm0, v22  }
0x10c: {  	v19 =	vshll.u32 v19, v0;
	v30 =	vshrl.u32 v28, $0x3;
	s0 =	sadd.s32 $0xFFFFFF20, s2;
	s25 =	sadd.s32 $0xFFFFFF40, s2;
	s28 =	sadd.s32 $0xFFFFFF60, s2;
	v23 =	vld [tilespmem:s15+$0x1350];
	(xrf2) =	vadd.scan.msk.f32 $0xffff, v17  }
0x10d: {  	v19 =	vadd.s32 $0x1, v19;
	v28 =	vshll.u32 v30, v0;
	s2 =	sadd.s32 $0xFFFFFF80, s2;
	s11 =	sand.u32 $0x3FFFFFE0, s0;
	s0 =	sand.u32 $0x3FFFFFE0, s25;
	v17 =	vld [tilespmem:s15+$0x1340];
	v21 =	vmul.f32 v21, v3;
	v22, _, _ =	vpop (xrf2)  }
0x10e: {  	v16 =	vbroadcast v16, $0x0;
	s2 =	sand.u32 $0x3FFFFFE0, s2;
	s25 =	smov.u32 s21;
	s15 =	sand.u32 $0x3FFFFFE0, s28;
	v30 =	vld [tilespmem:s22+$0x1340];
	v27 =	vmul.f32 v27, v2;
	[tilespmem:v12+s8+$0x0] =	vst.idx.msk vm0, v20  }
0x10f: {  	s21 =	smov.u32 s24;
	v12 =	vld [tilespmem:s15+$0x1350];
	v24 =	vmul.f32 v24, v2;
	(xrf2) =	vadd.scan.msk.f32 $0xffff, v9;
	[tilespmem:v8+s8+$0x0] =	vst.idx.msk vm0, v22;
	v9 =	vbroadcast v19, $0x0  }
0x110: {  	v19 =	vld [tilespmem:s15+$0x1340];
	v8 =	vmul.f32 v29, v3;
	v21 =	vadd.f32 v21, v27;
	v20, _, _ =	vpop (xrf2)  }
0x111: {  	v27 =	vbroadcast v4, $0x0;
	v4 =	vmov v18;
	v22 =	vmul.f32 v23, v3;
	v23 =	vld [tilespmem:s22+$0x1350];
	[tilespmem:v25+s8+$0x0] =	vst.idx.msk vm0, v20  }
0x112: {  	v20 =	vld [tilespmem:s11+$0x1350];
	v17 =	vmul.f32 v17, v2;
	v18 =	vadd.f32 v8, v24;
	(xrf2) =	vadd.scan.msk.f32 $0xffff, v21  }
0x113: {  	v5 =	vadd.f32 v7, v5;
	v29 =	vld [tilespmem:s0+$0x1350];
	v7, _, _ =	vpop (xrf2)  }
0x114: {  	v8 =	vbroadcast v13, $0x0;
	v31 =	vld [tilespmem:s0+$0x1340];
	[tilespmem:v16+s8+$0x0] =	vst.idx.msk vm0, v7;
	v16 =	vadd.f32 v22, v17;
	v17 =	vmul.f32 v30, v2  }
0x115: {  	v22 =	vbroadcast v10, $0x0;
	v7 =	vmov s25;
	v10 =	vmovc v15;
	v30 =	vld [tilespmem:s2+$0x1340];
	(xrf2) =	vadd.scan.msk.f32 $0xffff, v18;
	[tilespmem:v9+s8+$0x0] =	vst.idx.msk vm0, v26  }
0x116: {  	v6 =	vshll.u32 v6, v0;
	v7 =	vshrl.u32 v7, $0x3;
	v24 =	vld [tilespmem:s2+$0x1350];
	v21 =	vmul.f32 v23, v3;
	v9, _, _ =	vpop (xrf2)  }
.Ltmp6:
0x117: {  	v6 =	vadd.s32 $0x5, v6;
	s24 =	sadd.s32 $0x8, s24;
	s28 =	smov.u32 s29;
	v15 =	vmul.f32 v19, v2;
	v7 =	vshll.u32 v7, v0;
	v25 =	vld [tilespmem:s11+$0x1340];
	[tilespmem:v27+s8+$0x0] =	vst.idx.msk vm0, v9;
	(pc) =	sbr.rel @p3 .LBB2_7-.Ltmp6, $4  }
0x118: {  	s22 =	sadd.s32 $0xFFFFFFFD, s21;
	v13 =	vmovc v28;
	s0 =	sadd.s32 $0xFFFFFFFC, s21;
	s2 =	sadd.s32 $0xFFFFFFFA, s25;
	v9 =	vmul.f32 v12, v3;
	v12 =	vbroadcast v6, $0x0;
	v23 =	vadd.s32 $0x7, v7;
	(xrf2) =	vadd.scan.msk.f32 $0xffff, v5  }
0x119: {  	p4 =	slt.u32 s22, $0x14;
	v18 =	vmov s0;
	s0 =	sadd.s32 $0xFFFFFFFE, s21;
	s25 =	sadd.s32 $0xFFFFFFFF, s21;
	v19 =	vmov s2;
	v5 =	vmul.f32 v31, v2;
	v27, _, _ =	vpop (xrf2)  }
0x11a: {  	p5 =	slt.u32 s0, $0x14;
	v6 =	vmov s0;
	p2 =	slt.u32 s25, $0x14;
	s11 =	smov.u32 s29;
	v7 =	vmul.f32 v29, v3;
	v9 =	vadd.f32 v9, v15  }
0x11b: {  	s28 =	smov.u32 @p5 s12;
	s11 =	smov.u32 @p4 s12;
	v6 =	vshrl.u32 v6, $0x3;
	p4 =	slt.u32 s21, $0x14;
	v23 =	vbroadcast v23, $0x0;
	v26 =	vmul.f32 v30, v2;
	(xrf2) =	vadd.scan.msk.f32 $0xffff, v14  }
0x11c: {  	s24 =	smov.u32 s21;
	v14 =	vmov v13;
	v15 =	vmov v10  }
.LBB2_9:
0x11d: {  	s0 =	smov.u32 s29  }
0x11e: {  	s0 =	smov.u32 @p4 s12  }
0x11f: {  	s2 =	sadd.s32 s24, s28;
	s0 =	sadd.s32 s24, s0  }
0x120: {  	s2 =	sshll.u32 s2, $0x5;
	s0 =	sshll.u32 s0, $0x5  }
0x121: {  	s2 =	sadd.s32 $0xFFFFFFC0, s2;
	s0 =	sand.u32 $0x3FFFFFE0, s0  }
0x122: {  	s11 =	sadd.s32 s24, s11;
	s28 =	sand.u32 $0x3FFFFFE0, s2;
	v13 =	vld [tilespmem:s0+$0x1340]  }
0x123: {  	s29 =	smov.u32 @p2 s12;
	s15 =	sshll.u32 s11, $0x5;
	v28 =	vld [tilespmem:s28+$0x1340]  }
0x124: {  	s21 =	sadd.s32 s24, s29;
	s2 =	sadd.s32 $0xFFFFFFA0, s15;
	v10 =	vld [tilespmem:s0+$0x1350]  }
0x125: {  	v20 =	vmul.f32 v20, v3;
	v24 =	vmul.f32 v24, v3;
	v29 =	vmov s25;
	s25 =	sshll.u32 s21, $0x5;
	s2 =	sand.u32 $0x3FFFFFE0, s2;
	v30 =	vld [tilespmem:s28+$0x1350]  }
0x126: {  	v25 =	vmul.f32 v25, v2;
	v18 =	vshrl.u32 v18, $0x3;
	v11 =	vadd.s32 @p1 $0x4, v11;
	v31 =	vld [tilespmem:s2+$0x1350];
	s0 =	sadd.s32 $0xFFFFFFE0, s25  }
0x127: {  	v17 =	vadd.f32 @p1 v21, v17;
	v49 =	vmov s22;
	v48 =	vld [tilespmem:s2+$0x1340];
	s0 =	sand.u32 $0x3FFFFFE0, s0;
	v13 =	vmul.f32 v13, v2  }
0x128: {  	[tilespmem:v22+s8+$0x0] =	vst.idx.msk @p1 vm0, v27;
	v19 =	vshrl.u32 @p1 v19, $0x3;
	v5 =	vadd.f32 v7, v5;
	v24 =	vadd.f32 v24, v26;
	v50 =	vld [tilespmem:s0+$0x1340]  }
0x129: {  	(xrf2) =	vadd.scan.msk.f32 @p1 $0xffff, v16;
	v57 =	vmov s24;
	v4 =	vbroadcast @p1 v4, $0x0;
	v53 =	vld [tilespmem:s0+$0x1350];
	v10 =	vmul.f32 v10, v3  }
0x12a: {  	v6 =	vshll.u32 v6, v0;
	(xrf2) =	vadd.scan.msk.f32 $0xffff, v24;
	v51 =	vmul.f32 v28, v2;
	v52 =	vmul.f32 v30, v3  }
0x12b: {  	v18 =	vshll.u32 v18, v0;
	v11 =	vbroadcast @p1 v11, $0x0;
	(xrf2) =	vadd.scan.msk.f32 @p1 $0xffff, v17;
	v10 =	vadd.f32 v10, v13;
	v13, _, _ =	vpop @p1 (xrf2)  }
0x12c: {  	v22 =	vadd.f32 v52, v51;
	(xrf2) =	vadd.scan.msk.f32 $0xffff, v9;
	[tilespmem:v23+s8+$0x0] =	vst.idx.msk @p1 vm0, v13;
	v13 =	vshll.u32 @p1 v19, v0  }
0x12d: {  	v18 =	vadd.s32 $0x3, v18;
	v54 =	vmul.f32 v31, v3;
	v55 =	vmul.f32 v48, v2;
	(xrf2) =	vadd.scan.msk.f32 $0xffff, v10  }
0x12e: {  	v20 =	vadd.f32 v20, v25;
	v2 =	vmul.f32 v50, v2;
	v3 =	vmul.f32 v53, v3;
	(xrf2) =	vadd.scan.msk.f32 $0xffff, v22  }
0x12f: {  	v56 =	vbroadcast v18, $0x0;
	v9 =	vadd.f32 v54, v55;
	v7 =	vadd.s32 @p1 $0x1, v13;
	v13, _, _ =	vpop @p1 (xrf2);
	(xrf2) =	vadd.scan.msk.f32 $0xffff, v5  }
0x130: {  	v58 =	vshrl.u32 v57, $0x3;
	v2 =	vadd.f32 v3, v2;
	v7 =	vbroadcast @p1 v7, $0x0;
	v5, _, _ =	vpop @p1 (xrf2);
	(xrf2) =	vadd.scan.msk.f32 $0xffff, v20  }
0x131: {  	v16 =	vshrl.u32 v49, $0x3;
	v6 =	vadd.s32 $0x5, v6;
	s28 =	sadd.s32 $0xFFFFFFFA, s24;
	[tilespmem:v12+s8+$0x0] =	vst.idx.msk @p1 vm0, v13;
	v12 =	vshll.u32 v58, v0  }
0x132: {  	v60 =	vmov s28;
	v3 =	vbroadcast v15, $0x0;
	v13, _, _ =	vpop @p1 (xrf2);
	(xrf2) =	vadd.scan.msk.f32 $0xffff, v9;
	v59 =	vadd.s32 $0x7, v12  }
0x133: {  	v62 =	vshrl.u32 v60, $0x3;
	[tilespmem:v8+s8+$0x0] =	vst.idx.msk @p1 vm0, v13;
	v9, _, _ =	vpop @p1 (xrf2);
	v8 =	vbroadcast v59, $0x0;
	(xrf2) =	vadd.scan.msk.f32 $0xffff, v2  }
0x134: {  	v63 =	vbroadcast v14, $0x0;
	v6 =	vbroadcast v6, $0x0;
	v2, _, _ =	vpop (xrf2);
	[tilespmem:v11+s8+$0x0] =	vst.idx.msk @p1 vm0, v9;
	v9 =	vshll.u32 v62, v0  }
0x135: {  	v29 =	vshrl.u32 v29, $0x3;
	v61 =	vshll.u32 v16, v0;
	v11, _, _ =	vpop @p1 (xrf2);
	[tilespmem:v56+s8+$0x0] =	vst.idx.msk vm0, v2;
	v18 =	vadd.s32 $0x1, v9  }
0x136: {  	v17 =	vshll.u32 v29, v0;
	v2 =	vadd.s32 $0x4, v61;
	[tilespmem:v7+s8+$0x0] =	vst.idx.msk @p1 vm0, v5;
	v16, _, _ =	vpop (xrf2);
	v21 =	vbroadcast v18, $0x0  }
0x137: {  	v20 =	vadd.s32 $0x6, v17;
	v2 =	vbroadcast v2, $0x0;
	[tilespmem:v4+s8+$0x0] =	vst.idx.msk @p1 vm0, v11;
	v19, _, _ =	vpop (xrf2)  }
0x138: {  	[tilespmem:v3+s8+$0x0] =	vst.idx.msk vm0, v16;
	v3 =	vbroadcast v20, $0x0;
	v22, _, _ =	vpop (xrf2)  }
0x139: {  	[tilespmem:v8+s8+$0x0] =	vst.idx.msk vm0, v19;
	v23, _, _ =	vpop (xrf2)  }
0x13a: {  	[tilespmem:v6+s8+$0x0] =	vst.idx.msk vm0, v22;
	v24, _, _ =	vpop (xrf2)  }
0x13b: {  	[tilespmem:v63+s8+$0x0] =	vst.idx.msk vm0, v24  }
0x13c: {  	v25, _, _ =	vpop (xrf2);
	[tilespmem:v21+s8+$0x0] =	vst.idx.msk vm0, v23  }
0x13d: {  	[tilespmem:v2+s8+$0x0] =	vst.idx.msk vm0, v25;
	v2, _, _ =	vpop (xrf2)  }
0x13e: {  	[tilespmem:v3+s8+$0x0] =	vst.idx.msk vm0, v2  }
0x13f: {  	v2 =	vld [tilespmem:$0x10540];
	_ =	sdelay $0x4  }
0x140: {  	v3 =	vand.u32 $0x7FFFFFFF, v2  }
0x141: {  	v3 =	vsub.f32 $0.0e+00, v3;
	_ =	sdelay $0x1  }
0x142: {  	v3 =	vmul.f32 $1.442695020e+00, v3;
	_ =	sdelay $0x1  }
0x143: {  	(erf) = vpow2.f32 v3  }
0x144: {  	v3 =	vld [tilespmem:$0x10550];
	_ =	sdelay $0x4  }
0x145: {  	v3 =	vmul.f32 v1, v3;
	_ =	sdelay $0x1  }
0x146: {  	v26 =	vand.u32 $0x7FFFFFFF, v3  }
0x147: {  	v4 =	vsub.f32 $0.0e+00, v26;
	v27 =	vpop (erf)  }
0x148: {  	v28 =	vadd.f32 $2.000000000e+00, v27  }
0x149: {  	v4 =	vmul.f32 $1.442695020e+00, v4  }
0x14a: {  	(erf) = vrcp.f32 v28  }
0x14b: {  	(erf) = vpow2.f32 v4  }
0x14c: {  	v29 =	vld [tilespmem:$0x10560];
	_ =	sdelay $0x4  }
0x14d: {  	v4 =	vsub.f32 $0.0e+00, v29;
	_ =	sdelay $0x1  }
0x14e: {  	v30 =	vand.u32 $0x7FFFFFFF, v4;
	v6 =	vpop (erf)  }
0x14f: {  	v7 =	vsub.f32 $0.0e+00, v30;
	v31 =	vpop (erf)  }
0x150: {  	v32 =	vadd.f32 $2.000000000e+00, v31  }
0x151: {  	v7 =	vmul.f32 $1.442695020e+00, v7  }
0x152: {  	(erf) = vrcp.f32 v32  }
0x153: {  	(erf) = vpow2.f32 v7  }
0x154: {  	v33 =	vld [tilespmem:$0x10570];
	_ =	sdelay $0x4  }
0x155: {  	v7 =	vsub.f32 $0.0e+00, v33;
	_ =	sdelay $0x1  }
0x156: {  	v34 =	vand.u32 $0x7FFFFFFF, v7;
	v9 =	vpop (erf)  }
0x157: {  	v10 =	vsub.f32 $0.0e+00, v34;
	v35 =	vpop (erf)  }
0x158: {  	v36 =	vadd.f32 $2.000000000e+00, v35  }
0x159: {  	v10 =	vmul.f32 $1.442695020e+00, v10  }
0x15a: {  	(erf) = vrcp.f32 v36  }
0x15b: {  	(erf) = vpow2.f32 v10  }
0x15c: {  	v37 =	vld [tilespmem:$0x10580];
	_ =	sdelay $0x4  }
0x15d: {  	v10 =	vsub.f32 $0.0e+00, v37;
	_ =	sdelay $0x1  }
0x15e: {  	v38 =	vand.u32 $0x7FFFFFFF, v10;
	v12 =	vpop (erf)  }
0x15f: {  	v13 =	vsub.f32 $0.0e+00, v38;
	v39 =	vpop (erf)  }
0x160: {  	v40 =	vadd.f32 $2.000000000e+00, v39  }
0x161: {  	v13 =	vmul.f32 $1.442695020e+00, v13  }
0x162: {  	(erf) = vrcp.f32 v40  }
0x163: {  	(erf) = vpow2.f32 v13  }
0x164: {  	v41 =	vld [tilespmem:$0x10590];
	_ =	sdelay $0x4  }
0x165: {  	v13 =	vsub.f32 $0.0e+00, v41;
	_ =	sdelay $0x1  }
0x166: {  	v42 =	vand.u32 $0x7FFFFFFF, v13;
	v15 =	vpop (erf)  }
0x167: {  	v16 =	vsub.f32 $0.0e+00, v42;
	v43 =	vpop (erf)  }
0x168: {  	v44 =	vadd.f32 $2.000000000e+00, v43  }
0x169: {  	v16 =	vmul.f32 $1.442695020e+00, v16  }
0x16a: {  	(erf) = vrcp.f32 v44  }
0x16b: {  	(erf) = vpow2.f32 v16  }
0x16c: {  	v45 =	vld [tilespmem:$0x105A0];
	_ =	sdelay $0x4  }
0x16d: {  	v16 =	vsub.f32 $0.0e+00, v45;
	_ =	sdelay $0x1  }
0x16e: {  	v46 =	vand.u32 $0x7FFFFFFF, v16;
	v18 =	vpop (erf)  }
0x16f: {  	v19 =	vsub.f32 $0.0e+00, v46;
	v47 =	vpop (erf)  }
0x170: {  	v48 =	vadd.f32 $2.000000000e+00, v47  }
0x171: {  	v19 =	vmul.f32 $1.442695020e+00, v19  }
0x172: {  	(erf) = vrcp.f32 v48  }
0x173: {  	(erf) = vpow2.f32 v19  }
0x174: {  	v49 =	vld [tilespmem:$0x105B0];
	_ =	sdelay $0x4  }
0x175: {  	v19 =	vsub.f32 $0.0e+00, v49;
	_ =	sdelay $0x1  }
0x176: {  	v50 =	vand.u32 $0x7FFFFFFF, v19;
	v21 =	vpop (erf)  }
0x177: {  	v22 =	vsub.f32 $0.0e+00, v50;
	v51 =	vpop (erf)  }
0x178: {  	v5 =	vmul.f32 v6, v27;
	v52 =	vadd.f32 $2.000000000e+00, v51  }
0x179: {  	v8 =	vmul.f32 v9, v31;
	v53 =	vmul.f32 $1.442695020e+00, v22  }
0x17a: {  	v54 =	vmul.f32 v5, v5;
	(erf) = vrcp.f32 v52  }
0x17b: {  	v55 =	vmul.f32 v8, v8;
	(erf) = vpow2.f32 v53  }
0x17c: {  	v56 =	vmul.f32 $1.428571490e-01, v54  }
0x17d: {  	v57 =	vmul.f32 $1.428571490e-01, v55  }
0x17e: {  	v9 =	vadd.f32 $2.000000030e-01, v56;
	v11 =	vmul.f32 v12, v35  }
0x17f: {  	v58 =	vadd.f32 $2.000000030e-01, v57  }
0x180: {  	v9 =	vmul.f32 v9, v54;
	v59 =	vmul.f32 v11, v11  }
0x181: {  	v12 =	vmul.f32 v58, v55  }
0x182: {  	v9 =	vadd.f32 $3.333333430e-01, v9;
	v60 =	vmul.f32 $1.428571490e-01, v59  }
0x183: {  	v12 =	vadd.f32 $3.333333430e-01, v12;
	v61 =	vpop (erf)  }
0x184: {  	v9 =	vmul.f32 v9, v54;
	v62 =	vadd.f32 $2.000000030e-01, v60;
	v63 =	vpop (erf)  }
0x185: {  	v5 =	vadd.f32 v5, v5;
	v6 =	vmul.f32 v12, v55;
	v29 =	vadd.f32 $2.000000000e+00, v63  }
0x186: {  	v8 =	vadd.f32 v8, v8;
	v9 =	vadd.f32 $1.000000000e+00, v9;
	v30 =	vmul.f32 v62, v59  }
0x187: {  	v6 =	vadd.f32 $1.000000000e+00, v6;
	v28 =	vmul.f32 v15, v39;
	(erf) = vrcp.f32 v29  }
0x188: {  	v5 =	vmul.f32 v9, v5;
	v32 =	vadd.f32 $3.333333430e-01, v30  }
0x189: {  	v2 =	vmin.f32 v2, $0.0e+00;
	v34 =	vmul.f32 v6, v8;
	v31 =	vmul.f32 v28, v28  }
0x18a: {  	v3 =	vmin.f32 v3, $0.0e+00;
	v2 =	vsub.f32 v2, v5;
	v35 =	vmul.f32 v32, v59  }
0x18b: {  	v3 =	vsub.f32 v3, v34;
	v33 =	vmul.f32 $1.428571490e-01, v31;
	v37 =	vmul.f32 v18, v43  }
0x18c: {  	v39 =	vadd.f32 v11, v11;
	v38 =	vadd.f32 $1.000000000e+00, v35  }
0x18d: {  	v36 =	vadd.f32 $2.000000030e-01, v33;
	v40 =	vmul.f32 v37, v37  }
0x18e: {  	v2 =	vadd.f32 v3, v2;
	v5 =	vmul.f32 v38, v39;
	v3 =	vmul.f32 v21, v47  }
0x18f: {  	v8 =	vmul.f32 v36, v31;
	v42 =	vmul.f32 $1.428571490e-01, v40  }
0x190: {  	v4 =	vmin.f32 v4, $0.0e+00;
	v43 =	vmul.f32 v3, v3;
	v44 =	vmul.f32 v61, v51;
	v45 =	vpop (erf)  }
0x191: {  	v41 =	vadd.f32 $3.333333430e-01, v8;
	v8 =	vadd.f32 $2.000000030e-01, v42;
	v17 =	vmul.f32 v45, v63  }
0x192: {  	v12 =	vadd.f32 v28, v28;
	v46 =	vmul.f32 $1.428571490e-01, v43;
	v47 =	vmul.f32 v44, v44  }
0x193: {  	v4 =	vsub.f32 v4, v5;
	v8 =	vmul.f32 v8, v40;
	v48 =	vmul.f32 v17, v17  }
0x194: {  	v6 =	vmul.f32 v41, v31;
	v49 =	vadd.f32 $2.000000030e-01, v46;
	v50 =	vmul.f32 $1.428571490e-01, v47  }
0x195: {  	v2 =	vadd.f32 v4, v2;
	v8 =	vadd.f32 $3.333333430e-01, v8;
	v51 =	vmul.f32 $1.428571490e-01, v48  }
0x196: {  	v6 =	vadd.f32 $1.000000000e+00, v6;
	v4 =	vmul.f32 v49, v43;
	v5 =	vadd.f32 $2.000000030e-01, v50  }
0x197: {  	v7 =	vmin.f32 v7, $0.0e+00;
	v8 =	vmul.f32 v8, v40;
	v52 =	vadd.f32 $2.000000030e-01, v51  }
0x198: {  	v6 =	vmul.f32 v6, v12;
	v4 =	vadd.f32 $3.333333430e-01, v4;
	v5 =	vmul.f32 v5, v47  }
0x199: {  	v9 =	vadd.f32 v37, v37;
	v8 =	vadd.f32 $1.000000000e+00, v8;
	v11 =	vmul.f32 v52, v48  }
0x19a: {  	v6 =	vsub.f32 v7, v6;
	v4 =	vmul.f32 v4, v43;
	v5 =	vadd.f32 $3.333333430e-01, v5  }
0x19b: {  	v3 =	vadd.f32 v3, v3;
	v8 =	vmul.f32 v8, v9;
	v54 =	vadd.f32 $3.333333430e-01, v11  }
0x19c: {  	v53 =	vmin.f32 v10, $0.0e+00;
	v4 =	vadd.f32 $1.000000000e+00, v4;
	v5 =	vmul.f32 v5, v47  }
0x19d: {  	v2 =	vadd.f32 v6, v2;
	v55 =	vsub.f32 v53, v8;
	v56 =	vmul.f32 v54, v48  }
0x19e: {  	v58 =	vadd.f32 v44, v44;
	v3 =	vmul.f32 v4, v3;
	v57 =	vadd.f32 $1.000000000e+00, v5  }
0x19f: {  	v59 =	vmin.f32 v13, $0.0e+00;
	v60 =	vmul.f32 $-2.000000000e+00, v17;
	v7 =	vadd.f32 $1.000000000e+00, v56  }
0x1a0: {  	v2 =	vadd.f32 v55, v2;
	v3 =	vsub.f32 v59, v3;
	v4 =	vmul.f32 v57, v58  }
0x1a1: {  	v61 =	vmin.f32 v16, $0.0e+00;
	v62 =	vmul.f32 v7, v60  }
0x1a2: {  	v2 =	vadd.f32 v3, v2;
	v63 =	vmin.f32 v19, $0.0e+00;
	v3 =	vsub.f32 v61, v4  }
0x1a3: {  	v4 =	vadd.f32 v62, v63  }
0x1a4: {  	v2 =	vadd.f32 v3, v2  }
0x1a5: {  	v3 =	vnsel vm1, $0x0, v4  }
0x1a6: {  	v2 =	vadd.f32 v3, v2;
	_ =	sdelay $0x1  }
0x1a7: {  	v2 =	vsub.f32 $0.0e+00, v2;
	_ =	sdelay $0x1  }
0x1a8: {  	(xrf2) =	vadd.scan.msk.f32 $0xffff, v2;
	_ =	sdelay $0x4  }
0x1a9: {  	s29 =	sor.u32 s16, s17;
	s17 =	sadd.s32 $0x1, s17  }
0x1aa: {  	p1 =	sne.s32 s17, $0x8;
	v2 =	vmov s29  }
.Ltmp7:
0x1ab: {  	_ = 	snop;
	(pc) =	sbr.rel @p1 .LBB2_3-.Ltmp7, $4  }
.Ltmp8:
0x1ac: {  	_ = 	snop;
	(pc) =	sbr.rel @!p1 .LBB2_10-.Ltmp8, $4  }
0x1ad: {  	_ = 	snop  }
0x1ae: {  	v3, _, _ =	vpop (xrf2)  }
0x1af: {  	[tilespmem:v2+s9+$0x0] =	vst.idx.msk vm0, v3  }
0x1b0: {  	_ = 	snop  }
.LBB2_4:
.Ltmp9:
0x1b1: {  	(pc) =	sbr.rel .LBB2_9-.Ltmp9, $2  }
0x1b2: {  	_ =	sdelay $0x2  }
0x1b3: {  	_ = 	snop  }
.LBB2_6:
.Ltmp10:
0x1b4: {  	(pc) =	sbr.rel .LBB2_9-.Ltmp10, $2  }
0x1b5: {  	_ =	sdelay $0x2  }
0x1b6: {  	s24 =	simm.s32 $0xF;
	v14 =	vmov v13;
	v15 =	vmov v10  }
.LBB2_10:
0x1b7: {  	_ =	swait.ge [sflag:s10], $0x200  }
.Ltmp11:
0x1b8: {  	[sflag:s10] =	ssyncset.done $0x0;
	(pc) =	sbr.rel @p0 .LBB2_12-.Ltmp11, $4  }
0x1b9: {  	[sflag:s10] =	ssyncadd.s32 $0xFFFFFE00  }
0x1ba: {  	_ =	swait.ge [sflag:s10], $0x7800  }
0x1bb: {  	[sflag:s10] =	ssyncset.done $0x0  }
0x1bc: {  	[sflag:s10] =	ssyncadd.s32 $0xFFFF8800  }
0x1bd: {  	s0 =	rddreg [dreg:$0x9]  }
0x1be: {  	s0 =	sadd.s32 s16, s0  }
0x1bf: {  	s2 =	sshrl.u32 s0, $0x3;
	s11 =	smul.u32 $0x14, s0  }
0x1c0: {  	s0 =	smul.u32 $0x64, s0;
	s2 =	sadd.s32 s3, s2  }
0x1c1: {  	[tilespmem:s20], [sflag:$0x2] =	stream.linear.gather [hbm4b:s2+s1], $0x8, $0x38;
	[tilespmem:$0x105C0] =	vst v63  }
0x1c2: {  	s17 =	sshrl.u32 s11, $0x3  }
0x1c3: {  	s21 =	simm.s32 $0x3E0;
	s0 =	sshrl.u32 s0, $0x3;
	s2 =	sadd.s32 s4, s17  }
0x1c4: {  	[tilespmem:s21], [sflag:$0x2] =	stream.linear.gather [hbm4b:s2+s1], $0xA0, $0x38;
	[tilespmem:$0x105C0] =	vst v63  }
0x1c5: {  	s22 =	simm.s32 $0x480;
	s0 =	sadd.s32 s5, s0  }
0x1c6: {  	[tilespmem:s22], [sflag:$0x2] =	stream.linear.gather [hbm4b:s0+s1], $0x320, $0x38;
	[tilespmem:$0x105C0] =	vst v63  }
0x1c7: {  	_ =	swait.ge [sflag:s23], $0x8  }
0x1c8: {  	[sflag:s23] =	ssyncset.done $0x0  }
0x1c9: {  	[sflag:s23] =	ssyncadd.s32 $0xFFFFFFF8  }
0x1ca: {  	_ =	swait.ge [sflag:s23], $0xA0  }
0x1cb: {  	[sflag:s23] =	ssyncset.done $0x0  }
0x1cc: {  	[sflag:s23] =	ssyncadd.s32 $0xFFFFFF60  }
0x1cd: {  	_ =	swait.ge [sflag:s23], $0x320  }
0x1ce: {  	[sflag:s23] =	ssyncset.done $0x0  }
0x1cf: {  	[sflag:s23] =	ssyncadd.s32 $0xFFFFFCE0  }
0x1d0: {  	v2 =	vld [tilespmem:$0x0];
	_ =	sdelay $0x3  }
0x1d1: {  	v3 =	vld [tilespmem:$0x20]  }
0x1d2: {  	v4 =	vld [tilespmem:$0x30];
	vm2 =	vgt.s32 v2, $0x0  }
0x1d3: {  	v5 =	vld [tilespmem:$0x40];
	v2 =	vnsel vm2, $0x0, v2  }
0x1d4: {  	v6 =	vld [tilespmem:$0x50];
	v2 =	vmin.u32 v2, $0xF423F  }
0x1d5: {  	[tilespmem:$0x7A0] =	vst v2;
	v2 =	vld [tilespmem:$0x60]  }
0x1d6: {  	v31 =	vld [tilespmem:$0x80];
	[tilespmem:$0x7C0] =	vst v3  }
0x1d7: {  	v32 =	vld [tilespmem:$0x90];
	[tilespmem:$0x7D0] =	vst v4  }
0x1d8: {  	v33 =	vld [tilespmem:$0xA0];
	[tilespmem:$0x7E0] =	vst v5  }
0x1d9: {  	v3 =	vld [tilespmem:$0x70];
	[tilespmem:$0x7F0] =	vst v6  }
0x1da: {  	[tilespmem:$0x800] =	vst v2;
	v2 =	vld [tilespmem:$0xB0]  }
0x1db: {  	v34 =	vld [tilespmem:$0xD0];
	[tilespmem:$0x820] =	vst v31  }
0x1dc: {  	v35 =	vld [tilespmem:$0xE0];
	[tilespmem:$0x830] =	vst v32  }
0x1dd: {  	v36 =	vld [tilespmem:$0xF0];
	[tilespmem:$0x840] =	vst v33  }
0x1de: {  	[tilespmem:$0x810] =	vst v3;
	v3 =	vld [tilespmem:$0xC0]  }
0x1df: {  	[tilespmem:$0x850] =	vst v2;
	v2 =	vld [tilespmem:$0x100]  }
0x1e0: {  	v37 =	vld [tilespmem:$0x120];
	[tilespmem:$0x870] =	vst v34  }
0x1e1: {  	v38 =	vld [tilespmem:$0x130];
	[tilespmem:$0x880] =	vst v35  }
0x1e2: {  	v39 =	vld [tilespmem:$0x140];
	[tilespmem:$0x890] =	vst v36  }
0x1e3: {  	[tilespmem:$0x860] =	vst v3;
	v3 =	vld [tilespmem:$0x110]  }
0x1e4: {  	[tilespmem:$0x8A0] =	vst v2;
	v2 =	vld [tilespmem:$0x150]  }
0x1e5: {  	v40 =	vld [tilespmem:$0x170];
	[tilespmem:$0x8C0] =	vst v37  }
0x1e6: {  	v41 =	vld [tilespmem:$0x180];
	[tilespmem:$0x8D0] =	vst v38  }
0x1e7: {  	v42 =	vld [tilespmem:$0x190];
	[tilespmem:$0x8E0] =	vst v39  }
0x1e8: {  	[tilespmem:$0x8B0] =	vst v3;
	v3 =	vld [tilespmem:$0x160]  }
0x1e9: {  	[tilespmem:$0x8F0] =	vst v2;
	v2 =	vld [tilespmem:$0x1A0]  }
0x1ea: {  	v43 =	vld [tilespmem:$0x1C0];
	[tilespmem:$0x910] =	vst v40  }
0x1eb: {  	v44 =	vld [tilespmem:$0x1D0];
	[tilespmem:$0x920] =	vst v41  }
0x1ec: {  	v45 =	vld [tilespmem:$0x1E0];
	[tilespmem:$0x930] =	vst v42  }
0x1ed: {  	[tilespmem:$0x900] =	vst v3;
	v3 =	vld [tilespmem:$0x1B0]  }
0x1ee: {  	[tilespmem:$0x940] =	vst v2;
	v2 =	vld [tilespmem:$0x1F0]  }
0x1ef: {  	v46 =	vld [tilespmem:$0x210];
	[tilespmem:$0x960] =	vst v43  }
0x1f0: {  	v47 =	vld [tilespmem:$0x220];
	[tilespmem:$0x970] =	vst v44  }
0x1f1: {  	v48 =	vld [tilespmem:$0x230];
	[tilespmem:$0x980] =	vst v45  }
0x1f2: {  	[tilespmem:$0x950] =	vst v3;
	v3 =	vld [tilespmem:$0x200]  }
0x1f3: {  	[tilespmem:$0x990] =	vst v2;
	v2 =	vld [tilespmem:$0x240]  }
0x1f4: {  	v49 =	vld [tilespmem:$0x260];
	[tilespmem:$0x9B0] =	vst v46  }
0x1f5: {  	v50 =	vld [tilespmem:$0x270];
	[tilespmem:$0x9C0] =	vst v47  }
0x1f6: {  	v51 =	vld [tilespmem:$0x280];
	[tilespmem:$0x9D0] =	vst v48  }
0x1f7: {  	[tilespmem:$0x9A0] =	vst v3;
	v3 =	vld [tilespmem:$0x250]  }
0x1f8: {  	[tilespmem:$0x9E0] =	vst v2;
	v2 =	vld [tilespmem:$0x290]  }
0x1f9: {  	v52 =	vld [tilespmem:$0x2B0];
	[tilespmem:$0xA00] =	vst v49  }
0x1fa: {  	v53 =	vld [tilespmem:$0x2C0];
	[tilespmem:$0xA10] =	vst v50  }
0x1fb: {  	v54 =	vld [tilespmem:$0x2D0];
	[tilespmem:$0xA20] =	vst v51  }
0x1fc: {  	[tilespmem:$0x9F0] =	vst v3;
	v3 =	vld [tilespmem:$0x2A0]  }
0x1fd: {  	[tilespmem:$0xA30] =	vst v2;
	v2 =	vld [tilespmem:$0x2E0]  }
0x1fe: {  	v55 =	vld [tilespmem:$0x300];
	[tilespmem:$0xA50] =	vst v52  }
0x1ff: {  	v56 =	vld [tilespmem:$0x310];
	[tilespmem:$0xA60] =	vst v53  }
0x200: {  	v57 =	vld [tilespmem:$0x320];
	[tilespmem:$0xA70] =	vst v54  }
0x201: {  	[tilespmem:$0xA40] =	vst v3;
	v3 =	vld [tilespmem:$0x2F0]  }
0x202: {  	[tilespmem:$0xA80] =	vst v2;
	v2 =	vld [tilespmem:$0x330]  }
0x203: {  	v58 =	vld [tilespmem:$0x350];
	[tilespmem:$0xAA0] =	vst v55  }
0x204: {  	v59 =	vld [tilespmem:$0x360];
	[tilespmem:$0xAB0] =	vst v56  }
0x205: {  	v60 =	vld [tilespmem:$0x370];
	[tilespmem:$0xAC0] =	vst v57  }
0x206: {  	[tilespmem:$0xA90] =	vst v3;
	v3 =	vld [tilespmem:$0x340]  }
0x207: {  	[tilespmem:$0xAD0] =	vst v2;
	v2 =	vld [tilespmem:$0x380]  }
0x208: {  	v61 =	vld [tilespmem:$0x3A0];
	[tilespmem:$0xAF0] =	vst v58  }
0x209: {  	v62 =	vld [tilespmem:$0x3B0];
	[tilespmem:$0xB00] =	vst v59  }
0x20a: {  	v63 =	vld [tilespmem:$0x3C0];
	[tilespmem:$0xB10] =	vst v60  }
0x20b: {  	[tilespmem:$0xAE0] =	vst v3;
	v3 =	vld [tilespmem:$0x390]  }
0x20c: {  	[tilespmem:$0xB20] =	vst v2;
	v2 =	vld [tilespmem:$0x3D0]  }
0x20d: {  	[tilespmem:$0xB40] =	vst v61  }
0x20e: {  	[tilespmem:$0xB50] =	vst v62  }
0x20f: {  	[tilespmem:$0xB60] =	vst v63  }
0x210: {  	[tilespmem:$0xB30] =	vst v3  }
0x211: {  	s24 =	simm.s32 $0x7A0;
	s25 =	simm.s32 $0xF40;
	[tilespmem:$0xB70] =	vst v2  }
0x212: {  	[tilespmem:s25], [sflag:$0x3] =	stream.indirect.gather [hbm4b:s6+s20], $0x20, s24, s20, $0xb8;
	[tilespmem:$0x105C0] =	vst v63  }
0x213: {  	s28 =	simm.s32 $0x7C0;
	s29 =	simm.s32 $0x1340  }
0x214: {  	[tilespmem:s29], [sflag:$0x3] =	stream.indirect.gather [hbm4b:s7+s26], $0x20, s28, s26, $0xb8;
	[tilespmem:$0x105C0] =	vst v63  }
.LBB2_12:
0x215: {  	s16 =	sor.u32 $0x8, s16;
	s17 =	simm.s32 $0x0  }
.LBB2_13:
0x216: {  	s0 =	smul.u32 $0x64, s17;
	_ =	sdelay $0x1  }
0x217: {  	s12 =	smul.u32 $0x14, s17;
	s11 =	sadd.s32 $0x8C, s0  }
0x218: {  	p0 =	por $0x1, $0x1;
	s0 =	smov.u32 s11  }
0x219: {  	s0 =	smov.u32 @p0 s12  }
0x21a: {  	s2 =	sshll.u32 s17, $0x5;
	s0 =	sadd.s32 $0x7, s0  }
0x21b: {  	s2 =	sand.u32 $0x3FFFFFE0, s2;
	s0 =	sshll.u32 s0, $0x5  }
0x21c: {  	v2 =	vld [tilespmem:s2+$0x1140];
	s15 =	sadd.s32 $0xFFFFFF60, s0  }
0x21d: {  	v3 =	vld [tilespmem:s2+$0x1150];
	s22 =	sand.u32 $0x3FFFFFE0, s15  }
0x21e: {  	s24 =	sadd.s32 $0xFFFFFF40, s0;
	v4 =	vld [tilespmem:s22+$0x8B50]  }
0x21f: {  	s15 =	sand.u32 $0x3FFFFFE0, s24;
	v5 =	vld [tilespmem:s22+$0x8B40]  }
0x220: {  	s25 =	simm.s32 $0x2;
	s21 =	sadd.s32 $0xFFFFFF80, s0;
	v6 =	vld [tilespmem:s15+$0x8B50]  }
0x221: {  	p2 =	por $0x1, $0x1;
	p3 =	por $0x1, $0x1;
	v7 =	vmov s25;
	s2 =	sand.u32 $0x3FFFFFE0, s21;
	v8 =	vld [tilespmem:s15+$0x8B40]  }
0x222: {  	p1 =	por $0x1, $0x1;
	s25 =	simm.s32 $0x3;
	v7 =	vshrl.u32 v7, $0x3;
	s22 =	simm.s32 $0x0;
	v10 =	vld [tilespmem:s2+$0x8B40]  }
.Ltmp12:
0x223: {  	v18 =	vmov s25;
	s25 =	simm.s32 $0x6;
	v7 =	vshll.u32 v7, v0;
	s28 =	smov.u32 s11;
	v9 =	vmov s22;
	(pc) =	sbr.rel @!p2 .LBB2_14-.Ltmp12, $4  }
0x224: {  	s29 =	smov.u32 s11;
	p0 =	por $0x1, $0x1;
	s0 =	sadd.s32 $0xFFFFFF20, s0;
	v9 =	vshrl.u32 v9, $0x3;
	v11 =	vmul.f32 v5, v2;
	v4 =	vmul.f32 v4, v3  }
0x225: {  	v15 =	vadd.s32 $0x2, v7;
	s29 =	smov.u32 @p3 s12;
	s0 =	sand.u32 $0x3FFFFFE0, s0;
	v24 =	vld [tilespmem:s2+$0x8B50];
	s15 =	simm.s32 $0x5;
	v14 =	vshll.u32 v9, v0  }
0x226: {  	p3 =	por $0x1, $0x1;
	s28 =	smov.u32 @p0 s12;
	p0 =	por $0x0, $0x0;
	v20 =	vld [tilespmem:s0+$0x8B50];
	v5 =	vmul.f32 v8, v2;
	v9 =	vadd.f32 v4, v11;
	v4 =	vmov s15  }
0x227: {  	s24 =	simm.s32 $0x7;
	s21 =	simm.s32 $0xF;
	v25 =	vld [tilespmem:s0+$0x8B40];
	s22 =	simm.s32 $0x4;
	v7 =	vmul.f32 v6, v3;
	v26 =	vmul.f32 v10, v2;
	v6 =	vshrl.u32 v4, $0x3  }
0x228: {  	s0 =	smov.u32 s11  }
0x229: {  	s0 =	smov.u32 @p3 s12  }
0x22a: {  	s2 =	sadd.s32 $0x7, s29;
	s0 =	sadd.s32 $0x7, s0  }
0x22b: {  	s15 =	sadd.s32 $0x7, s28;
	v10 =	vmov s25;
	s25 =	smov.u32 s11;
	s0 =	sshll.u32 s0, $0x5  }
0x22c: {  	p0 =	por $0x1, $0x1;
	s2 =	sshll.u32 s2, $0x5;
	v4 =	vmul.f32 v24, v3;
	s0 =	sand.u32 $0x3FFFFFE0, s0  }
0x22d: {  	s15 =	sshll.u32 s15, $0x5;
	s25 =	smov.u32 @p1 s12;
	s2 =	sadd.s32 $0xFFFFFFC0, s2;
	v8 =	vld [tilespmem:s0+$0x8B50]  }
0x22e: {  	v10 =	vshrl.u32 v10, $0x3;
	s15 =	sadd.s32 $0xFFFFFFA0, s15;
	s2 =	sand.u32 $0x3FFFFFE0, s2;
	v17 =	vadd.f32 v4, v26;
	v11 =	vld [tilespmem:s0+$0x8B40];
	s0 =	simm.s32 $0xA  }
0x22f: {  	v18 =	vshrl.u32 v18, $0x3;
	s25 =	sadd.s32 $0x7, s25;
	v10 =	vshll.u32 v10, v0;
	v19 =	vld [tilespmem:s2+$0x8B50];
	v4 =	vmov s0;
	s0 =	sand.u32 $0x3FFFFFE0, s15;
	s15 =	smov.u32 s11  }
0x230: {  	v12 =	vmul.f32 v20, v3;
	v13 =	vmul.f32 v25, v2;
	v16 =	vld [tilespmem:s2+$0x8B40];
	s2 =	sshll.u32 s25, $0x5;
	(xrf2) =	vadd.scan.msk.f32 $0xffff, v17;
	v20 =	vshrl.u32 v4, $0x3;
	s15 =	smov.u32 @p0 s12  }
0x231: {  	s2 =	sadd.s32 $0xFFFFFFE0, s2;
	v21 =	vld [tilespmem:s0+$0x8B50];
	v4 =	vadd.s32 $0x6, v10;
	v10 =	vshll.u32 v20, v0;
	v20 =	vmov s22;
	s22 =	sadd.s32 $0xF, s15  }
0x232: {  	v6 =	vshll.u32 v6, v0;
	v18 =	vshll.u32 v18, v0;
	v28 =	vadd.f32 v12, v13;
	v17 =	vld [tilespmem:s0+$0x8B40];
	s0 =	sand.u32 $0x3FFFFFE0, s2;
	s2 =	sshll.u32 s22, $0x5  }
0x233: {  	v12 =	vshrl.u32 v20, $0x3;
	v20 =	vld [tilespmem:s0+$0x8B40];
	v8 =	vmul.f32 v8, v3;
	s22 =	sadd.s32 $0xFFFFFF60, s2;
	v22 =	vmul.f32 v11, v2  }
0x234: {  	v7 =	vadd.f32 v7, v5;
	v18 =	vadd.s32 $0x3, v18;
	(xrf2) =	vadd.scan.msk.f32 $0xffff, v9;
	v9 =	vmul.f32 v19, v3;
	v19 =	vld [tilespmem:s0+$0x8B50];
	s15 =	sand.u32 $0x3FFFFFE0, s22  }
0x235: {  	v6 =	vadd.s32 $0x5, v6;
	v18 =	vbroadcast v18, $0x0;
	s25 =	simm.s32 $0x8;
	v23 =	vld [tilespmem:s15+$0x8B40];
	v25 =	vadd.f32 v8, v22  }
0x236: {  	v13 =	vmov s25;
	v11 =	vshll.u32 v12, v0;
	v12 =	vmul.f32 v16, v2;
	s25 =	sadd.s32 $0xFFFFFF40, s2;
	v24 =	vld [tilespmem:s15+$0x8B50]  }
0x237: {  	v13 =	vshrl.u32 v13, $0x3;
	s0 =	sand.u32 $0x3FFFFFE0, s25;
	v16 =	vmul.f32 v21, v3;
	v17 =	vmul.f32 v17, v2;
	(xrf2) =	vadd.scan.msk.f32 $0xffff, v25  }
0x238: {  	s22 =	sadd.s32 $0xFFFFFF80, s2;
	v9 =	vadd.f32 v9, v12;
	v5 =	vld [tilespmem:s0+$0x8B40];
	v8 =	vbroadcast v14, $0x0;
	v12 =	vmov s24  }
0x239: {  	s15 =	sand.u32 $0x3FFFFFE0, s22;
	v14 =	vld [tilespmem:s0+$0x8B50];
	v22 =	vbroadcast v15, $0x0;
	s24 =	sadd.s32 $0xFFFFFF20, s2;
	v12 =	vshrl.u32 v12, $0x3;
	v16 =	vadd.f32 v16, v17  }
0x23a: {  	p2 =	por $0x1, $0x1;
	s29 =	smov.u32 s11;
	v15 =	vld [tilespmem:s15+$0x8B40];
	s0 =	sand.u32 $0x3FFFFFE0, s24;
	v17 =	vmul.f32 v20, v2;
	v21 =	vmul.f32 v19, v3;
	v20 =	vshll.u32 v12, v0;
	v19, _, _ =	vpop (xrf2);
	(xrf2) =	vadd.scan.msk.f32 $0xffff, v9  }
.Ltmp13:
0x23b: {  	p3 =	por $0x1, $0x1;
	s2 =	simm.s32 $0xD;
	v29 =	vadd.s32 $0x7, v20;
	v20 =	vld [tilespmem:s0+$0x8B50];
	v23 =	vmul.f32 v23, v2;
	v25 =	vmul.f32 v24, v3;
	(pc) =	sbr.rel @!p2 .LBB2_16-.Ltmp13, $4  }
0x23c: {  	s28 =	simm.s32 $0x1;
	p1 =	por $0x1, $0x1;
	s29 =	smov.u32 @p3 s12;
	v13 =	vshll.u32 v13, v0;
	v12 =	vbroadcast v6, $0x0;
	v6 =	vmov s2;
	v24 =	vld [tilespmem:s15+$0x8B50]  }
0x23d: {  	p3 =	por $0x1, $0x1;
	p0 =	por $0x1, $0x1;
	v10 =	vadd.s32 $0x2, v10;
	s25 =	simm.s32 $0xB;
	v6 =	vshrl.u32 v6, $0x3;
	(xrf2) =	vadd.scan.msk.f32 $0xffff, v7;
	v9 =	vadd.f32 v25, v23;
	v25 =	vld [tilespmem:s0+$0x8B40]  }
0x23e: {  	s22 =	simm.s32 $0xC;
	s24 =	simm.s32 $0x17;
	[tilespmem:v18+s8+$0x0] =	vst.idx.msk vm0, v19;
	v5 =	vmul.f32 v5, v2;
	v19 =	vmov s28;
	s28 =	smov.u32 s11;
	v7 =	vmul.f32 v14, v3  }
0x23f: {  	v18 =	vmov s25;
	s25 =	simm.s32 $0xE;
	v27, _, _ =	vpop (xrf2);
	s28 =	smov.u32 @p0 s12;
	v26 =	vmul.f32 v15, v2;
	(xrf2) =	vadd.scan.msk.f32 $0xffff, v28;
	p0 =	por $0x1, $0x1;
	v23 =	vbroadcast v29, $0x0  }
.LBB2_17:
0x240: {  	s15 =	sadd.s32 $0xFFFFFFF9, s24;
	s0 =	sadd.s32 s21, s29;
	s2 =	smov.u32 s11  }
0x241: {  	v14 =	vmul.f32 v20, v3;
	v15 =	vmul.f32 v24, v3;
	v20 =	vmov s25;
	[tilespmem:v22+s8+$0x0] =	vst.idx.msk vm0, v27;
	v22, _, _ =	vpop (xrf2);
	s25 =	sadd.s32 $0xFFFFFFFB, s24;
	s29 =	smov.u32 s11;
	s2 =	smov.u32 @p3 s12  }
0x242: {  	v24 =	vmul.f32 v25, v2;
	v11 =	vadd.s32 $0x4, v11;
	s28 =	sadd.s32 s21, s28;
	s0 =	sshll.u32 s0, $0x5;
	v27 =	vshrl.u32 v20, $0x3;
	s2 =	sadd.s32 s21, s2  }
0x243: {  	v17 =	vadd.f32 v21, v17;
	s29 =	smov.u32 @p1 s12;
	v25 =	vbroadcast v11, $0x0;
	v15 =	vadd.f32 v15, v26;
	s0 =	sadd.s32 $0xFFFFFFC0, s0;
	s2 =	sshll.u32 s2, $0x5;
	(xrf2) =	vadd.scan.msk.f32 $0xffff, v16  }
0x244: {  	v11 =	vmov s25;
	s25 =	sadd.s32 s21, s29;
	v16 =	vshrl.u32 v18, $0x3;
	s0 =	sand.u32 $0x3FFFFFE0, s0;
	v18 =	vshll.u32 v27, v0;
	s2 =	sand.u32 $0x3FFFFFE0, s2;
	v20, _, _ =	vpop (xrf2)  }
0x245: {  	p1 =	slt.u32 s15, $0x14;
	v11 =	vshrl.u32 v11, $0x3;
	s29 =	smov.u32 s11;
	s25 =	sshll.u32 s25, $0x5;
	v16 =	vshll.u32 v16, v0;
	v18 =	vadd.s32 $0x6, v18;
	v21 =	vld [tilespmem:s2+$0x8B50]  }
0x246: {  	v28 =	vmov s22;
	s28 =	sshll.u32 s28, $0x5;
	s29 =	smov.u32 @p1 s12;
	v11 =	vshll.u32 v11, v0;
	s22 =	sadd.s32 $0xFFFFFFE0, s25;
	v16 =	vadd.s32 $0x3, v16;
	v27 =	vld [tilespmem:s2+$0x8B40];
	(xrf2) =	vadd.scan.msk.f32 $0xffff, v15  }
0x247: {  	v14 =	vadd.f32 v14, v24;
	s25 =	sadd.s32 $0xFFFFFFA0, s28;
	s22 =	sand.u32 $0x3FFFFFE0, s22;
	s2 =	sadd.s32 s24, s29;
	v15 =	vadd.s32 $0x2, v11;
	v11 =	vshrl.u32 v28, $0x3;
	v24 =	vld [tilespmem:s0+$0x8B40];
	v26, _, _ =	vpop (xrf2)  }
0x248: {  	v19 =	vshrl.u32 v19, $0x3;
	p2 =	slt.u32 s15, $0x70;
	s25 =	sand.u32 $0x3FFFFFE0, s25;
	v28 =	vmov s15;
	s2 =	sshll.u32 s2, $0x5;
	v11 =	vshll.u32 v11, v0;
	v29 =	vld [tilespmem:s0+$0x8B50];
	[tilespmem:v23+s8+$0x0] =	vst.idx.msk vm0, v22  }
0x249: {  	v19 =	vshll.u32 v19, v0;
	v30 =	vshrl.u32 v28, $0x3;
	s0 =	sadd.s32 $0xFFFFFF20, s2;
	s28 =	sadd.s32 $0xFFFFFF40, s2;
	s29 =	sadd.s32 $0xFFFFFF60, s2;
	v23 =	vld [tilespmem:s25+$0x8B50];
	(xrf2) =	vadd.scan.msk.f32 $0xffff, v17  }
0x24a: {  	v19 =	vadd.s32 $0x1, v19;
	v28 =	vshll.u32 v30, v0;
	s2 =	sadd.s32 $0xFFFFFF80, s2;
	s15 =	sand.u32 $0x3FFFFFE0, s0;
	s0 =	sand.u32 $0x3FFFFFE0, s28;
	v17 =	vld [tilespmem:s25+$0x8B40];
	v21 =	vmul.f32 v21, v3;
	v22, _, _ =	vpop (xrf2)  }
0x24b: {  	v16 =	vbroadcast v16, $0x0;
	s2 =	sand.u32 $0x3FFFFFE0, s2;
	s28 =	smov.u32 s21;
	s25 =	sand.u32 $0x3FFFFFE0, s29;
	v30 =	vld [tilespmem:s22+$0x8B40];
	v27 =	vmul.f32 v27, v2;
	[tilespmem:v12+s8+$0x0] =	vst.idx.msk vm0, v20  }
0x24c: {  	s21 =	smov.u32 s24;
	v12 =	vld [tilespmem:s25+$0x8B50];
	v24 =	vmul.f32 v24, v2;
	(xrf2) =	vadd.scan.msk.f32 $0xffff, v9;
	[tilespmem:v8+s8+$0x0] =	vst.idx.msk vm0, v22;
	v9 =	vbroadcast v19, $0x0  }
0x24d: {  	v19 =	vld [tilespmem:s25+$0x8B40];
	v8 =	vmul.f32 v29, v3;
	v21 =	vadd.f32 v21, v27;
	v20, _, _ =	vpop (xrf2)  }
0x24e: {  	v27 =	vbroadcast v4, $0x0;
	v4 =	vmov v18;
	v22 =	vmul.f32 v23, v3;
	v23 =	vld [tilespmem:s22+$0x8B50];
	[tilespmem:v25+s8+$0x0] =	vst.idx.msk vm0, v20  }
0x24f: {  	v20 =	vld [tilespmem:s15+$0x8B50];
	v17 =	vmul.f32 v17, v2;
	v18 =	vadd.f32 v8, v24;
	(xrf2) =	vadd.scan.msk.f32 $0xffff, v21  }
0x250: {  	v5 =	vadd.f32 v7, v5;
	v29 =	vld [tilespmem:s0+$0x8B50];
	v7, _, _ =	vpop (xrf2)  }
0x251: {  	v8 =	vbroadcast v13, $0x0;
	v31 =	vld [tilespmem:s0+$0x8B40];
	[tilespmem:v16+s8+$0x0] =	vst.idx.msk vm0, v7;
	v16 =	vadd.f32 v22, v17;
	v17 =	vmul.f32 v30, v2  }
0x252: {  	v22 =	vbroadcast v10, $0x0;
	v7 =	vmov s28;
	v10 =	vmovc v15;
	v30 =	vld [tilespmem:s2+$0x8B40];
	(xrf2) =	vadd.scan.msk.f32 $0xffff, v18;
	[tilespmem:v9+s8+$0x0] =	vst.idx.msk vm0, v26  }
0x253: {  	v6 =	vshll.u32 v6, v0;
	v7 =	vshrl.u32 v7, $0x3;
	v24 =	vld [tilespmem:s2+$0x8B50];
	v21 =	vmul.f32 v23, v3;
	v9, _, _ =	vpop (xrf2)  }
.Ltmp14:
0x254: {  	v6 =	vadd.s32 $0x5, v6;
	s24 =	sadd.s32 $0x8, s24;
	s29 =	smov.u32 s11;
	v15 =	vmul.f32 v19, v2;
	v7 =	vshll.u32 v7, v0;
	v25 =	vld [tilespmem:s15+$0x8B40];
	[tilespmem:v27+s8+$0x0] =	vst.idx.msk vm0, v9;
	(pc) =	sbr.rel @p2 .LBB2_17-.Ltmp14, $4  }
0x255: {  	s25 =	sadd.s32 $0xFFFFFFFF, s21;
	v13 =	vmovc v28;
	s0 =	sadd.s32 $0xFFFFFFFC, s21;
	s2 =	sadd.s32 $0xFFFFFFFA, s28;
	v9 =	vmul.f32 v12, v3;
	v12 =	vbroadcast v6, $0x0;
	v23 =	vadd.s32 $0x7, v7;
	(xrf2) =	vadd.scan.msk.f32 $0xffff, v5  }
0x256: {  	s22 =	sadd.s32 $0xFFFFFFFD, s21;
	p1 =	slt.u32 s25, $0x14;
	v18 =	vmov s0;
	s0 =	sadd.s32 $0xFFFFFFFE, s21;
	v19 =	vmov s2;
	v5 =	vmul.f32 v31, v2;
	v27, _, _ =	vpop (xrf2)  }
0x257: {  	p3 =	slt.u32 s22, $0x14;
	p4 =	slt.u32 s0, $0x14;
	s28 =	smov.u32 s11;
	v6 =	vmov s0;
	v7 =	vmul.f32 v29, v3;
	v9 =	vadd.f32 v9, v15  }
0x258: {  	s28 =	smov.u32 @p3 s12;
	s29 =	smov.u32 @p4 s12;
	p3 =	slt.u32 s21, $0x14;
	v6 =	vshrl.u32 v6, $0x3;
	v23 =	vbroadcast v23, $0x0;
	v26 =	vmul.f32 v30, v2;
	(xrf2) =	vadd.scan.msk.f32 $0xffff, v14  }
0x259: {  	s24 =	smov.u32 s21;
	v14 =	vmov v13;
	v15 =	vmov v10  }
.LBB2_19:
0x25a: {  	s0 =	smov.u32 s11  }
0x25b: {  	s0 =	smov.u32 @p3 s12  }
0x25c: {  	s2 =	sadd.s32 s24, s29;
	s0 =	sadd.s32 s24, s0  }
0x25d: {  	s2 =	sshll.u32 s2, $0x5;
	s0 =	sshll.u32 s0, $0x5  }
0x25e: {  	s2 =	sadd.s32 $0xFFFFFFC0, s2;
	s0 =	sand.u32 $0x3FFFFFE0, s0  }
0x25f: {  	s15 =	sadd.s32 s24, s28;
	s29 =	sand.u32 $0x3FFFFFE0, s2;
	v13 =	vld [tilespmem:s0+$0x8B40]  }
0x260: {  	s11 =	smov.u32 @p1 s12;
	s21 =	sshll.u32 s15, $0x5;
	v28 =	vld [tilespmem:s29+$0x8B40]  }
0x261: {  	s11 =	sadd.s32 s24, s11;
	s2 =	sadd.s32 $0xFFFFFFA0, s21;
	v10 =	vld [tilespmem:s0+$0x8B50]  }
0x262: {  	v20 =	vmul.f32 v20, v3;
	v24 =	vmul.f32 v24, v3;
	v29 =	vmov s25;
	s25 =	sshll.u32 s11, $0x5;
	s2 =	sand.u32 $0x3FFFFFE0, s2;
	v30 =	vld [tilespmem:s29+$0x8B50]  }
0x263: {  	v25 =	vmul.f32 v25, v2;
	v18 =	vshrl.u32 v18, $0x3;
	v11 =	vadd.s32 @p0 $0x4, v11;
	v31 =	vld [tilespmem:s2+$0x8B50];
	s0 =	sadd.s32 $0xFFFFFFE0, s25  }
0x264: {  	v17 =	vadd.f32 @p0 v21, v17;
	v49 =	vmov s22;
	v48 =	vld [tilespmem:s2+$0x8B40];
	s0 =	sand.u32 $0x3FFFFFE0, s0;
	v13 =	vmul.f32 v13, v2  }
0x265: {  	[tilespmem:v22+s8+$0x0] =	vst.idx.msk @p0 vm0, v27;
	v19 =	vshrl.u32 @p0 v19, $0x3;
	v5 =	vadd.f32 v7, v5;
	v24 =	vadd.f32 v24, v26;
	v50 =	vld [tilespmem:s0+$0x8B40]  }
0x266: {  	(xrf2) =	vadd.scan.msk.f32 @p0 $0xffff, v16;
	v57 =	vmov s24;
	v4 =	vbroadcast @p0 v4, $0x0;
	v53 =	vld [tilespmem:s0+$0x8B50];
	v10 =	vmul.f32 v10, v3  }
0x267: {  	v6 =	vshll.u32 v6, v0;
	(xrf2) =	vadd.scan.msk.f32 $0xffff, v24;
	v51 =	vmul.f32 v28, v2;
	v52 =	vmul.f32 v30, v3  }
0x268: {  	v18 =	vshll.u32 v18, v0;
	v11 =	vbroadcast @p0 v11, $0x0;
	(xrf2) =	vadd.scan.msk.f32 @p0 $0xffff, v17;
	v10 =	vadd.f32 v10, v13;
	v13, _, _ =	vpop @p0 (xrf2)  }
0x269: {  	v22 =	vadd.f32 v52, v51;
	(xrf2) =	vadd.scan.msk.f32 $0xffff, v9;
	[tilespmem:v23+s8+$0x0] =	vst.idx.msk @p0 vm0, v13;
	v13 =	vshll.u32 @p0 v19, v0  }
0x26a: {  	v18 =	vadd.s32 $0x3, v18;
	v54 =	vmul.f32 v31, v3;
	v55 =	vmul.f32 v48, v2;
	(xrf2) =	vadd.scan.msk.f32 $0xffff, v10  }
0x26b: {  	v20 =	vadd.f32 v20, v25;
	v2 =	vmul.f32 v50, v2;
	v3 =	vmul.f32 v53, v3;
	(xrf2) =	vadd.scan.msk.f32 $0xffff, v22  }
0x26c: {  	v56 =	vbroadcast v18, $0x0;
	v9 =	vadd.f32 v54, v55;
	v7 =	vadd.s32 @p0 $0x1, v13;
	v13, _, _ =	vpop @p0 (xrf2);
	(xrf2) =	vadd.scan.msk.f32 $0xffff, v5  }
0x26d: {  	v58 =	vshrl.u32 v57, $0x3;
	v2 =	vadd.f32 v3, v2;
	v7 =	vbroadcast @p0 v7, $0x0;
	v5, _, _ =	vpop @p0 (xrf2);
	(xrf2) =	vadd.scan.msk.f32 $0xffff, v20  }
0x26e: {  	s28 =	sadd.s32 $0xFFFFFFFA, s24;
	v16 =	vshrl.u32 v49, $0x3;
	v6 =	vadd.s32 $0x5, v6;
	[tilespmem:v12+s8+$0x0] =	vst.idx.msk @p0 vm0, v13;
	v12 =	vshll.u32 v58, v0  }
0x26f: {  	v60 =	vmov s28;
	v3 =	vbroadcast v15, $0x0;
	v13, _, _ =	vpop @p0 (xrf2);
	(xrf2) =	vadd.scan.msk.f32 $0xffff, v9;
	v59 =	vadd.s32 $0x7, v12  }
0x270: {  	v62 =	vshrl.u32 v60, $0x3;
	[tilespmem:v8+s8+$0x0] =	vst.idx.msk @p0 vm0, v13;
	v9, _, _ =	vpop @p0 (xrf2);
	v8 =	vbroadcast v59, $0x0;
	(xrf2) =	vadd.scan.msk.f32 $0xffff, v2  }
0x271: {  	v63 =	vbroadcast v14, $0x0;
	v6 =	vbroadcast v6, $0x0;
	v2, _, _ =	vpop (xrf2);
	[tilespmem:v11+s8+$0x0] =	vst.idx.msk @p0 vm0, v9;
	v9 =	vshll.u32 v62, v0  }
0x272: {  	v29 =	vshrl.u32 v29, $0x3;
	v61 =	vshll.u32 v16, v0;
	v11, _, _ =	vpop @p0 (xrf2);
	[tilespmem:v56+s8+$0x0] =	vst.idx.msk vm0, v2;
	v18 =	vadd.s32 $0x1, v9  }
0x273: {  	v17 =	vshll.u32 v29, v0;
	v2 =	vadd.s32 $0x4, v61;
	[tilespmem:v7+s8+$0x0] =	vst.idx.msk @p0 vm0, v5;
	v16, _, _ =	vpop (xrf2);
	v21 =	vbroadcast v18, $0x0  }
0x274: {  	v20 =	vadd.s32 $0x6, v17;
	v2 =	vbroadcast v2, $0x0;
	[tilespmem:v4+s8+$0x0] =	vst.idx.msk @p0 vm0, v11;
	v19, _, _ =	vpop (xrf2)  }
0x275: {  	[tilespmem:v3+s8+$0x0] =	vst.idx.msk vm0, v16;
	v3 =	vbroadcast v20, $0x0;
	v22, _, _ =	vpop (xrf2)  }
0x276: {  	[tilespmem:v8+s8+$0x0] =	vst.idx.msk vm0, v19;
	v23, _, _ =	vpop (xrf2)  }
0x277: {  	[tilespmem:v6+s8+$0x0] =	vst.idx.msk vm0, v22;
	v24, _, _ =	vpop (xrf2)  }
0x278: {  	[tilespmem:v63+s8+$0x0] =	vst.idx.msk vm0, v24  }
0x279: {  	v25, _, _ =	vpop (xrf2);
	[tilespmem:v21+s8+$0x0] =	vst.idx.msk vm0, v23  }
0x27a: {  	[tilespmem:v2+s8+$0x0] =	vst.idx.msk vm0, v25;
	v2, _, _ =	vpop (xrf2)  }
0x27b: {  	[tilespmem:v3+s8+$0x0] =	vst.idx.msk vm0, v2  }
0x27c: {  	v2 =	vld [tilespmem:$0x10540];
	_ =	sdelay $0x4  }
0x27d: {  	v3 =	vand.u32 $0x7FFFFFFF, v2  }
0x27e: {  	v3 =	vsub.f32 $0.0e+00, v3;
	_ =	sdelay $0x1  }
0x27f: {  	v3 =	vmul.f32 $1.442695020e+00, v3;
	_ =	sdelay $0x1  }
0x280: {  	(erf) = vpow2.f32 v3  }
0x281: {  	v3 =	vld [tilespmem:$0x10550];
	_ =	sdelay $0x4  }
0x282: {  	v3 =	vmul.f32 v1, v3;
	_ =	sdelay $0x1  }
0x283: {  	v26 =	vand.u32 $0x7FFFFFFF, v3  }
0x284: {  	v4 =	vsub.f32 $0.0e+00, v26;
	v27 =	vpop (erf)  }
0x285: {  	v28 =	vadd.f32 $2.000000000e+00, v27  }
0x286: {  	v4 =	vmul.f32 $1.442695020e+00, v4  }
0x287: {  	(erf) = vrcp.f32 v28  }
0x288: {  	(erf) = vpow2.f32 v4  }
0x289: {  	v29 =	vld [tilespmem:$0x10560];
	_ =	sdelay $0x4  }
0x28a: {  	v4 =	vsub.f32 $0.0e+00, v29;
	_ =	sdelay $0x1  }
0x28b: {  	v30 =	vand.u32 $0x7FFFFFFF, v4;
	v6 =	vpop (erf)  }
0x28c: {  	v7 =	vsub.f32 $0.0e+00, v30;
	v31 =	vpop (erf)  }
0x28d: {  	v32 =	vadd.f32 $2.000000000e+00, v31  }
0x28e: {  	v7 =	vmul.f32 $1.442695020e+00, v7  }
0x28f: {  	(erf) = vrcp.f32 v32  }
0x290: {  	(erf) = vpow2.f32 v7  }
0x291: {  	v33 =	vld [tilespmem:$0x10570];
	_ =	sdelay $0x4  }
0x292: {  	v7 =	vsub.f32 $0.0e+00, v33;
	_ =	sdelay $0x1  }
0x293: {  	v34 =	vand.u32 $0x7FFFFFFF, v7;
	v9 =	vpop (erf)  }
0x294: {  	v10 =	vsub.f32 $0.0e+00, v34;
	v35 =	vpop (erf)  }
0x295: {  	v36 =	vadd.f32 $2.000000000e+00, v35  }
0x296: {  	v10 =	vmul.f32 $1.442695020e+00, v10  }
0x297: {  	(erf) = vrcp.f32 v36  }
0x298: {  	(erf) = vpow2.f32 v10  }
0x299: {  	v37 =	vld [tilespmem:$0x10580];
	_ =	sdelay $0x4  }
0x29a: {  	v10 =	vsub.f32 $0.0e+00, v37;
	_ =	sdelay $0x1  }
0x29b: {  	v38 =	vand.u32 $0x7FFFFFFF, v10;
	v12 =	vpop (erf)  }
0x29c: {  	v13 =	vsub.f32 $0.0e+00, v38;
	v39 =	vpop (erf)  }
0x29d: {  	v40 =	vadd.f32 $2.000000000e+00, v39  }
0x29e: {  	v13 =	vmul.f32 $1.442695020e+00, v13  }
0x29f: {  	(erf) = vrcp.f32 v40  }
0x2a0: {  	(erf) = vpow2.f32 v13  }
0x2a1: {  	v41 =	vld [tilespmem:$0x10590];
	_ =	sdelay $0x4  }
0x2a2: {  	v13 =	vsub.f32 $0.0e+00, v41;
	_ =	sdelay $0x1  }
0x2a3: {  	v42 =	vand.u32 $0x7FFFFFFF, v13;
	v15 =	vpop (erf)  }
0x2a4: {  	v16 =	vsub.f32 $0.0e+00, v42;
	v43 =	vpop (erf)  }
0x2a5: {  	v44 =	vadd.f32 $2.000000000e+00, v43  }
0x2a6: {  	v16 =	vmul.f32 $1.442695020e+00, v16  }
0x2a7: {  	(erf) = vrcp.f32 v44  }
0x2a8: {  	(erf) = vpow2.f32 v16  }
0x2a9: {  	v45 =	vld [tilespmem:$0x105A0];
	_ =	sdelay $0x4  }
0x2aa: {  	v16 =	vsub.f32 $0.0e+00, v45;
	_ =	sdelay $0x1  }
0x2ab: {  	v46 =	vand.u32 $0x7FFFFFFF, v16;
	v18 =	vpop (erf)  }
0x2ac: {  	v19 =	vsub.f32 $0.0e+00, v46;
	v47 =	vpop (erf)  }
0x2ad: {  	v48 =	vadd.f32 $2.000000000e+00, v47  }
0x2ae: {  	v19 =	vmul.f32 $1.442695020e+00, v19  }
0x2af: {  	(erf) = vrcp.f32 v48  }
0x2b0: {  	(erf) = vpow2.f32 v19  }
0x2b1: {  	v49 =	vld [tilespmem:$0x105B0];
	_ =	sdelay $0x4  }
0x2b2: {  	v19 =	vsub.f32 $0.0e+00, v49;
	_ =	sdelay $0x1  }
0x2b3: {  	v50 =	vand.u32 $0x7FFFFFFF, v19;
	v21 =	vpop (erf)  }
0x2b4: {  	v22 =	vsub.f32 $0.0e+00, v50;
	v51 =	vpop (erf)  }
0x2b5: {  	v5 =	vmul.f32 v6, v27;
	v52 =	vadd.f32 $2.000000000e+00, v51  }
0x2b6: {  	v8 =	vmul.f32 v9, v31;
	v53 =	vmul.f32 $1.442695020e+00, v22  }
0x2b7: {  	v54 =	vmul.f32 v5, v5;
	(erf) = vrcp.f32 v52  }
0x2b8: {  	v55 =	vmul.f32 v8, v8;
	(erf) = vpow2.f32 v53  }
0x2b9: {  	v56 =	vmul.f32 $1.428571490e-01, v54  }
0x2ba: {  	v57 =	vmul.f32 $1.428571490e-01, v55  }
0x2bb: {  	v9 =	vadd.f32 $2.000000030e-01, v56;
	v11 =	vmul.f32 v12, v35  }
0x2bc: {  	v58 =	vadd.f32 $2.000000030e-01, v57  }
0x2bd: {  	v9 =	vmul.f32 v9, v54;
	v59 =	vmul.f32 v11, v11  }
0x2be: {  	v12 =	vmul.f32 v58, v55  }
0x2bf: {  	v9 =	vadd.f32 $3.333333430e-01, v9;
	v60 =	vmul.f32 $1.428571490e-01, v59  }
0x2c0: {  	v12 =	vadd.f32 $3.333333430e-01, v12;
	v61 =	vpop (erf)  }
0x2c1: {  	v9 =	vmul.f32 v9, v54;
	v62 =	vadd.f32 $2.000000030e-01, v60;
	v63 =	vpop (erf)  }
0x2c2: {  	v5 =	vadd.f32 v5, v5;
	v6 =	vmul.f32 v12, v55;
	v29 =	vadd.f32 $2.000000000e+00, v63  }
0x2c3: {  	v8 =	vadd.f32 v8, v8;
	v9 =	vadd.f32 $1.000000000e+00, v9;
	v30 =	vmul.f32 v62, v59  }
0x2c4: {  	v6 =	vadd.f32 $1.000000000e+00, v6;
	v28 =	vmul.f32 v15, v39;
	(erf) = vrcp.f32 v29  }
0x2c5: {  	v5 =	vmul.f32 v9, v5;
	v32 =	vadd.f32 $3.333333430e-01, v30  }
0x2c6: {  	v2 =	vmin.f32 v2, $0.0e+00;
	v34 =	vmul.f32 v6, v8;
	v31 =	vmul.f32 v28, v28  }
0x2c7: {  	v3 =	vmin.f32 v3, $0.0e+00;
	v2 =	vsub.f32 v2, v5;
	v35 =	vmul.f32 v32, v59  }
0x2c8: {  	v3 =	vsub.f32 v3, v34;
	v33 =	vmul.f32 $1.428571490e-01, v31;
	v37 =	vmul.f32 v18, v43  }
0x2c9: {  	v39 =	vadd.f32 v11, v11;
	v38 =	vadd.f32 $1.000000000e+00, v35  }
0x2ca: {  	v36 =	vadd.f32 $2.000000030e-01, v33;
	v40 =	vmul.f32 v37, v37  }
0x2cb: {  	v2 =	vadd.f32 v3, v2;
	v5 =	vmul.f32 v38, v39;
	v3 =	vmul.f32 v21, v47  }
0x2cc: {  	v8 =	vmul.f32 v36, v31;
	v42 =	vmul.f32 $1.428571490e-01, v40  }
0x2cd: {  	v4 =	vmin.f32 v4, $0.0e+00;
	v43 =	vmul.f32 v3, v3;
	v44 =	vmul.f32 v61, v51;
	v45 =	vpop (erf)  }
0x2ce: {  	v41 =	vadd.f32 $3.333333430e-01, v8;
	v8 =	vadd.f32 $2.000000030e-01, v42;
	v17 =	vmul.f32 v45, v63  }
0x2cf: {  	v12 =	vadd.f32 v28, v28;
	v46 =	vmul.f32 $1.428571490e-01, v43;
	v47 =	vmul.f32 v44, v44  }
0x2d0: {  	v4 =	vsub.f32 v4, v5;
	v8 =	vmul.f32 v8, v40;
	v48 =	vmul.f32 v17, v17  }
0x2d1: {  	v6 =	vmul.f32 v41, v31;
	v49 =	vadd.f32 $2.000000030e-01, v46;
	v50 =	vmul.f32 $1.428571490e-01, v47  }
0x2d2: {  	v2 =	vadd.f32 v4, v2;
	v8 =	vadd.f32 $3.333333430e-01, v8;
	v51 =	vmul.f32 $1.428571490e-01, v48  }
0x2d3: {  	v6 =	vadd.f32 $1.000000000e+00, v6;
	v4 =	vmul.f32 v49, v43;
	v5 =	vadd.f32 $2.000000030e-01, v50  }
0x2d4: {  	v7 =	vmin.f32 v7, $0.0e+00;
	v8 =	vmul.f32 v8, v40;
	v52 =	vadd.f32 $2.000000030e-01, v51  }
0x2d5: {  	v6 =	vmul.f32 v6, v12;
	v4 =	vadd.f32 $3.333333430e-01, v4;
	v5 =	vmul.f32 v5, v47  }
0x2d6: {  	v9 =	vadd.f32 v37, v37;
	v8 =	vadd.f32 $1.000000000e+00, v8;
	v11 =	vmul.f32 v52, v48  }
0x2d7: {  	v6 =	vsub.f32 v7, v6;
	v4 =	vmul.f32 v4, v43;
	v5 =	vadd.f32 $3.333333430e-01, v5  }
0x2d8: {  	v3 =	vadd.f32 v3, v3;
	v8 =	vmul.f32 v8, v9;
	v54 =	vadd.f32 $3.333333430e-01, v11  }
0x2d9: {  	v53 =	vmin.f32 v10, $0.0e+00;
	v4 =	vadd.f32 $1.000000000e+00, v4;
	v5 =	vmul.f32 v5, v47  }
0x2da: {  	v2 =	vadd.f32 v6, v2;
	v55 =	vsub.f32 v53, v8;
	v56 =	vmul.f32 v54, v48  }
0x2db: {  	v58 =	vadd.f32 v44, v44;
	v3 =	vmul.f32 v4, v3;
	v57 =	vadd.f32 $1.000000000e+00, v5  }
0x2dc: {  	v59 =	vmin.f32 v13, $0.0e+00;
	v60 =	vmul.f32 $-2.000000000e+00, v17;
	v7 =	vadd.f32 $1.000000000e+00, v56  }
0x2dd: {  	v2 =	vadd.f32 v55, v2;
	v3 =	vsub.f32 v59, v3;
	v4 =	vmul.f32 v57, v58  }
0x2de: {  	v61 =	vmin.f32 v16, $0.0e+00;
	v62 =	vmul.f32 v7, v60  }
0x2df: {  	v2 =	vadd.f32 v3, v2;
	v63 =	vmin.f32 v19, $0.0e+00;
	v3 =	vsub.f32 v61, v4  }
0x2e0: {  	v4 =	vadd.f32 v62, v63  }
0x2e1: {  	v2 =	vadd.f32 v3, v2  }
0x2e2: {  	v3 =	vnsel vm1, $0x0, v4  }
0x2e3: {  	v2 =	vadd.f32 v3, v2;
	_ =	sdelay $0x1  }
0x2e4: {  	v2 =	vsub.f32 $0.0e+00, v2;
	_ =	sdelay $0x1  }
0x2e5: {  	(xrf2) =	vadd.scan.msk.f32 $0xffff, v2;
	_ =	sdelay $0x4  }
0x2e6: {  	s29 =	sor.u32 s16, s17;
	s17 =	sadd.s32 $0x1, s17  }
0x2e7: {  	p0 =	sne.s32 s17, $0x8;
	v2 =	vmov s29  }
.Ltmp15:
0x2e8: {  	_ = 	snop;
	(pc) =	sbr.rel @p0 .LBB2_13-.Ltmp15, $4  }
.Ltmp16:
0x2e9: {  	_ = 	snop;
	(pc) =	sbr.rel @!p0 .LBB2_20-.Ltmp16, $4  }
0x2ea: {  	_ = 	snop  }
0x2eb: {  	v3, _, _ =	vpop (xrf2)  }
0x2ec: {  	[tilespmem:v2+s9+$0x0] =	vst.idx.msk vm0, v3  }
0x2ed: {  	_ = 	snop  }
.LBB2_14:
.Ltmp17:
0x2ee: {  	(pc) =	sbr.rel .LBB2_19-.Ltmp17, $2  }
0x2ef: {  	_ =	sdelay $0x2  }
0x2f0: {  	_ = 	snop  }
.LBB2_16:
.Ltmp18:
0x2f1: {  	(pc) =	sbr.rel .LBB2_19-.Ltmp18, $2  }
0x2f2: {  	_ =	sdelay $0x2  }
0x2f3: {  	s24 =	simm.s32 $0xF;
	v14 =	vmov v13;
	v15 =	vmov v10  }
.LBB2_22:
0x2f4: {  	_ =	sfence.sel $0x180000  }
0x2f5: {  	[bflag:$0x0] =	sbarrier.arrive $0xFFFF  }
0x2f6: {  	_ =	strace $0x90000047  }
0x2f7: {  	s0 =	stileid.u32;
	[bflag:$0x2] =	sbarrier.arrive $0xFFFF  }
0x2f8: {  	p0 =	sne.s32 s0, $0x0;
	s0 =	rddreg [dreg:$0x2]  }
0x2f9: {  	s0 =	sadd.s32 @!p0 $0x100000, s0  }
0x2fa: {  	[sflag:s0] =	ssyncadd.tile.s32 @!p0 $0x1;
	_ =	shalt  }
.Lfunc_end2:
_tile_overlayer_lowered:
.L_overlay_start_2:
0x2fb: {  	(tag) =	ssettag $0x2  }
0x2fc: {  	s0 =	rddreg [dreg:$0x0];
	s2 =	stileid.u32  }
0x2fd: {  	s1 =	rddreg [dreg:$0x1];
	p0 =	sne.s32 s2, $0x0  }
0x2fe: {  	s3 =	rddreg [dreg:$0x2];
	[bflag:$0x3] =	sbarrier.arrive $0xFFFF;
	s2 =	simm.s32 @!p0 $0x1C05  }
0x2ff: {  	[timem:s3], [sflag:s2] =	dma.local @!p0 [hbm:s0], s1  }
0x300: {  	s0 =	simm.s32 @!p0 $0x5  }
0x301: {  	_ =	swait.ge @!p0 [sflag:s0], s1  }
0x302: {  	s1 =	ssub.s32 @!p0 $0x0, s1;
	[sflag:s0] =	ssyncset.done @!p0 $0x0  }
0x303: {  	[sflag:s0] =	ssyncadd.s32 @!p0 s1  }
0x304: {  	[bflag:$0x3] =	sbarrier.arrive $0xFFFF  }
0x305: {  	_ =	shalt  }

</sc_bundles>
